<compile_context>
chip_gen: v7x
topology: tpu7x:2x2x1
jax: 0.10.2.dev20260603
libtpu: 0.0.44.dev20260713+nightly
codegen_flags: <defaults>
</compile_context>

<pallas_src>
import functools

import jax
import jax.numpy as jnp
from jax import lax
from jax.experimental import pallas as pl
from jax.experimental.pallas import tpu as pltpu
from jax.experimental.pallas import tpu_sc as plsc

NUM_CLS = 1000000
EMB_DIM = 16
BATCH = 16384
HIST = 200

NC = 2
NS = 16
NW = NC * NS
BW = BATCH // NW
HCH = 2
NCHUNK = HIST // HCH
NBUF = 2
LANES = 16

_mesh = plsc.VectorSubcoreMesh(core_axis_name="c", subcore_axis_name="s")


@functools.partial(
    pl.kernel,
    out_type=jax.ShapeDtypeStruct(
        (HIST, EMB_DIM // 8, BATCH // 128, 8, 128), jnp.float32),
    mesh=_mesh,
    scratch_types=[
        pltpu.VMEM((HCH, BW), jnp.int32),
        pltpu.VMEM((HCH, BW), jnp.int32),
        pltpu.VMEM((HCH * BW, EMB_DIM), jnp.float32),
        pltpu.VMEM((HCH * BW, EMB_DIM), jnp.float32),
        pltpu.VMEM((HCH, EMB_DIM // 8, BW // 128, 8, 128), jnp.float32),
        pltpu.VMEM((HCH, EMB_DIM // 8, BW // 128, 8, 128), jnp.float32),
        pltpu.SemaphoreType.DMA,
        pltpu.SemaphoreType.DMA,
        pltpu.SemaphoreType.DMA,
        pltpu.SemaphoreType.DMA,
        pltpu.SemaphoreType.DMA,
        pltpu.SemaphoreType.DMA,
    ],
    compiler_params=pltpu.CompilerParams(
        use_tc_tiling_on_sc=False, needs_layout_passes=False),
)
def _sc_gather(idx_hbm, emb_hbm, out_hbm,
               idx_v0, idx_v1, rows_v0, rows_v1, trows_v0, trows_v1,
               s_i0, s_i1, s_g0, s_g1, s_o0, s_o1):
    wid = lax.axis_index("s") * NC + lax.axis_index("c")
    b0 = pl.multiple_of(wid * BW, BW)
    idx_bufs = (idx_v0, idx_v1)
    row_bufs = (rows_v0, rows_v1)
    trow_bufs = (trows_v0, trows_v1)
    s_i = (s_i0, s_i1)
    s_g = (s_g0, s_g1)
    s_o = (s_o0, s_o1)

    lane_iota = lax.iota(jnp.int32, LANES)
    e_splats = [jnp.full((LANES,), e, jnp.int32) for e in range(EMB_DIM)]

    def start_idx(g, b):
        h0 = pl.multiple_of(g * HCH, HCH)
        pltpu.async_copy(
            idx_hbm.at[pl.ds(h0, HCH), pl.ds(b0, BW)], idx_bufs[b], s_i[b])

    def wait_idx(b):
        pltpu.make_async_copy(
            idx_hbm.at[pl.ds(0, HCH), pl.ds(0, BW)], idx_bufs[b], s_i[b]).wait()

    def wait_out(b):
        pltpu.make_async_copy(
            trow_bufs[b],
            out_hbm.at[pl.ds(0, HCH), :, pl.ds(0, BW // 128)],
            s_o[b]).wait()

    def fire_gathers(b):
        for hh in range(HCH):
            pltpu.async_copy(
                emb_hbm.at[idx_bufs[b].at[hh]],
                row_bufs[b].at[pl.ds(hh * BW, BW)],
                s_g[b],
            )

    def drain_gathers(b):
        for hh in range(HCH):
            pltpu.make_async_copy(
                emb_hbm.at[idx_bufs[b].at[hh]],
                row_bufs[b].at[pl.ds(hh * BW, BW)],
                s_g[b],
            ).wait()

    def transpose(b):
        @plsc.parallel_loop(0, BW // LANES, 1, unroll=4)
        def _(i):
            base = pl.multiple_of(i * LANES, LANES)
            bt = i // 8
            bg = pl.multiple_of((i % 8) * LANES, LANES)
            for hh in range(HCH):
                row_idx = hh * BW + base + lane_iota
                for e in range(EMB_DIM):
                    vec = plsc.load_gather(
                        row_bufs[b], [row_idx, e_splats[e]])
                    trow_bufs[b][hh, e // 8, bt, e % 8,
                                 pl.ds(bg, LANES)] = vec

    def start_out(g, b):
        h0 = pl.multiple_of(g * HCH, HCH)
        pltpu.async_copy(
            trow_bufs[b],
            out_hbm.at[pl.ds(h0, HCH), :,
                       pl.ds(wid * (BW // 128), BW // 128)],
            s_o[b])

    start_idx(0, 0)
    start_idx(1, 1)
    wait_idx(0)
    fire_gathers(0)

    def outer(t, carry):
        for b in range(NBUF):
            g = t * NBUF + b
            bn = 1 - b

            @pl.when(g + 1 < NCHUNK)
            def _():
                wait_idx(bn)
                fire_gathers(bn)

            drain_gathers(b)

            @pl.when(t > 0)
            def _():
                wait_out(b)

            transpose(b)
            start_out(g, b)

            @pl.when(g + NBUF < NCHUNK)
            def _():
                start_idx(g + NBUF, b)
        return carry

    lax.fori_loop(0, NCHUNK // NBUF, outer, 0)
    wait_out(0)
    wait_out(1)


def kernel(idx, emb):
    idx_t = jnp.swapaxes(idx.astype(jnp.int32), 0, 1)
    out5 = _sc_gather(idx_t, emb)
    return jnp.transpose(out5, (2, 4, 0, 1, 3)).reshape(BATCH, HIST, EMB_DIM)

# --- scband reference (transcript-rebuilt; emitter-appended) ---
"""Pipeline reference for scband-target-tokenizer-43739946942572 (READ-ONLY COPY).

The authoritative reference and input builder live on the scoring server;
editing this copy changes nothing except your own understanding.
"""

import jax, jax.numpy as jnp
import numpy as np
import math

NUM_CLS = 1000000
EMB_DIM = 16
BATCH = 16384
HIST = 200

def setup_inputs(seed: int = 0) -> dict:
    key = jax.random.key(seed)
    k_idx, k_emb = jax.random.split(key)
    idx = jax.random.randint(k_idx, (BATCH, HIST), 0, NUM_CLS, dtype=jnp.int64 if jax.config.jax_enable_x64 else jnp.int32)
    std = 1.0 / math.sqrt(EMB_DIM)
    emb = jax.random.uniform(k_emb, (NUM_CLS, EMB_DIM), dtype=jnp.float32, minval=-std, maxval=std)
    return {"idx": idx, "emb": emb}

def reference(idx, emb):
    # TargetTokenizer.forward: return self.emb[idx]
    return jnp.take(emb, idx, axis=0)

if __name__ == "__main__":
    import jax
    _d = setup_inputs()
    print(jax.jit(kernel)(*tuple(_d.values())))

</pallas_src>

<mosaic_0001>
#map = affine_map<(d0, d1) -> (0, 0)>
#map1 = affine_map<(d0, d1) -> (0, 0, 0, 0, 0)>
module attributes {stable_mosaic.version = 14 : i64} {
  func.func @_sc_gather(%arg0: i32, %arg1: i32, %arg2: memref<200x16384xi32, #tpu.memory_space<hbm>>, %arg3: memref<1000000x16xf32, #tpu.memory_space<hbm>>, %arg4: memref<200x2x128x8x128xf32, #tpu.memory_space<hbm>>, %arg5: memref<2x512xi32, #tpu.memory_space<vmem>>, %arg6: memref<2x512xi32, #tpu.memory_space<vmem>>, %arg7: memref<1024x16xf32, #tpu.memory_space<vmem>>, %arg8: memref<1024x16xf32, #tpu.memory_space<vmem>>, %arg9: memref<2x2x4x8x128xf32, #tpu.memory_space<vmem>>, %arg10: memref<2x2x4x8x128xf32, #tpu.memory_space<vmem>>, %arg11: memref<!tpu.dma_semaphore, #tpu.memory_space<semaphore_mem>>, %arg12: memref<!tpu.dma_semaphore, #tpu.memory_space<semaphore_mem>>, %arg13: memref<!tpu.dma_semaphore, #tpu.memory_space<semaphore_mem>>, %arg14: memref<!tpu.dma_semaphore, #tpu.memory_space<semaphore_mem>>, %arg15: memref<!tpu.dma_semaphore, #tpu.memory_space<semaphore_mem>>, %arg16: memref<!tpu.dma_semaphore, #tpu.memory_space<semaphore_mem>>) attributes {dimension_semantics = [#tpu.dimension_semantics<core_parallel>, #tpu.dimension_semantics<subcore_parallel>], iteration_bounds = array<i64: 2, 16>, scalar_prefetch = 0 : i64, scratch_operands = 12 : i64, tpu.core_type = #tpu.core_type<sc_vector_subcore>, window_params = [{transform_indices = #map}, {transform_indices = #map}, {transform_indices = #map1}]} {
    %mul3A = arith.constant 2 : i32
    %mul3A_0 = arith.muli %arg1, %mul3A : i32
    %add3A = arith.addi %mul3A_0, %arg0 : i32
    %mul3A_1 = arith.constant 512 : i32
    %mul3A_2 = arith.muli %add3A, %mul3A_1 : i32
    %multiple_of3A = tpu.assume_multiple %mul3A_2, 512 : i32
    %iota3A = tpu.iota {dimensions = array<i32: 0>} : vector<16xi32>
    %broadcast_in_dim3A = arith.constant 0 : i32
    %broadcast_in_dim3A_3 = vector.broadcast %broadcast_in_dim3A : i32 to vector<16xi32>
    %broadcast_in_dim3A_4 = arith.constant 1 : i32
    %broadcast_in_dim3A_5 = vector.broadcast %broadcast_in_dim3A_4 : i32 to vector<16xi32>
    %broadcast_in_dim3A_6 = arith.constant 2 : i32
    %broadcast_in_dim3A_7 = vector.broadcast %broadcast_in_dim3A_6 : i32 to vector<16xi32>
    %broadcast_in_dim3A_8 = arith.constant 3 : i32
    %broadcast_in_dim3A_9 = vector.broadcast %broadcast_in_dim3A_8 : i32 to vector<16xi32>
    %broadcast_in_dim3A_10 = arith.constant 4 : i32
    %broadcast_in_dim3A_11 = vector.broadcast %broadcast_in_dim3A_10 : i32 to vector<16xi32>
    %broadcast_in_dim3A_12 = arith.constant 5 : i32
    %broadcast_in_dim3A_13 = vector.broadcast %broadcast_in_dim3A_12 : i32 to vector<16xi32>
    %broadcast_in_dim3A_14 = arith.constant 6 : i32
    %broadcast_in_dim3A_15 = vector.broadcast %broadcast_in_dim3A_14 : i32 to vector<16xi32>
    %broadcast_in_dim3A_16 = arith.constant 7 : i32
    %broadcast_in_dim3A_17 = vector.broadcast %broadcast_in_dim3A_16 : i32 to vector<16xi32>
    %broadcast_in_dim3A_18 = arith.constant 8 : i32
    %broadcast_in_dim3A_19 = vector.broadcast %broadcast_in_dim3A_18 : i32 to vector<16xi32>
    %broadcast_in_dim3A_20 = arith.constant 9 : i32
    %broadcast_in_dim3A_21 = vector.broadcast %broadcast_in_dim3A_20 : i32 to vector<16xi32>
    %broadcast_in_dim3A_22 = arith.constant 10 : i32
    %broadcast_in_dim3A_23 = vector.broadcast %broadcast_in_dim3A_22 : i32 to vector<16xi32>
    %broadcast_in_dim3A_24 = arith.constant 11 : i32
    %broadcast_in_dim3A_25 = vector.broadcast %broadcast_in_dim3A_24 : i32 to vector<16xi32>
    %broadcast_in_dim3A_26 = arith.constant 12 : i32
    %broadcast_in_dim3A_27 = vector.broadcast %broadcast_in_dim3A_26 : i32 to vector<16xi32>
    %broadcast_in_dim3A_28 = arith.constant 13 : i32
    %broadcast_in_dim3A_29 = vector.broadcast %broadcast_in_dim3A_28 : i32 to vector<16xi32>
    %broadcast_in_dim3A_30 = arith.constant 14 : i32
    %broadcast_in_dim3A_31 = vector.broadcast %broadcast_in_dim3A_30 : i32 to vector<16xi32>
    %broadcast_in_dim3A_32 = arith.constant 15 : i32
    %broadcast_in_dim3A_33 = vector.broadcast %broadcast_in_dim3A_32 : i32 to vector<16xi32>
    %multiple_of3A_34 = arith.constant 0 : i32
    %multiple_of3A_35 = tpu.assume_multiple %multiple_of3A_34, 2 : i32
    %dma_start3A = tpu.memref_slice %arg2[%multiple_of3A_35, %multiple_of3A] : memref<200x16384xi32, #tpu.memory_space<hbm>> -> memref<2x512xi32, #tpu.memory_space<hbm>>
    %dma_start3A_36 = tpu.memref_slice %arg2[%multiple_of3A_35, %multiple_of3A] : memref<200x16384xi32, #tpu.memory_space<hbm>> -> memref<2x512xi32, #tpu.memory_space<hbm>>
    tpu.enqueue_dma source(%dma_start3A_36 : memref<2x512xi32, #tpu.memory_space<hbm>>) target(%arg5 : memref<2x512xi32, #tpu.memory_space<vmem>>) target_semaphore(%arg11 : memref<!tpu.dma_semaphore, #tpu.memory_space<semaphore_mem>>)
    %multiple_of3A_37 = arith.constant 2 : i32
    %multiple_of3A_38 = tpu.assume_multiple %multiple_of3A_37, 2 : i32
    %dma_start3A_39 = tpu.memref_slice %arg2[%multiple_of3A_38, %multiple_of3A] : memref<200x16384xi32, #tpu.memory_space<hbm>> -> memref<2x512xi32, #tpu.memory_space<hbm>>
    %dma_start3A_40 = tpu.memref_slice %arg2[%multiple_of3A_38, %multiple_of3A] : memref<200x16384xi32, #tpu.memory_space<hbm>> -> memref<2x512xi32, #tpu.memory_space<hbm>>
    tpu.enqueue_dma source(%dma_start3A_40 : memref<2x512xi32, #tpu.memory_space<hbm>>) target(%arg6 : memref<2x512xi32, #tpu.memory_space<vmem>>) target_semaphore(%arg12 : memref<!tpu.dma_semaphore, #tpu.memory_space<semaphore_mem>>)
    %dma_wait3A = arith.constant 0 : i32
    %dma_wait3A_41 = arith.constant 0 : i32
    %dma_wait3A_42 = tpu.memref_slice %arg2[%dma_wait3A, %dma_wait3A_41] : memref<200x16384xi32, #tpu.memory_space<hbm>> -> memref<2x512xi32, #tpu.memory_space<hbm>>
    %dma_wait3A_43 = arith.constant 0 : i32
    %dma_wait3A_44 = arith.constant 0 : i32
    %dma_wait3A_45 = tpu.memref_slice %arg2[%dma_wait3A_43, %dma_wait3A_44] : memref<200x16384xi32, #tpu.memory_space<hbm>> -> memref<2x512xi32, #tpu.memory_space<hbm>>
    tpu.wait_dma2 semaphore(%arg11 : memref<!tpu.dma_semaphore, #tpu.memory_space<semaphore_mem>>) src(%dma_wait3A_45 : memref<2x512xi32, #tpu.memory_space<hbm>>) dst(%arg5 : memref<2x512xi32, #tpu.memory_space<vmem>>)
    %dma_start3A_46 = arith.constant 0 : i32
    %dma_start3A_47 = arith.constant 0 : i32
    %dma_start3A_48 = arith.constant 0 : i32
    %dma_start3A_49 = tpu.memref_slice %arg7[%dma_start3A_47, %dma_start3A_48] : memref<1024x16xf32, #tpu.memory_space<vmem>> -> memref<512x16xf32, #tpu.memory_space<vmem>>
    %dma_start3A_50 = arith.constant 0 : i32
    %dma_start3A_51 = tpu.memref_slice %arg5[%dma_start3A_46, %dma_start3A_50] : memref<2x512xi32, #tpu.memory_space<vmem>> -> memref<1x512xi32, #tpu.memory_space<vmem>>
    %dma_start3A_52 = tpu.memref_squeeze %dma_start3A_51 : memref<1x512xi32, #tpu.memory_space<vmem>> -> memref<512xi32, #tpu.memory_space<vmem>>
    %dma_start3A_53 = arith.constant 0 : i32
    %dma_start3A_54 = arith.constant 0 : i32
    %dma_start3A_55 = tpu.memref_slice %arg3[%dma_start3A_53, %dma_start3A_54] : memref<1000000x16xf32, #tpu.memory_space<hbm>> -> memref<1000000x16xf32, #tpu.memory_space<hbm>>
    tpu.enqueue_indirect_dma source(%dma_start3A_55 : memref<1000000x16xf32, #tpu.memory_space<hbm>>) target(%dma_start3A_49 : memref<512x16xf32, #tpu.memory_space<vmem>>) offsets(%dma_start3A_52 : memref<512xi32, #tpu.memory_space<vmem>>) semaphore(%arg13 : memref<!tpu.dma_semaphore, #tpu.memory_space<semaphore_mem>>)
    %dma_start3A_56 = arith.constant 1 : i32
    %dma_start3A_57 = arith.constant 512 : i32
    %dma_start3A_58 = arith.constant 0 : i32
    %dma_start3A_59 = tpu.memref_slice %arg7[%dma_start3A_57, %dma_start3A_58] : memref<1024x16xf32, #tpu.memory_space<vmem>> -> memref<512x16xf32, #tpu.memory_space<vmem>>
    %dma_start3A_60 = arith.constant 0 : i32
    %dma_start3A_61 = tpu.memref_slice %arg5[%dma_start3A_56, %dma_start3A_60] : memref<2x512xi32, #tpu.memory_space<vmem>> -> memref<1x512xi32, #tpu.memory_space<vmem>>
    %dma_start3A_62 = tpu.memref_squeeze %dma_start3A_61 : memref<1x512xi32, #tpu.memory_space<vmem>> -> memref<512xi32, #tpu.memory_space<vmem>>
    %dma_start3A_63 = arith.constant 0 : i32
    %dma_start3A_64 = arith.constant 0 : i32
    %dma_start3A_65 = tpu.memref_slice %arg3[%dma_start3A_63, %dma_start3A_64] : memref<1000000x16xf32, #tpu.memory_space<hbm>> -> memref<1000000x16xf32, #tpu.memory_space<hbm>>
    tpu.enqueue_indirect_dma source(%dma_start3A_65 : memref<1000000x16xf32, #tpu.memory_space<hbm>>) target(%dma_start3A_59 : memref<512x16xf32, #tpu.memory_space<vmem>>) offsets(%dma_start3A_62 : memref<512xi32, #tpu.memory_space<vmem>>) semaphore(%arg13 : memref<!tpu.dma_semaphore, #tpu.memory_space<semaphore_mem>>)
    %scan3A = arith.constant 0 : i32
    %scan3A_66 = arith.constant 0 : i32
    %scan3A_67 = arith.constant 50 : i32
    %scan3A_68 = arith.addi %scan3A_66, %scan3A_67 : i32
    %scan3A_69 = arith.constant 1 : i32
    scf.for %scan3A_95 = %scan3A_66 to %scan3A_68 step %scan3A_69  : i32 {
      %mul3A_96 = arith.constant 2 : i32
      %mul3A_97 = arith.muli %scan3A_95, %mul3A_96 : i32
      %add3A_98 = arith.constant 0 : i32
      %add3A_99 = arith.addi %mul3A_97, %add3A_98 : i32
      %add3A_100 = arith.constant 1 : i32
      %add3A_101 = arith.addi %add3A_99, %add3A_100 : i32
      %lt3A = arith.constant 100 : i32
      %lt3A_102 = arith.cmpi slt, %add3A_101, %lt3A : i32
      %convert_element_type3A = arith.extui %lt3A_102 : i1 to i32
      %cond3A = arith.constant 0 : i32
      %cond3A_103 = arith.cmpi ne, %convert_element_type3A, %cond3A : i32
      scf.if %cond3A_103 {
        %dma_wait3A_209 = arith.constant 0 : i32
        %dma_wait3A_210 = arith.constant 0 : i32
        %dma_wait3A_211 = tpu.memref_slice %arg2[%dma_wait3A_209, %dma_wait3A_210] : memref<200x16384xi32, #tpu.memory_space<hbm>> -> memref<2x512xi32, #tpu.memory_space<hbm>>
        %dma_wait3A_212 = arith.constant 0 : i32
        %dma_wait3A_213 = arith.constant 0 : i32
        %dma_wait3A_214 = tpu.memref_slice %arg2[%dma_wait3A_212, %dma_wait3A_213] : memref<200x16384xi32, #tpu.memory_space<hbm>> -> memref<2x512xi32, #tpu.memory_space<hbm>>
        tpu.wait_dma2 semaphore(%arg12 : memref<!tpu.dma_semaphore, #tpu.memory_space<semaphore_mem>>) src(%dma_wait3A_214 : memref<2x512xi32, #tpu.memory_space<hbm>>) dst(%arg6 : memref<2x512xi32, #tpu.memory_space<vmem>>)
        %dma_start3A_215 = arith.constant 0 : i32
        %dma_start3A_216 = arith.constant 0 : i32
        %dma_start3A_217 = arith.constant 0 : i32
        %dma_start3A_218 = tpu.memref_slice %arg8[%dma_start3A_216, %dma_start3A_217] : memref<1024x16xf32, #tpu.memory_space<vmem>> -> memref<512x16xf32, #tpu.memory_space<vmem>>
        %dma_start3A_219 = arith.constant 0 : i32
        %dma_start3A_220 = tpu.memref_slice %arg6[%dma_start3A_215, %dma_start3A_219] : memref<2x512xi32, #tpu.memory_space<vmem>> -> memref<1x512xi32, #tpu.memory_space<vmem>>
        %dma_start3A_221 = tpu.memref_squeeze %dma_start3A_220 : memref<1x512xi32, #tpu.memory_space<vmem>> -> memref<512xi32, #tpu.memory_space<vmem>>
        %dma_start3A_222 = arith.constant 0 : i32
        %dma_start3A_223 = arith.constant 0 : i32
        %dma_start3A_224 = tpu.memref_slice %arg3[%dma_start3A_222, %dma_start3A_223] : memref<1000000x16xf32, #tpu.memory_space<hbm>> -> memref<1000000x16xf32, #tpu.memory_space<hbm>>
        tpu.enqueue_indirect_dma source(%dma_start3A_224 : memref<1000000x16xf32, #tpu.memory_space<hbm>>) target(%dma_start3A_218 : memref<512x16xf32, #tpu.memory_space<vmem>>) offsets(%dma_start3A_221 : memref<512xi32, #tpu.memory_space<vmem>>) semaphore(%arg14 : memref<!tpu.dma_semaphore, #tpu.memory_space<semaphore_mem>>)
        %dma_start3A_225 = arith.constant 1 : i32
        %dma_start3A_226 = arith.constant 512 : i32
        %dma_start3A_227 = arith.constant 0 : i32
        %dma_start3A_228 = tpu.memref_slice %arg8[%dma_start3A_226, %dma_start3A_227] : memref<1024x16xf32, #tpu.memory_space<vmem>> -> memref<512x16xf32, #tpu.memory_space<vmem>>
        %dma_start3A_229 = arith.constant 0 : i32
        %dma_start3A_230 = tpu.memref_slice %arg6[%dma_start3A_225, %dma_start3A_229] : memref<2x512xi32, #tpu.memory_space<vmem>> -> memref<1x512xi32, #tpu.memory_space<vmem>>
        %dma_start3A_231 = tpu.memref_squeeze %dma_start3A_230 : memref<1x512xi32, #tpu.memory_space<vmem>> -> memref<512xi32, #tpu.memory_space<vmem>>
        %dma_start3A_232 = arith.constant 0 : i32
        %dma_start3A_233 = arith.constant 0 : i32
        %dma_start3A_234 = tpu.memref_slice %arg3[%dma_start3A_232, %dma_start3A_233] : memref<1000000x16xf32, #tpu.memory_space<hbm>> -> memref<1000000x16xf32, #tpu.memory_space<hbm>>
        tpu.enqueue_indirect_dma source(%dma_start3A_234 : memref<1000000x16xf32, #tpu.memory_space<hbm>>) target(%dma_start3A_228 : memref<512x16xf32, #tpu.memory_space<vmem>>) offsets(%dma_start3A_231 : memref<512xi32, #tpu.memory_space<vmem>>) semaphore(%arg14 : memref<!tpu.dma_semaphore, #tpu.memory_space<semaphore_mem>>)
      } else {
      }
      %dma_wait3A_104 = arith.constant 0 : i32
      %dma_wait3A_105 = arith.constant 0 : i32
      %dma_wait3A_106 = arith.constant 0 : i32
      %dma_wait3A_107 = tpu.memref_slice %arg7[%dma_wait3A_105, %dma_wait3A_106] : memref<1024x16xf32, #tpu.memory_space<vmem>> -> memref<512x16xf32, #tpu.memory_space<vmem>>
      %dma_wait3A_108 = arith.constant 0 : i32
      %dma_wait3A_109 = tpu.memref_slice %arg5[%dma_wait3A_104, %dma_wait3A_108] : memref<2x512xi32, #tpu.memory_space<vmem>> -> memref<1x512xi32, #tpu.memory_space<vmem>>
      %dma_wait3A_110 = tpu.memref_squeeze %dma_wait3A_109 : memref<1x512xi32, #tpu.memory_space<vmem>> -> memref<512xi32, #tpu.memory_space<vmem>>
      %dma_wait3A_111 = arith.constant 0 : i32
      %dma_wait3A_112 = arith.constant 0 : i32
      %dma_wait3A_113 = tpu.memref_slice %arg3[%dma_wait3A_111, %dma_wait3A_112] : memref<1000000x16xf32, #tpu.memory_space<hbm>> -> memref<1000000x16xf32, #tpu.memory_space<hbm>>
      tpu.wait_indirect_dma semaphore(%arg13 : memref<!tpu.dma_semaphore, #tpu.memory_space<semaphore_mem>>) src(%dma_wait3A_113 : memref<1000000x16xf32, #tpu.memory_space<hbm>>) dst(%dma_wait3A_107 : memref<512x16xf32, #tpu.memory_space<vmem>>)
      %dma_wait3A_114 = arith.constant 1 : i32
      %dma_wait3A_115 = arith.constant 512 : i32
      %dma_wait3A_116 = arith.constant 0 : i32
      %dma_wait3A_117 = tpu.memref_slice %arg7[%dma_wait3A_115, %dma_wait3A_116] : memref<1024x16xf32, #tpu.memory_space<vmem>> -> memref<512x16xf32, #tpu.memory_space<vmem>>
      %dma_wait3A_118 = arith.constant 0 : i32
      %dma_wait3A_119 = tpu.memref_slice %arg5[%dma_wait3A_114, %dma_wait3A_118] : memref<2x512xi32, #tpu.memory_space<vmem>> -> memref<1x512xi32, #tpu.memory_space<vmem>>
      %dma_wait3A_120 = tpu.memref_squeeze %dma_wait3A_119 : memref<1x512xi32, #tpu.memory_space<vmem>> -> memref<512xi32, #tpu.memory_space<vmem>>
      %dma_wait3A_121 = arith.constant 0 : i32
      %dma_wait3A_122 = arith.constant 0 : i32
      %dma_wait3A_123 = tpu.memref_slice %arg3[%dma_wait3A_121, %dma_wait3A_122] : memref<1000000x16xf32, #tpu.memory_space<hbm>> -> memref<1000000x16xf32, #tpu.memory_space<hbm>>
      tpu.wait_indirect_dma semaphore(%arg13 : memref<!tpu.dma_semaphore, #tpu.memory_space<semaphore_mem>>) src(%dma_wait3A_123 : memref<1000000x16xf32, #tpu.memory_space<hbm>>) dst(%dma_wait3A_117 : memref<512x16xf32, #tpu.memory_space<vmem>>)
      %gt3A = arith.constant 0 : i32
      %gt3A_124 = arith.cmpi sgt, %scan3A_95, %gt3A : i32
      %convert_element_type3A_125 = arith.extui %gt3A_124 : i1 to i32
      %cond3A_126 = arith.constant 0 : i32
      %cond3A_127 = arith.cmpi ne, %convert_element_type3A_125, %cond3A_126 : i32
      scf.if %cond3A_127 {
        %dma_wait3A_209 = arith.constant 0 : i32
        %dma_wait3A_210 = arith.constant 0 : i32
        %dma_wait3A_211 = arith.constant 0 : i32
        %dma_wait3A_212 = arith.constant 0 : i32
        %dma_wait3A_213 = arith.constant 0 : i32
        %dma_wait3A_214 = tpu.memref_slice %arg4[%dma_wait3A_209, %dma_wait3A_210, %dma_wait3A_211, %dma_wait3A_212, %dma_wait3A_213] : memref<200x2x128x8x128xf32, #tpu.memory_space<hbm>> -> memref<2x2x4x8x128xf32, #tpu.memory_space<hbm>>
        %dma_wait3A_215 = arith.constant 0 : i32
        %dma_wait3A_216 = arith.constant 0 : i32
        %dma_wait3A_217 = arith.constant 0 : i32
        %dma_wait3A_218 = arith.constant 0 : i32
        %dma_wait3A_219 = arith.constant 0 : i32
        %dma_wait3A_220 = tpu.memref_slice %arg4[%dma_wait3A_215, %dma_wait3A_216, %dma_wait3A_217, %dma_wait3A_218, %dma_wait3A_219] : memref<200x2x128x8x128xf32, #tpu.memory_space<hbm>> -> memref<2x2x4x8x128xf32, #tpu.memory_space<hbm>>
        tpu.wait_dma2 semaphore(%arg15 : memref<!tpu.dma_semaphore, #tpu.memory_space<semaphore_mem>>) src(%arg9 : memref<2x2x4x8x128xf32, #tpu.memory_space<vmem>>) dst(%dma_wait3A_220 : memref<2x2x4x8x128xf32, #tpu.memory_space<hbm>>)
      } else {
      }
      %parallel_loop3A = arith.constant 0 : i32
      %parallel_loop3A_128 = arith.constant 32 : i32
      %parallel_loop3A_129 = arith.constant 1 : i32
      scf.for %parallel_loop3A_209 = %parallel_loop3A to %parallel_loop3A_128 step %parallel_loop3A_129  : i32 {
        %parallel_loop3A_210 = arith.constant 16 : i32
        %parallel_loop3A_211 = arith.muli %parallel_loop3A_209, %parallel_loop3A_210 : i32
        %parallel_loop3A_212 = tpu.assume_multiple %parallel_loop3A_211, 16 : i32
        %parallel_loop3A_213 = arith.constant 8 : i32
        %parallel_loop3A_214 = arith.divsi %parallel_loop3A_209, %parallel_loop3A_213 : i32
        %parallel_loop3A_215 = arith.constant 0 : i32
        %parallel_loop3A_216 = arith.cmpi sgt, %parallel_loop3A_209, %parallel_loop3A_215 : i32
        %parallel_loop3A_217 = arith.extui %parallel_loop3A_216 : i1 to i32
        %parallel_loop3A_218 = arith.constant 0 : i32
        %parallel_loop3A_219 = arith.cmpi slt, %parallel_loop3A_209, %parallel_loop3A_218 : i32
        %parallel_loop3A_220 = arith.extui %parallel_loop3A_219 : i1 to i32
        %parallel_loop3A_221 = arith.subi %parallel_loop3A_217, %parallel_loop3A_220 : i32
        %parallel_loop3A_222 = arith.constant 0 : i32
        %parallel_loop3A_223 = arith.cmpi sgt, %parallel_loop3A_213, %parallel_loop3A_222 : i32
        %parallel_loop3A_224 = arith.extui %parallel_loop3A_223 : i1 to i32
        %parallel_loop3A_225 = arith.constant 0 : i32
        %parallel_loop3A_226 = arith.cmpi slt, %parallel_loop3A_213, %parallel_loop3A_225 : i32
        %parallel_loop3A_227 = arith.extui %parallel_loop3A_226 : i1 to i32
        %parallel_loop3A_228 = arith.subi %parallel_loop3A_224, %parallel_loop3A_227 : i32
        %parallel_loop3A_229 = arith.cmpi ne, %parallel_loop3A_221, %parallel_loop3A_228 : i32
        %parallel_loop3A_230 = arith.remsi %parallel_loop3A_209, %parallel_loop3A_213 : i32
        %parallel_loop3A_231 = arith.constant 0 : i32
        %parallel_loop3A_232 = arith.cmpi ne, %parallel_loop3A_230, %parallel_loop3A_231 : i32
        %parallel_loop3A_233 = arith.andi %parallel_loop3A_229, %parallel_loop3A_232 : i1
        %parallel_loop3A_234 = arith.constant 1 : i32
        %parallel_loop3A_235 = arith.subi %parallel_loop3A_214, %parallel_loop3A_234 : i32
        %parallel_loop3A_236 = arith.select %parallel_loop3A_233, %parallel_loop3A_235, %parallel_loop3A_214 : i32
        %parallel_loop3A_237 = arith.constant 8 : i32
        %parallel_loop3A_238 = arith.constant 0 : i32
        %parallel_loop3A_239 = arith.cmpi eq, %parallel_loop3A_237, %parallel_loop3A_238 : i32
        %parallel_loop3A_240 = arith.constant 1 : i32
        %parallel_loop3A_241 = arith.select %parallel_loop3A_239, %parallel_loop3A_240, %parallel_loop3A_237 : i32
        %parallel_loop3A_242 = arith.remsi %parallel_loop3A_209, %parallel_loop3A_241 : i32
        %parallel_loop3A_243 = arith.constant 0 : i32
        %parallel_loop3A_244 = arith.cmpi ne, %parallel_loop3A_242, %parallel_loop3A_243 : i32
        %parallel_loop3A_245 = arith.constant 0 : i32
        %parallel_loop3A_246 = arith.cmpi slt, %parallel_loop3A_242, %parallel_loop3A_245 : i32
        %parallel_loop3A_247 = arith.constant 0 : i32
        %parallel_loop3A_248 = arith.cmpi slt, %parallel_loop3A_241, %parallel_loop3A_247 : i32
        %parallel_loop3A_249 = arith.xori %parallel_loop3A_246, %parallel_loop3A_248 : i1
        %parallel_loop3A_250 = arith.andi %parallel_loop3A_249, %parallel_loop3A_244 : i1
        %parallel_loop3A_251 = arith.addi %parallel_loop3A_242, %parallel_loop3A_241 : i32
        %parallel_loop3A_252 = arith.select %parallel_loop3A_250, %parallel_loop3A_251, %parallel_loop3A_242 : i32
        %parallel_loop3A_253 = arith.constant 16 : i32
        %parallel_loop3A_254 = arith.muli %parallel_loop3A_252, %parallel_loop3A_253 : i32
        %parallel_loop3A_255 = tpu.assume_multiple %parallel_loop3A_254, 16 : i32
        %parallel_loop3A_256 = arith.constant 0 : i32
        %parallel_loop3A_257 = arith.addi %parallel_loop3A_256, %parallel_loop3A_212 : i32
        %parallel_loop3A_258 = vector.broadcast %parallel_loop3A_257 : i32 to vector<16xi32>
        %parallel_loop3A_259 = arith.addi %parallel_loop3A_258, %iota3A : vector<16xi32>
        %parallel_loop3A_260 = tpu.vector_load_idx %arg7[%parallel_loop3A_259, %broadcast_in_dim3A_3] : memref<1024x16xf32, #tpu.memory_space<vmem>>[vector<16xi32>, vector<16xi32>], vector<16xf32>,
        %parallel_loop3A_261 = arith.constant 0 : i32
        %parallel_loop3A_262 = arith.constant 0 : i32
        %parallel_loop3A_263 = arith.constant 0 : i32
        %parallel_loop3A_264 = arith.index_cast %parallel_loop3A_261 : i32 to index
        %parallel_loop3A_265 = arith.index_cast %parallel_loop3A_262 : i32 to index
        %parallel_loop3A_266 = arith.index_cast %parallel_loop3A_236 : i32 to index
        %parallel_loop3A_267 = arith.index_cast %parallel_loop3A_263 : i32 to index
        %parallel_loop3A_268 = arith.index_cast %parallel_loop3A_255 : i32 to index
        %parallel_loop3A_269 = tpu.vector_load %arg9[%parallel_loop3A_264, %parallel_loop3A_265, %parallel_loop3A_266, %parallel_loop3A_267, %parallel_loop3A_268] {strides = array<i32>} : memref<2x2x4x8x128xf32, #tpu.memory_space<vmem>>, vector<16xf32>,
        tpu.vector_store %arg9[%parallel_loop3A_264, %parallel_loop3A_265, %parallel_loop3A_266, %parallel_loop3A_267, %parallel_loop3A_268], %parallel_loop3A_260 {strides = array<i32>} : memref<2x2x4x8x128xf32, #tpu.memory_space<vmem>>, vector<16xf32>,
        %parallel_loop3A_270 = tpu.vector_load_idx %arg7[%parallel_loop3A_259, %broadcast_in_dim3A_5] : memref<1024x16xf32, #tpu.memory_space<vmem>>[vector<16xi32>, vector<16xi32>], vector<16xf32>,
        %parallel_loop3A_271 = arith.constant 0 : i32
        %parallel_loop3A_272 = arith.constant 0 : i32
        %parallel_loop3A_273 = arith.constant 1 : i32
        %parallel_loop3A_274 = arith.index_cast %parallel_loop3A_271 : i32 to index
        %parallel_loop3A_275 = arith.index_cast %parallel_loop3A_272 : i32 to index
        %parallel_loop3A_276 = arith.index_cast %parallel_loop3A_236 : i32 to index
        %parallel_loop3A_277 = arith.index_cast %parallel_loop3A_273 : i32 to index
        %parallel_loop3A_278 = arith.index_cast %parallel_loop3A_255 : i32 to index
        %parallel_loop3A_279 = tpu.vector_load %arg9[%parallel_loop3A_274, %parallel_loop3A_275, %parallel_loop3A_276, %parallel_loop3A_277, %parallel_loop3A_278] {strides = array<i32>} : memref<2x2x4x8x128xf32, #tpu.memory_space<vmem>>, vector<16xf32>,
        tpu.vector_store %arg9[%parallel_loop3A_274, %parallel_loop3A_275, %parallel_loop3A_276, %parallel_loop3A_277, %parallel_loop3A_278], %parallel_loop3A_270 {strides = array<i32>} : memref<2x2x4x8x128xf32, #tpu.memory_space<vmem>>, vector<16xf32>,
        %parallel_loop3A_280 = tpu.vector_load_idx %arg7[%parallel_loop3A_259, %broadcast_in_dim3A_7] : memref<1024x16xf32, #tpu.memory_space<vmem>>[vector<16xi32>, vector<16xi32>], vector<16xf32>,
        %parallel_loop3A_281 = arith.constant 0 : i32
        %parallel_loop3A_282 = arith.constant 0 : i32
        %parallel_loop3A_283 = arith.constant 2 : i32
        %parallel_loop3A_284 = arith.index_cast %parallel_loop3A_281 : i32 to index
        %parallel_loop3A_285 = arith.index_cast %parallel_loop3A_282 : i32 to index
        %parallel_loop3A_286 = arith.index_cast %parallel_loop3A_236 : i32 to index
        %parallel_loop3A_287 = arith.index_cast %parallel_loop3A_283 : i32 to index
        %parallel_loop3A_288 = arith.index_cast %parallel_loop3A_255 : i32 to index
        %parallel_loop3A_289 = tpu.vector_load %arg9[%parallel_loop3A_284, %parallel_loop3A_285, %parallel_loop3A_286, %parallel_loop3A_287, %parallel_loop3A_288] {strides = array<i32>} : memref<2x2x4x8x128xf32, #tpu.memory_space<vmem>>, vector<16xf32>,
        tpu.vector_store %arg9[%parallel_loop3A_284, %parallel_loop3A_285, %parallel_loop3A_286, %parallel_loop3A_287, %parallel_loop3A_288], %parallel_loop3A_280 {strides = array<i32>} : memref<2x2x4x8x128xf32, #tpu.memory_space<vmem>>, vector<16xf32>,
        %parallel_loop3A_290 = tpu.vector_load_idx %arg7[%parallel_loop3A_259, %broadcast_in_dim3A_9] : memref<1024x16xf32, #tpu.memory_space<vmem>>[vector<16xi32>, vector<16xi32>], vector<16xf32>,
        %parallel_loop3A_291 = arith.constant 0 : i32
        %parallel_loop3A_292 = arith.constant 0 : i32
        %parallel_loop3A_293 = arith.constant 3 : i32
        %parallel_loop3A_294 = arith.index_cast %parallel_loop3A_291 : i32 to index
        %parallel_loop3A_295 = arith.index_cast %parallel_loop3A_292 : i32 to index
        %parallel_loop3A_296 = arith.index_cast %parallel_loop3A_236 : i32 to index
        %parallel_loop3A_297 = arith.index_cast %parallel_loop3A_293 : i32 to index
        %parallel_loop3A_298 = arith.index_cast %parallel_loop3A_255 : i32 to index
        %parallel_loop3A_299 = tpu.vector_load %arg9[%parallel_loop3A_294, %parallel_loop3A_295, %parallel_loop3A_296, %parallel_loop3A_297, %parallel_loop3A_298] {strides = array<i32>} : memref<2x2x4x8x128xf32, #tpu.memory_space<vmem>>, vector<16xf32>,
        tpu.vector_store %arg9[%parallel_loop3A_294, %parallel_loop3A_295, %parallel_loop3A_296, %parallel_loop3A_297, %parallel_loop3A_298], %parallel_loop3A_290 {strides = array<i32>} : memref<2x2x4x8x128xf32, #tpu.memory_space<vmem>>, vector<16xf32>,
        %parallel_loop3A_300 = tpu.vector_load_idx %arg7[%parallel_loop3A_259, %broadcast_in_dim3A_11] : memref<1024x16xf32, #tpu.memory_space<vmem>>[vector<16xi32>, vector<16xi32>], vector<16xf32>,
        %parallel_loop3A_301 = arith.constant 0 : i32
        %parallel_loop3A_302 = arith.constant 0 : i32
        %parallel_loop3A_303 = arith.constant 4 : i32
        %parallel_loop3A_304 = arith.index_cast %parallel_loop3A_301 : i32 to index
        %parallel_loop3A_305 = arith.index_cast %parallel_loop3A_302 : i32 to index
        %parallel_loop3A_306 = arith.index_cast %parallel_loop3A_236 : i32 to index
        %parallel_loop3A_307 = arith.index_cast %parallel_loop3A_303 : i32 to index
        %parallel_loop3A_308 = arith.index_cast %parallel_loop3A_255 : i32 to index
        %parallel_loop3A_309 = tpu.vector_load %arg9[%parallel_loop3A_304, %parallel_loop3A_305, %parallel_loop3A_306, %parallel_loop3A_307, %parallel_loop3A_308] {strides = array<i32>} : memref<2x2x4x8x128xf32, #tpu.memory_space<vmem>>, vector<16xf32>,
        tpu.vector_store %arg9[%parallel_loop3A_304, %parallel_loop3A_305, %parallel_loop3A_306, %parallel_loop3A_307, %parallel_loop3A_308], %parallel_loop3A_300 {strides = array<i32>} : memref<2x2x4x8x128xf32, #tpu.memory_space<vmem>>, vector<16xf32>,
        %parallel_loop3A_310 = tpu.vector_load_idx %arg7[%parallel_loop3A_259, %broadcast_in_dim3A_13] : memref<1024x16xf32, #tpu.memory_space<vmem>>[vector<16xi32>, vector<16xi32>], vector<16xf32>,
        %parallel_loop3A_311 = arith.constant 0 : i32
        %parallel_loop3A_312 = arith.constant 0 : i32
        %parallel_loop3A_313 = arith.constant 5 : i32
        %parallel_loop3A_314 = arith.index_cast %parallel_loop3A_311 : i32 to index
        %parallel_loop3A_315 = arith.index_cast %parallel_loop3A_312 : i32 to index
        %parallel_loop3A_316 = arith.index_cast %parallel_loop3A_236 : i32 to index
        %parallel_loop3A_317 = arith.index_cast %parallel_loop3A_313 : i32 to index
        %parallel_loop3A_318 = arith.index_cast %parallel_loop3A_255 : i32 to index
        %parallel_loop3A_319 = tpu.vector_load %arg9[%parallel_loop3A_314, %parallel_loop3A_315, %parallel_loop3A_316, %parallel_loop3A_317, %parallel_loop3A_318] {strides = array<i32>} : memref<2x2x4x8x128xf32, #tpu.memory_space<vmem>>, vector<16xf32>,
        tpu.vector_store %arg9[%parallel_loop3A_314, %parallel_loop3A_315, %parallel_loop3A_316, %parallel_loop3A_317, %parallel_loop3A_318], %parallel_loop3A_310 {strides = array<i32>} : memref<2x2x4x8x128xf32, #tpu.memory_space<vmem>>, vector<16xf32>,
        %parallel_loop3A_320 = tpu.vector_load_idx %arg7[%parallel_loop3A_259, %broadcast_in_dim3A_15] : memref<1024x16xf32, #tpu.memory_space<vmem>>[vector<16xi32>, vector<16xi32>], vector<16xf32>,
        %parallel_loop3A_321 = arith.constant 0 : i32
        %parallel_loop3A_322 = arith.constant 0 : i32
        %parallel_loop3A_323 = arith.constant 6 : i32
        %parallel_loop3A_324 = arith.index_cast %parallel_loop3A_321 : i32 to index
        %parallel_loop3A_325 = arith.index_cast %parallel_loop3A_322 : i32 to index
        %parallel_loop3A_326 = arith.index_cast %parallel_loop3A_236 : i32 to index
        %parallel_loop3A_327 = arith.index_cast %parallel_loop3A_323 : i32 to index
        %parallel_loop3A_328 = arith.index_cast %parallel_loop3A_255 : i32 to index
        %parallel_loop3A_329 = tpu.vector_load %arg9[%parallel_loop3A_324, %parallel_loop3A_325, %parallel_loop3A_326, %parallel_loop3A_327, %parallel_loop3A_328] {strides = array<i32>} : memref<2x2x4x8x128xf32, #tpu.memory_space<vmem>>, vector<16xf32>,
        tpu.vector_store %arg9[%parallel_loop3A_324, %parallel_loop3A_325, %parallel_loop3A_326, %parallel_loop3A_327, %parallel_loop3A_328], %parallel_loop3A_320 {strides = array<i32>} : memref<2x2x4x8x128xf32, #tpu.memory_space<vmem>>, vector<16xf32>,
        %parallel_loop3A_330 = tpu.vector_load_idx %arg7[%parallel_loop3A_259, %broadcast_in_dim3A_17] : memref<1024x16xf32, #tpu.memory_space<vmem>>[vector<16xi32>, vector<16xi32>], vector<16xf32>,
        %parallel_loop3A_331 = arith.constant 0 : i32
        %parallel_loop3A_332 = arith.constant 0 : i32
        %parallel_loop3A_333 = arith.constant 7 : i32
        %parallel_loop3A_334 = arith.index_cast %parallel_loop3A_331 : i32 to index
        %parallel_loop3A_335 = arith.index_cast %parallel_loop3A_332 : i32 to index
        %parallel_loop3A_336 = arith.index_cast %parallel_loop3A_236 : i32 to index
        %parallel_loop3A_337 = arith.index_cast %parallel_loop3A_333 : i32 to index
        %parallel_loop3A_338 = arith.index_cast %parallel_loop3A_255 : i32 to index
        %parallel_loop3A_339 = tpu.vector_load %arg9[%parallel_loop3A_334, %parallel_loop3A_335, %parallel_loop3A_336, %parallel_loop3A_337, %parallel_loop3A_338] {strides = array<i32>} : memref<2x2x4x8x128xf32, #tpu.memory_space<vmem>>, vector<16xf32>,
        tpu.vector_store %arg9[%parallel_loop3A_334, %parallel_loop3A_335, %parallel_loop3A_336, %parallel_loop3A_337, %parallel_loop3A_338], %parallel_loop3A_330 {strides = array<i32>} : memref<2x2x4x8x128xf32, #tpu.memory_space<vmem>>, vector<16xf32>,
        %parallel_loop3A_340 = tpu.vector_load_idx %arg7[%parallel_loop3A_259, %broadcast_in_dim3A_19] : memref<1024x16xf32, #tpu.memory_space<vmem>>[vector<16xi32>, vector<16xi32>], vector<16xf32>,
        %parallel_loop3A_341 = arith.constant 0 : i32
        %parallel_loop3A_342 = arith.constant 1 : i32
        %parallel_loop3A_343 = arith.constant 0 : i32
        %parallel_loop3A_344 = arith.index_cast %parallel_loop3A_341 : i32 to index
        %parallel_loop3A_345 = arith.index_cast %parallel_loop3A_342 : i32 to index
        %parallel_loop3A_346 = arith.index_cast %parallel_loop3A_236 : i32 to index
        %parallel_loop3A_347 = arith.index_cast %parallel_loop3A_343 : i32 to index
        %parallel_loop3A_348 = arith.index_cast %parallel_loop3A_255 : i32 to index
        %parallel_loop3A_349 = tpu.vector_load %arg9[%parallel_loop3A_344, %parallel_loop3A_345, %parallel_loop3A_346, %parallel_loop3A_347, %parallel_loop3A_348] {strides = array<i32>} : memref<2x2x4x8x128xf32, #tpu.memory_space<vmem>>, vector<16xf32>,
        tpu.vector_store %arg9[%parallel_loop3A_344, %parallel_loop3A_345, %parallel_loop3A_346, %parallel_loop3A_347, %parallel_loop3A_348], %parallel_loop3A_340 {strides = array<i32>} : memref<2x2x4x8x128xf32, #tpu.memory_space<vmem>>, vector<16xf32>,
        %parallel_loop3A_350 = tpu.vector_load_idx %arg7[%parallel_loop3A_259, %broadcast_in_dim3A_21] : memref<1024x16xf32, #tpu.memory_space<vmem>>[vector<16xi32>, vector<16xi32>], vector<16xf32>,
        %parallel_loop3A_351 = arith.constant 0 : i32
        %parallel_loop3A_352 = arith.constant 1 : i32
        %parallel_loop3A_353 = arith.constant 1 : i32
        %parallel_loop3A_354 = arith.index_cast %parallel_loop3A_351 : i32 to index
        %parallel_loop3A_355 = arith.index_cast %parallel_loop3A_352 : i32 to index
        %parallel_loop3A_356 = arith.index_cast %parallel_loop3A_236 : i32 to index
        %parallel_loop3A_357 = arith.index_cast %parallel_loop3A_353 : i32 to index
        %parallel_loop3A_358 = arith.index_cast %parallel_loop3A_255 : i32 to index
        %parallel_loop3A_359 = tpu.vector_load %arg9[%parallel_loop3A_354, %parallel_loop3A_355, %parallel_loop3A_356, %parallel_loop3A_357, %parallel_loop3A_358] {strides = array<i32>} : memref<2x2x4x8x128xf32, #tpu.memory_space<vmem>>, vector<16xf32>,
        tpu.vector_store %arg9[%parallel_loop3A_354, %parallel_loop3A_355, %parallel_loop3A_356, %parallel_loop3A_357, %parallel_loop3A_358], %parallel_loop3A_350 {strides = array<i32>} : memref<2x2x4x8x128xf32, #tpu.memory_space<vmem>>, vector<16xf32>,
        %parallel_loop3A_360 = tpu.vector_load_idx %arg7[%parallel_loop3A_259, %broadcast_in_dim3A_23] : memref<1024x16xf32, #tpu.memory_space<vmem>>[vector<16xi32>, vector<16xi32>], vector<16xf32>,
        %parallel_loop3A_361 = arith.constant 0 : i32
        %parallel_loop3A_362 = arith.constant 1 : i32
        %parallel_loop3A_363 = arith.constant 2 : i32
        %parallel_loop3A_364 = arith.index_cast %parallel_loop3A_361 : i32 to index
        %parallel_loop3A_365 = arith.index_cast %parallel_loop3A_362 : i32 to index
        %parallel_loop3A_366 = arith.index_cast %parallel_loop3A_236 : i32 to index
        %parallel_loop3A_367 = arith.index_cast %parallel_loop3A_363 : i32 to index
        %parallel_loop3A_368 = arith.index_cast %parallel_loop3A_255 : i32 to index
        %parallel_loop3A_369 = tpu.vector_load %arg9[%parallel_loop3A_364, %parallel_loop3A_365, %parallel_loop3A_366, %parallel_loop3A_367, %parallel_loop3A_368] {strides = array<i32>} : memref<2x2x4x8x128xf32, #tpu.memory_space<vmem>>, vector<16xf32>,
        tpu.vector_store %arg9[%parallel_loop3A_364, %parallel_loop3A_365, %parallel_loop3A_366, %parallel_loop3A_367, %parallel_loop3A_368], %parallel_loop3A_360 {strides = array<i32>} : memref<2x2x4x8x128xf32, #tpu.memory_space<vmem>>, vector<16xf32>,
        %parallel_loop3A_370 = tpu.vector_load_idx %arg7[%parallel_loop3A_259, %broadcast_in_dim3A_25] : memref<1024x16xf32, #tpu.memory_space<vmem>>[vector<16xi32>, vector<16xi32>], vector<16xf32>,
        %parallel_loop3A_371 = arith.constant 0 : i32
        %parallel_loop3A_372 = arith.constant 1 : i32
        %parallel_loop3A_373 = arith.constant 3 : i32
        %parallel_loop3A_374 = arith.index_cast %parallel_loop3A_371 : i32 to index
        %parallel_loop3A_375 = arith.index_cast %parallel_loop3A_372 : i32 to index
        %parallel_loop3A_376 = arith.index_cast %parallel_loop3A_236 : i32 to index
        %parallel_loop3A_377 = arith.index_cast %parallel_loop3A_373 : i32 to index
        %parallel_loop3A_378 = arith.index_cast %parallel_loop3A_255 : i32 to index
        %parallel_loop3A_379 = tpu.vector_load %arg9[%parallel_loop3A_374, %parallel_loop3A_375, %parallel_loop3A_376, %parallel_loop3A_377, %parallel_loop3A_378] {strides = array<i32>} : memref<2x2x4x8x128xf32, #tpu.memory_space<vmem>>, vector<16xf32>,
        tpu.vector_store %arg9[%parallel_loop3A_374, %parallel_loop3A_375, %parallel_loop3A_376, %parallel_loop3A_377, %parallel_loop3A_378], %parallel_loop3A_370 {strides = array<i32>} : memref<2x2x4x8x128xf32, #tpu.memory_space<vmem>>, vector<16xf32>,
        %parallel_loop3A_380 = tpu.vector_load_idx %arg7[%parallel_loop3A_259, %broadcast_in_dim3A_27] : memref<1024x16xf32, #tpu.memory_space<vmem>>[vector<16xi32>, vector<16xi32>], vector<16xf32>,
        %parallel_loop3A_381 = arith.constant 0 : i32
        %parallel_loop3A_382 = arith.constant 1 : i32
        %parallel_loop3A_383 = arith.constant 4 : i32
        %parallel_loop3A_384 = arith.index_cast %parallel_loop3A_381 : i32 to index
        %parallel_loop3A_385 = arith.index_cast %parallel_loop3A_382 : i32 to index
        %parallel_loop3A_386 = arith.index_cast %parallel_loop3A_236 : i32 to index
        %parallel_loop3A_387 = arith.index_cast %parallel_loop3A_383 : i32 to index
        %parallel_loop3A_388 = arith.index_cast %parallel_loop3A_255 : i32 to index
        %parallel_loop3A_389 = tpu.vector_load %arg9[%parallel_loop3A_384, %parallel_loop3A_385, %parallel_loop3A_386, %parallel_loop3A_387, %parallel_loop3A_388] {strides = array<i32>} : memref<2x2x4x8x128xf32, #tpu.memory_space<vmem>>, vector<16xf32>,
        tpu.vector_store %arg9[%parallel_loop3A_384, %parallel_loop3A_385, %parallel_loop3A_386, %parallel_loop3A_387, %parallel_loop3A_388], %parallel_loop3A_380 {strides = array<i32>} : memref<2x2x4x8x128xf32, #tpu.memory_space<vmem>>, vector<16xf32>,
        %parallel_loop3A_390 = tpu.vector_load_idx %arg7[%parallel_loop3A_259, %broadcast_in_dim3A_29] : memref<1024x16xf32, #tpu.memory_space<vmem>>[vector<16xi32>, vector<16xi32>], vector<16xf32>,
        %parallel_loop3A_391 = arith.constant 0 : i32
        %parallel_loop3A_392 = arith.constant 1 : i32
        %parallel_loop3A_393 = arith.constant 5 : i32
        %parallel_loop3A_394 = arith.index_cast %parallel_loop3A_391 : i32 to index
        %parallel_loop3A_395 = arith.index_cast %parallel_loop3A_392 : i32 to index
        %parallel_loop3A_396 = arith.index_cast %parallel_loop3A_236 : i32 to index
        %parallel_loop3A_397 = arith.index_cast %parallel_loop3A_393 : i32 to index
        %parallel_loop3A_398 = arith.index_cast %parallel_loop3A_255 : i32 to index
        %parallel_loop3A_399 = tpu.vector_load %arg9[%parallel_loop3A_394, %parallel_loop3A_395, %parallel_loop3A_396, %parallel_loop3A_397, %parallel_loop3A_398] {strides = array<i32>} : memref<2x2x4x8x128xf32, #tpu.memory_space<vmem>>, vector<16xf32>,
        tpu.vector_store %arg9[%parallel_loop3A_394, %parallel_loop3A_395, %parallel_loop3A_396, %parallel_loop3A_397, %parallel_loop3A_398], %parallel_loop3A_390 {strides = array<i32>} : memref<2x2x4x8x128xf32, #tpu.memory_space<vmem>>, vector<16xf32>,
        %parallel_loop3A_400 = tpu.vector_load_idx %arg7[%parallel_loop3A_259, %broadcast_in_dim3A_31] : memref<1024x16xf32, #tpu.memory_space<vmem>>[vector<16xi32>, vector<16xi32>], vector<16xf32>,
        %parallel_loop3A_401 = arith.constant 0 : i32
        %parallel_loop3A_402 = arith.constant 1 : i32
        %parallel_loop3A_403 = arith.constant 6 : i32
        %parallel_loop3A_404 = arith.index_cast %parallel_loop3A_401 : i32 to index
        %parallel_loop3A_405 = arith.index_cast %parallel_loop3A_402 : i32 to index
        %parallel_loop3A_406 = arith.index_cast %parallel_loop3A_236 : i32 to index
        %parallel_loop3A_407 = arith.index_cast %parallel_loop3A_403 : i32 to index
        %parallel_loop3A_408 = arith.index_cast %parallel_loop3A_255 : i32 to index
        %parallel_loop3A_409 = tpu.vector_load %arg9[%parallel_loop3A_404, %parallel_loop3A_405, %parallel_loop3A_406, %parallel_loop3A_407, %parallel_loop3A_408] {strides = array<i32>} : memref<2x2x4x8x128xf32, #tpu.memory_space<vmem>>, vector<16xf32>,
        tpu.vector_store %arg9[%parallel_loop3A_404, %parallel_loop3A_405, %parallel_loop3A_406, %parallel_loop3A_407, %parallel_loop3A_408], %parallel_loop3A_400 {strides = array<i32>} : memref<2x2x4x8x128xf32, #tpu.memory_space<vmem>>, vector<16xf32>,
        %parallel_loop3A_410 = tpu.vector_load_idx %arg7[%parallel_loop3A_259, %broadcast_in_dim3A_33] : memref<1024x16xf32, #tpu.memory_space<vmem>>[vector<16xi32>, vector<16xi32>], vector<16xf32>,
        %parallel_loop3A_411 = arith.constant 0 : i32
        %parallel_loop3A_412 = arith.constant 1 : i32
        %parallel_loop3A_413 = arith.constant 7 : i32
        %parallel_loop3A_414 = arith.index_cast %parallel_loop3A_411 : i32 to index
        %parallel_loop3A_415 = arith.index_cast %parallel_loop3A_412 : i32 to index
        %parallel_loop3A_416 = arith.index_cast %parallel_loop3A_236 : i32 to index
        %parallel_loop3A_417 = arith.index_cast %parallel_loop3A_413 : i32 to index
        %parallel_loop3A_418 = arith.index_cast %parallel_loop3A_255 : i32 to index
        %parallel_loop3A_419 = tpu.vector_load %arg9[%parallel_loop3A_414, %parallel_loop3A_415, %parallel_loop3A_416, %parallel_loop3A_417, %parallel_loop3A_418] {strides = array<i32>} : memref<2x2x4x8x128xf32, #tpu.memory_space<vmem>>, vector<16xf32>,
        tpu.vector_store %arg9[%parallel_loop3A_414, %parallel_loop3A_415, %parallel_loop3A_416, %parallel_loop3A_417, %parallel_loop3A_418], %parallel_loop3A_410 {strides = array<i32>} : memref<2x2x4x8x128xf32, #tpu.memory_space<vmem>>, vector<16xf32>,
        %parallel_loop3A_420 = arith.constant 512 : i32
        %parallel_loop3A_421 = arith.addi %parallel_loop3A_420, %parallel_loop3A_212 : i32
        %parallel_loop3A_422 = vector.broadcast %parallel_loop3A_421 : i32 to vector<16xi32>
        %parallel_loop3A_423 = arith.addi %parallel_loop3A_422, %iota3A : vector<16xi32>
        %parallel_loop3A_424 = tpu.vector_load_idx %arg7[%parallel_loop3A_423, %broadcast_in_dim3A_3] : memref<1024x16xf32, #tpu.memory_space<vmem>>[vector<16xi32>, vector<16xi32>], vector<16xf32>,
        %parallel_loop3A_425 = arith.constant 1 : i32
        %parallel_loop3A_426 = arith.constant 0 : i32
        %parallel_loop3A_427 = arith.constant 0 : i32
        %parallel_loop3A_428 = arith.index_cast %parallel_loop3A_425 : i32 to index
        %parallel_loop3A_429 = arith.index_cast %parallel_loop3A_426 : i32 to index
        %parallel_loop3A_430 = arith.index_cast %parallel_loop3A_236 : i32 to index
        %parallel_loop3A_431 = arith.index_cast %parallel_loop3A_427 : i32 to index
        %parallel_loop3A_432 = arith.index_cast %parallel_loop3A_255 : i32 to index
        %parallel_loop3A_433 = tpu.vector_load %arg9[%parallel_loop3A_428, %parallel_loop3A_429, %parallel_loop3A_430, %parallel_loop3A_431, %parallel_loop3A_432] {strides = array<i32>} : memref<2x2x4x8x128xf32, #tpu.memory_space<vmem>>, vector<16xf32>,
        tpu.vector_store %arg9[%parallel_loop3A_428, %parallel_loop3A_429, %parallel_loop3A_430, %parallel_loop3A_431, %parallel_loop3A_432], %parallel_loop3A_424 {strides = array<i32>} : memref<2x2x4x8x128xf32, #tpu.memory_space<vmem>>, vector<16xf32>,
        %parallel_loop3A_434 = tpu.vector_load_idx %arg7[%parallel_loop3A_423, %broadcast_in_dim3A_5] : memref<1024x16xf32, #tpu.memory_space<vmem>>[vector<16xi32>, vector<16xi32>], vector<16xf32>,
        %parallel_loop3A_435 = arith.constant 1 : i32
        %parallel_loop3A_436 = arith.constant 0 : i32
        %parallel_loop3A_437 = arith.constant 1 : i32
        %parallel_loop3A_438 = arith.index_cast %parallel_loop3A_435 : i32 to index
        %parallel_loop3A_439 = arith.index_cast %parallel_loop3A_436 : i32 to index
        %parallel_loop3A_440 = arith.index_cast %parallel_loop3A_236 : i32 to index
        %parallel_loop3A_441 = arith.index_cast %parallel_loop3A_437 : i32 to index
        %parallel_loop3A_442 = arith.index_cast %parallel_loop3A_255 : i32 to index
        %parallel_loop3A_443 = tpu.vector_load %arg9[%parallel_loop3A_438, %parallel_loop3A_439, %parallel_loop3A_440, %parallel_loop3A_441, %parallel_loop3A_442] {strides = array<i32>} : memref<2x2x4x8x128xf32, #tpu.memory_space<vmem>>, vector<16xf32>,
        tpu.vector_store %arg9[%parallel_loop3A_438, %parallel_loop3A_439, %parallel_loop3A_440, %parallel_loop3A_441, %parallel_loop3A_442], %parallel_loop3A_434 {strides = array<i32>} : memref<2x2x4x8x128xf32, #tpu.memory_space<vmem>>, vector<16xf32>,
        %parallel_loop3A_444 = tpu.vector_load_idx %arg7[%parallel_loop3A_423, %broadcast_in_dim3A_7] : memref<1024x16xf32, #tpu.memory_space<vmem>>[vector<16xi32>, vector<16xi32>], vector<16xf32>,
        %parallel_loop3A_445 = arith.constant 1 : i32
        %parallel_loop3A_446 = arith.constant 0 : i32
        %parallel_loop3A_447 = arith.constant 2 : i32
        %parallel_loop3A_448 = arith.index_cast %parallel_loop3A_445 : i32 to index
        %parallel_loop3A_449 = arith.index_cast %parallel_loop3A_446 : i32 to index
        %parallel_loop3A_450 = arith.index_cast %parallel_loop3A_236 : i32 to index
        %parallel_loop3A_451 = arith.index_cast %parallel_loop3A_447 : i32 to index
        %parallel_loop3A_452 = arith.index_cast %parallel_loop3A_255 : i32 to index
        %parallel_loop3A_453 = tpu.vector_load %arg9[%parallel_loop3A_448, %parallel_loop3A_449, %parallel_loop3A_450, %parallel_loop3A_451, %parallel_loop3A_452] {strides = array<i32>} : memref<2x2x4x8x128xf32, #tpu.memory_space<vmem>>, vector<16xf32>,
        tpu.vector_store %arg9[%parallel_loop3A_448, %parallel_loop3A_449, %parallel_loop3A_450, %parallel_loop3A_451, %parallel_loop3A_452], %parallel_loop3A_444 {strides = array<i32>} : memref<2x2x4x8x128xf32, #tpu.memory_space<vmem>>, vector<16xf32>,
        %parallel_loop3A_454 = tpu.vector_load_idx %arg7[%parallel_loop3A_423, %broadcast_in_dim3A_9] : memref<1024x16xf32, #tpu.memory_space<vmem>>[vector<16xi32>, vector<16xi32>], vector<16xf32>,
        %parallel_loop3A_455 = arith.constant 1 : i32
        %parallel_loop3A_456 = arith.constant 0 : i32
        %parallel_loop3A_457 = arith.constant 3 : i32
        %parallel_loop3A_458 = arith.index_cast %parallel_loop3A_455 : i32 to index
        %parallel_loop3A_459 = arith.index_cast %parallel_loop3A_456 : i32 to index
        %parallel_loop3A_460 = arith.index_cast %parallel_loop3A_236 : i32 to index
        %parallel_loop3A_461 = arith.index_cast %parallel_loop3A_457 : i32 to index
        %parallel_loop3A_462 = arith.index_cast %parallel_loop3A_255 : i32 to index
        %parallel_loop3A_463 = tpu.vector_load %arg9[%parallel_loop3A_458, %parallel_loop3A_459, %parallel_loop3A_460, %parallel_loop3A_461, %parallel_loop3A_462] {strides = array<i32>} : memref<2x2x4x8x128xf32, #tpu.memory_space<vmem>>, vector<16xf32>,
        tpu.vector_store %arg9[%parallel_loop3A_458, %parallel_loop3A_459, %parallel_loop3A_460, %parallel_loop3A_461, %parallel_loop3A_462], %parallel_loop3A_454 {strides = array<i32>} : memref<2x2x4x8x128xf32, #tpu.memory_space<vmem>>, vector<16xf32>,
        %parallel_loop3A_464 = tpu.vector_load_idx %arg7[%parallel_loop3A_423, %broadcast_in_dim3A_11] : memref<1024x16xf32, #tpu.memory_space<vmem>>[vector<16xi32>, vector<16xi32>], vector<16xf32>,
        %parallel_loop3A_465 = arith.constant 1 : i32
        %parallel_loop3A_466 = arith.constant 0 : i32
        %parallel_loop3A_467 = arith.constant 4 : i32
        %parallel_loop3A_468 = arith.index_cast %parallel_loop3A_465 : i32 to index
        %parallel_loop3A_469 = arith.index_cast %parallel_loop3A_466 : i32 to index
        %parallel_loop3A_470 = arith.index_cast %parallel_loop3A_236 : i32 to index
        %parallel_loop3A_471 = arith.index_cast %parallel_loop3A_467 : i32 to index
        %parallel_loop3A_472 = arith.index_cast %parallel_loop3A_255 : i32 to index
        %parallel_loop3A_473 = tpu.vector_load %arg9[%parallel_loop3A_468, %parallel_loop3A_469, %parallel_loop3A_470, %parallel_loop3A_471, %parallel_loop3A_472] {strides = array<i32>} : memref<2x2x4x8x128xf32, #tpu.memory_space<vmem>>, vector<16xf32>,
        tpu.vector_store %arg9[%parallel_loop3A_468, %parallel_loop3A_469, %parallel_loop3A_470, %parallel_loop3A_471, %parallel_loop3A_472], %parallel_loop3A_464 {strides = array<i32>} : memref<2x2x4x8x128xf32, #tpu.memory_space<vmem>>, vector<16xf32>,
        %parallel_loop3A_474 = tpu.vector_load_idx %arg7[%parallel_loop3A_423, %broadcast_in_dim3A_13] : memref<1024x16xf32, #tpu.memory_space<vmem>>[vector<16xi32>, vector<16xi32>], vector<16xf32>,
        %parallel_loop3A_475 = arith.constant 1 : i32
        %parallel_loop3A_476 = arith.constant 0 : i32
        %parallel_loop3A_477 = arith.constant 5 : i32
        %parallel_loop3A_478 = arith.index_cast %parallel_loop3A_475 : i32 to index
        %parallel_loop3A_479 = arith.index_cast %parallel_loop3A_476 : i32 to index
        %parallel_loop3A_480 = arith.index_cast %parallel_loop3A_236 : i32 to index
        %parallel_loop3A_481 = arith.index_cast %parallel_loop3A_477 : i32 to index
        %parallel_loop3A_482 = arith.index_cast %parallel_loop3A_255 : i32 to index
        %parallel_loop3A_483 = tpu.vector_load %arg9[%parallel_loop3A_478, %parallel_loop3A_479, %parallel_loop3A_480, %parallel_loop3A_481, %parallel_loop3A_482] {strides = array<i32>} : memref<2x2x4x8x128xf32, #tpu.memory_space<vmem>>, vector<16xf32>,
        tpu.vector_store %arg9[%parallel_loop3A_478, %parallel_loop3A_479, %parallel_loop3A_480, %parallel_loop3A_481, %parallel_loop3A_482], %parallel_loop3A_474 {strides = array<i32>} : memref<2x2x4x8x128xf32, #tpu.memory_space<vmem>>, vector<16xf32>,
        %parallel_loop3A_484 = tpu.vector_load_idx %arg7[%parallel_loop3A_423, %broadcast_in_dim3A_15] : memref<1024x16xf32, #tpu.memory_space<vmem>>[vector<16xi32>, vector<16xi32>], vector<16xf32>,
        %parallel_loop3A_485 = arith.constant 1 : i32
        %parallel_loop3A_486 = arith.constant 0 : i32
        %parallel_loop3A_487 = arith.constant 6 : i32
        %parallel_loop3A_488 = arith.index_cast %parallel_loop3A_485 : i32 to index
        %parallel_loop3A_489 = arith.index_cast %parallel_loop3A_486 : i32 to index
        %parallel_loop3A_490 = arith.index_cast %parallel_loop3A_236 : i32 to index
        %parallel_loop3A_491 = arith.index_cast %parallel_loop3A_487 : i32 to index
        %parallel_loop3A_492 = arith.index_cast %parallel_loop3A_255 : i32 to index
        %parallel_loop3A_493 = tpu.vector_load %arg9[%parallel_loop3A_488, %parallel_loop3A_489, %parallel_loop3A_490, %parallel_loop3A_491, %parallel_loop3A_492] {strides = array<i32>} : memref<2x2x4x8x128xf32, #tpu.memory_space<vmem>>, vector<16xf32>,
        tpu.vector_store %arg9[%parallel_loop3A_488, %parallel_loop3A_489, %parallel_loop3A_490, %parallel_loop3A_491, %parallel_loop3A_492], %parallel_loop3A_484 {strides = array<i32>} : memref<2x2x4x8x128xf32, #tpu.memory_space<vmem>>, vector<16xf32>,
        %parallel_loop3A_494 = tpu.vector_load_idx %arg7[%parallel_loop3A_423, %broadcast_in_dim3A_17] : memref<1024x16xf32, #tpu.memory_space<vmem>>[vector<16xi32>, vector<16xi32>], vector<16xf32>,
        %parallel_loop3A_495 = arith.constant 1 : i32
        %parallel_loop3A_496 = arith.constant 0 : i32
        %parallel_loop3A_497 = arith.constant 7 : i32
        %parallel_loop3A_498 = arith.index_cast %parallel_loop3A_495 : i32 to index
        %parallel_loop3A_499 = arith.index_cast %parallel_loop3A_496 : i32 to index
        %parallel_loop3A_500 = arith.index_cast %parallel_loop3A_236 : i32 to index
        %parallel_loop3A_501 = arith.index_cast %parallel_loop3A_497 : i32 to index
        %parallel_loop3A_502 = arith.index_cast %parallel_loop3A_255 : i32 to index
        %parallel_loop3A_503 = tpu.vector_load %arg9[%parallel_loop3A_498, %parallel_loop3A_499, %parallel_loop3A_500, %parallel_loop3A_501, %parallel_loop3A_502] {strides = array<i32>} : memref<2x2x4x8x128xf32, #tpu.memory_space<vmem>>, vector<16xf32>,
        tpu.vector_store %arg9[%parallel_loop3A_498, %parallel_loop3A_499, %parallel_loop3A_500, %parallel_loop3A_501, %parallel_loop3A_502], %parallel_loop3A_494 {strides = array<i32>} : memref<2x2x4x8x128xf32, #tpu.memory_space<vmem>>, vector<16xf32>,
        %parallel_loop3A_504 = tpu.vector_load_idx %arg7[%parallel_loop3A_423, %broadcast_in_dim3A_19] : memref<1024x16xf32, #tpu.memory_space<vmem>>[vector<16xi32>, vector<16xi32>], vector<16xf32>,
        %parallel_loop3A_505 = arith.constant 1 : i32
        %parallel_loop3A_506 = arith.constant 1 : i32
        %parallel_loop3A_507 = arith.constant 0 : i32
        %parallel_loop3A_508 = arith.index_cast %parallel_loop3A_505 : i32 to index
        %parallel_loop3A_509 = arith.index_cast %parallel_loop3A_506 : i32 to index
        %parallel_loop3A_510 = arith.index_cast %parallel_loop3A_236 : i32 to index
        %parallel_loop3A_511 = arith.index_cast %parallel_loop3A_507 : i32 to index
        %parallel_loop3A_512 = arith.index_cast %parallel_loop3A_255 : i32 to index
        %parallel_loop3A_513 = tpu.vector_load %arg9[%parallel_loop3A_508, %parallel_loop3A_509, %parallel_loop3A_510, %parallel_loop3A_511, %parallel_loop3A_512] {strides = array<i32>} : memref<2x2x4x8x128xf32, #tpu.memory_space<vmem>>, vector<16xf32>,
        tpu.vector_store %arg9[%parallel_loop3A_508, %parallel_loop3A_509, %parallel_loop3A_510, %parallel_loop3A_511, %parallel_loop3A_512], %parallel_loop3A_504 {strides = array<i32>} : memref<2x2x4x8x128xf32, #tpu.memory_space<vmem>>, vector<16xf32>,
        %parallel_loop3A_514 = tpu.vector_load_idx %arg7[%parallel_loop3A_423, %broadcast_in_dim3A_21] : memref<1024x16xf32, #tpu.memory_space<vmem>>[vector<16xi32>, vector<16xi32>], vector<16xf32>,
        %parallel_loop3A_515 = arith.constant 1 : i32
        %parallel_loop3A_516 = arith.constant 1 : i32
        %parallel_loop3A_517 = arith.constant 1 : i32
        %parallel_loop3A_518 = arith.index_cast %parallel_loop3A_515 : i32 to index
        %parallel_loop3A_519 = arith.index_cast %parallel_loop3A_516 : i32 to index
        %parallel_loop3A_520 = arith.index_cast %parallel_loop3A_236 : i32 to index
        %parallel_loop3A_521 = arith.index_cast %parallel_loop3A_517 : i32 to index
        %parallel_loop3A_522 = arith.index_cast %parallel_loop3A_255 : i32 to index
        %parallel_loop3A_523 = tpu.vector_load %arg9[%parallel_loop3A_518, %parallel_loop3A_519, %parallel_loop3A_520, %parallel_loop3A_521, %parallel_loop3A_522] {strides = array<i32>} : memref<2x2x4x8x128xf32, #tpu.memory_space<vmem>>, vector<16xf32>,
        tpu.vector_store %arg9[%parallel_loop3A_518, %parallel_loop3A_519, %parallel_loop3A_520, %parallel_loop3A_521, %parallel_loop3A_522], %parallel_loop3A_514 {strides = array<i32>} : memref<2x2x4x8x128xf32, #tpu.memory_space<vmem>>, vector<16xf32>,
        %parallel_loop3A_524 = tpu.vector_load_idx %arg7[%parallel_loop3A_423, %broadcast_in_dim3A_23] : memref<1024x16xf32, #tpu.memory_space<vmem>>[vector<16xi32>, vector<16xi32>], vector<16xf32>,
        %parallel_loop3A_525 = arith.constant 1 : i32
        %parallel_loop3A_526 = arith.constant 1 : i32
        %parallel_loop3A_527 = arith.constant 2 : i32
        %parallel_loop3A_528 = arith.index_cast %parallel_loop3A_525 : i32 to index
        %parallel_loop3A_529 = arith.index_cast %parallel_loop3A_526 : i32 to index
        %parallel_loop3A_530 = arith.index_cast %parallel_loop3A_236 : i32 to index
        %parallel_loop3A_531 = arith.index_cast %parallel_loop3A_527 : i32 to index
        %parallel_loop3A_532 = arith.index_cast %parallel_loop3A_255 : i32 to index
        %parallel_loop3A_533 = tpu.vector_load %arg9[%parallel_loop3A_528, %parallel_loop3A_529, %parallel_loop3A_530, %parallel_loop3A_531, %parallel_loop3A_532] {strides = array<i32>} : memref<2x2x4x8x128xf32, #tpu.memory_space<vmem>>, vector<16xf32>,
        tpu.vector_store %arg9[%parallel_loop3A_528, %parallel_loop3A_529, %parallel_loop3A_530, %parallel_loop3A_531, %parallel_loop3A_532], %parallel_loop3A_524 {strides = array<i32>} : memref<2x2x4x8x128xf32, #tpu.memory_space<vmem>>, vector<16xf32>,
        %parallel_loop3A_534 = tpu.vector_load_idx %arg7[%parallel_loop3A_423, %broadcast_in_dim3A_25] : memref<1024x16xf32, #tpu.memory_space<vmem>>[vector<16xi32>, vector<16xi32>], vector<16xf32>,
        %parallel_loop3A_535 = arith.constant 1 : i32
        %parallel_loop3A_536 = arith.constant 1 : i32
        %parallel_loop3A_537 = arith.constant 3 : i32
        %parallel_loop3A_538 = arith.index_cast %parallel_loop3A_535 : i32 to index
        %parallel_loop3A_539 = arith.index_cast %parallel_loop3A_536 : i32 to index
        %parallel_loop3A_540 = arith.index_cast %parallel_loop3A_236 : i32 to index
        %parallel_loop3A_541 = arith.index_cast %parallel_loop3A_537 : i32 to index
        %parallel_loop3A_542 = arith.index_cast %parallel_loop3A_255 : i32 to index
        %parallel_loop3A_543 = tpu.vector_load %arg9[%parallel_loop3A_538, %parallel_loop3A_539, %parallel_loop3A_540, %parallel_loop3A_541, %parallel_loop3A_542] {strides = array<i32>} : memref<2x2x4x8x128xf32, #tpu.memory_space<vmem>>, vector<16xf32>,
        tpu.vector_store %arg9[%parallel_loop3A_538, %parallel_loop3A_539, %parallel_loop3A_540, %parallel_loop3A_541, %parallel_loop3A_542], %parallel_loop3A_534 {strides = array<i32>} : memref<2x2x4x8x128xf32, #tpu.memory_space<vmem>>, vector<16xf32>,
        %parallel_loop3A_544 = tpu.vector_load_idx %arg7[%parallel_loop3A_423, %broadcast_in_dim3A_27] : memref<1024x16xf32, #tpu.memory_space<vmem>>[vector<16xi32>, vector<16xi32>], vector<16xf32>,
        %parallel_loop3A_545 = arith.constant 1 : i32
        %parallel_loop3A_546 = arith.constant 1 : i32
        %parallel_loop3A_547 = arith.constant 4 : i32
        %parallel_loop3A_548 = arith.index_cast %parallel_loop3A_545 : i32 to index
        %parallel_loop3A_549 = arith.index_cast %parallel_loop3A_546 : i32 to index
        %parallel_loop3A_550 = arith.index_cast %parallel_loop3A_236 : i32 to index
        %parallel_loop3A_551 = arith.index_cast %parallel_loop3A_547 : i32 to index
        %parallel_loop3A_552 = arith.index_cast %parallel_loop3A_255 : i32 to index
        %parallel_loop3A_553 = tpu.vector_load %arg9[%parallel_loop3A_548, %parallel_loop3A_549, %parallel_loop3A_550, %parallel_loop3A_551, %parallel_loop3A_552] {strides = array<i32>} : memref<2x2x4x8x128xf32, #tpu.memory_space<vmem>>, vector<16xf32>,
        tpu.vector_store %arg9[%parallel_loop3A_548, %parallel_loop3A_549, %parallel_loop3A_550, %parallel_loop3A_551, %parallel_loop3A_552], %parallel_loop3A_544 {strides = array<i32>} : memref<2x2x4x8x128xf32, #tpu.memory_space<vmem>>, vector<16xf32>,
        %parallel_loop3A_554 = tpu.vector_load_idx %arg7[%parallel_loop3A_423, %broadcast_in_dim3A_29] : memref<1024x16xf32, #tpu.memory_space<vmem>>[vector<16xi32>, vector<16xi32>], vector<16xf32>,
        %parallel_loop3A_555 = arith.constant 1 : i32
        %parallel_loop3A_556 = arith.constant 1 : i32
        %parallel_loop3A_557 = arith.constant 5 : i32
        %parallel_loop3A_558 = arith.index_cast %parallel_loop3A_555 : i32 to index
        %parallel_loop3A_559 = arith.index_cast %parallel_loop3A_556 : i32 to index
        %parallel_loop3A_560 = arith.index_cast %parallel_loop3A_236 : i32 to index
        %parallel_loop3A_561 = arith.index_cast %parallel_loop3A_557 : i32 to index
        %parallel_loop3A_562 = arith.index_cast %parallel_loop3A_255 : i32 to index
        %parallel_loop3A_563 = tpu.vector_load %arg9[%parallel_loop3A_558, %parallel_loop3A_559, %parallel_loop3A_560, %parallel_loop3A_561, %parallel_loop3A_562] {strides = array<i32>} : memref<2x2x4x8x128xf32, #tpu.memory_space<vmem>>, vector<16xf32>,
        tpu.vector_store %arg9[%parallel_loop3A_558, %parallel_loop3A_559, %parallel_loop3A_560, %parallel_loop3A_561, %parallel_loop3A_562], %parallel_loop3A_554 {strides = array<i32>} : memref<2x2x4x8x128xf32, #tpu.memory_space<vmem>>, vector<16xf32>,
        %parallel_loop3A_564 = tpu.vector_load_idx %arg7[%parallel_loop3A_423, %broadcast_in_dim3A_31] : memref<1024x16xf32, #tpu.memory_space<vmem>>[vector<16xi32>, vector<16xi32>], vector<16xf32>,
        %parallel_loop3A_565 = arith.constant 1 : i32
        %parallel_loop3A_566 = arith.constant 1 : i32
        %parallel_loop3A_567 = arith.constant 6 : i32
        %parallel_loop3A_568 = arith.index_cast %parallel_loop3A_565 : i32 to index
        %parallel_loop3A_569 = arith.index_cast %parallel_loop3A_566 : i32 to index
        %parallel_loop3A_570 = arith.index_cast %parallel_loop3A_236 : i32 to index
        %parallel_loop3A_571 = arith.index_cast %parallel_loop3A_567 : i32 to index
        %parallel_loop3A_572 = arith.index_cast %parallel_loop3A_255 : i32 to index
        %parallel_loop3A_573 = tpu.vector_load %arg9[%parallel_loop3A_568, %parallel_loop3A_569, %parallel_loop3A_570, %parallel_loop3A_571, %parallel_loop3A_572] {strides = array<i32>} : memref<2x2x4x8x128xf32, #tpu.memory_space<vmem>>, vector<16xf32>,
        tpu.vector_store %arg9[%parallel_loop3A_568, %parallel_loop3A_569, %parallel_loop3A_570, %parallel_loop3A_571, %parallel_loop3A_572], %parallel_loop3A_564 {strides = array<i32>} : memref<2x2x4x8x128xf32, #tpu.memory_space<vmem>>, vector<16xf32>,
        %parallel_loop3A_574 = tpu.vector_load_idx %arg7[%parallel_loop3A_423, %broadcast_in_dim3A_33] : memref<1024x16xf32, #tpu.memory_space<vmem>>[vector<16xi32>, vector<16xi32>], vector<16xf32>,
        %parallel_loop3A_575 = arith.constant 1 : i32
        %parallel_loop3A_576 = arith.constant 1 : i32
        %parallel_loop3A_577 = arith.constant 7 : i32
        %parallel_loop3A_578 = arith.index_cast %parallel_loop3A_575 : i32 to index
        %parallel_loop3A_579 = arith.index_cast %parallel_loop3A_576 : i32 to index
        %parallel_loop3A_580 = arith.index_cast %parallel_loop3A_236 : i32 to index
        %parallel_loop3A_581 = arith.index_cast %parallel_loop3A_577 : i32 to index
        %parallel_loop3A_582 = arith.index_cast %parallel_loop3A_255 : i32 to index
        %parallel_loop3A_583 = tpu.vector_load %arg9[%parallel_loop3A_578, %parallel_loop3A_579, %parallel_loop3A_580, %parallel_loop3A_581, %parallel_loop3A_582] {strides = array<i32>} : memref<2x2x4x8x128xf32, #tpu.memory_space<vmem>>, vector<16xf32>,
        tpu.vector_store %arg9[%parallel_loop3A_578, %parallel_loop3A_579, %parallel_loop3A_580, %parallel_loop3A_581, %parallel_loop3A_582], %parallel_loop3A_574 {strides = array<i32>} : memref<2x2x4x8x128xf32, #tpu.memory_space<vmem>>, vector<16xf32>,
      } {sc.loop_unroll_factor = 4 : i64, sc.parallel_access}
      %mul3A_130 = arith.constant 2 : i32
      %mul3A_131 = arith.muli %add3A_99, %mul3A_130 : i32
      %multiple_of3A_132 = tpu.assume_multiple %mul3A_131, 2 : i32
      %mul3A_133 = arith.constant 4 : i32
      %mul3A_134 = arith.muli %add3A, %mul3A_133 : i32
      %dma_start3A_135 = arith.constant 0 : i32
      %dma_start3A_136 = arith.constant 0 : i32
      %dma_start3A_137 = arith.constant 0 : i32
      %dma_start3A_138 = tpu.memref_slice %arg4[%multiple_of3A_132, %dma_start3A_135, %mul3A_134, %dma_start3A_136, %dma_start3A_137] : memref<200x2x128x8x128xf32, #tpu.memory_space<hbm>> -> memref<2x2x4x8x128xf32, #tpu.memory_space<hbm>>
      %dma_start3A_139 = arith.constant 0 : i32
      %dma_start3A_140 = arith.constant 0 : i32
      %dma_start3A_141 = arith.constant 0 : i32
      %dma_start3A_142 = tpu.memref_slice %arg4[%multiple_of3A_132, %dma_start3A_139, %mul3A_134, %dma_start3A_140, %dma_start3A_141] : memref<200x2x128x8x128xf32, #tpu.memory_space<hbm>> -> memref<2x2x4x8x128xf32, #tpu.memory_space<hbm>>
      tpu.enqueue_dma source(%arg9 : memref<2x2x4x8x128xf32, #tpu.memory_space<vmem>>) target(%dma_start3A_142 : memref<2x2x4x8x128xf32, #tpu.memory_space<hbm>>) target_semaphore(%arg15 : memref<!tpu.dma_semaphore, #tpu.memory_space<semaphore_mem>>)
      %add3A_143 = arith.constant 2 : i32
      %add3A_144 = arith.addi %add3A_99, %add3A_143 : i32
      %lt3A_145 = arith.constant 100 : i32
      %lt3A_146 = arith.cmpi slt, %add3A_144, %lt3A_145 : i32
      %convert_element_type3A_147 = arith.extui %lt3A_146 : i1 to i32
      %cond3A_148 = arith.constant 0 : i32
      %cond3A_149 = arith.cmpi ne, %convert_element_type3A_147, %cond3A_148 : i32
      scf.if %cond3A_149 {
        %add3A_209 = arith.constant 2 : i32
        %add3A_210 = arith.addi %add3A_99, %add3A_209 : i32
        %mul3A_211 = arith.constant 2 : i32
        %mul3A_212 = arith.muli %add3A_210, %mul3A_211 : i32
        %multiple_of3A_213 = tpu.assume_multiple %mul3A_212, 2 : i32
        %dma_start3A_214 = tpu.memref_slice %arg2[%multiple_of3A_213, %multiple_of3A] : memref<200x16384xi32, #tpu.memory_space<hbm>> -> memref<2x512xi32, #tpu.memory_space<hbm>>
        %dma_start3A_215 = tpu.memref_slice %arg2[%multiple_of3A_213, %multiple_of3A] : memref<200x16384xi32, #tpu.memory_space<hbm>> -> memref<2x512xi32, #tpu.memory_space<hbm>>
        tpu.enqueue_dma source(%dma_start3A_215 : memref<2x512xi32, #tpu.memory_space<hbm>>) target(%arg5 : memref<2x512xi32, #tpu.memory_space<vmem>>) target_semaphore(%arg11 : memref<!tpu.dma_semaphore, #tpu.memory_space<semaphore_mem>>)
      } else {
      }
      %mul3A_150 = arith.constant 2 : i32
      %mul3A_151 = arith.muli %scan3A_95, %mul3A_150 : i32
      %add3A_152 = arith.constant 1 : i32
      %add3A_153 = arith.addi %mul3A_151, %add3A_152 : i32
      %add3A_154 = arith.constant 1 : i32
      %add3A_155 = arith.addi %add3A_153, %add3A_154 : i32
      %lt3A_156 = arith.constant 100 : i32
      %lt3A_157 = arith.cmpi slt, %add3A_155, %lt3A_156 : i32
      %convert_element_type3A_158 = arith.extui %lt3A_157 : i1 to i32
      %cond3A_159 = arith.constant 0 : i32
      %cond3A_160 = arith.cmpi ne, %convert_element_type3A_158, %cond3A_159 : i32
      scf.if %cond3A_160 {
        %dma_wait3A_209 = arith.constant 0 : i32
        %dma_wait3A_210 = arith.constant 0 : i32
        %dma_wait3A_211 = tpu.memref_slice %arg2[%dma_wait3A_209, %dma_wait3A_210] : memref<200x16384xi32, #tpu.memory_space<hbm>> -> memref<2x512xi32, #tpu.memory_space<hbm>>
        %dma_wait3A_212 = arith.constant 0 : i32
        %dma_wait3A_213 = arith.constant 0 : i32
        %dma_wait3A_214 = tpu.memref_slice %arg2[%dma_wait3A_212, %dma_wait3A_213] : memref<200x16384xi32, #tpu.memory_space<hbm>> -> memref<2x512xi32, #tpu.memory_space<hbm>>
        tpu.wait_dma2 semaphore(%arg11 : memref<!tpu.dma_semaphore, #tpu.memory_space<semaphore_mem>>) src(%dma_wait3A_214 : memref<2x512xi32, #tpu.memory_space<hbm>>) dst(%arg5 : memref<2x512xi32, #tpu.memory_space<vmem>>)
        %dma_start3A_215 = arith.constant 0 : i32
        %dma_start3A_216 = arith.constant 0 : i32
        %dma_start3A_217 = arith.constant 0 : i32
        %dma_start3A_218 = tpu.memref_slice %arg7[%dma_start3A_216, %dma_start3A_217] : memref<1024x16xf32, #tpu.memory_space<vmem>> -> memref<512x16xf32, #tpu.memory_space<vmem>>
        %dma_start3A_219 = arith.constant 0 : i32
        %dma_start3A_220 = tpu.memref_slice %arg5[%dma_start3A_215, %dma_start3A_219] : memref<2x512xi32, #tpu.memory_space<vmem>> -> memref<1x512xi32, #tpu.memory_space<vmem>>
        %dma_start3A_221 = tpu.memref_squeeze %dma_start3A_220 : memref<1x512xi32, #tpu.memory_space<vmem>> -> memref<512xi32, #tpu.memory_space<vmem>>
        %dma_start3A_222 = arith.constant 0 : i32
        %dma_start3A_223 = arith.constant 0 : i32
        %dma_start3A_224 = tpu.memref_slice %arg3[%dma_start3A_222, %dma_start3A_223] : memref<1000000x16xf32, #tpu.memory_space<hbm>> -> memref<1000000x16xf32, #tpu.memory_space<hbm>>
        tpu.enqueue_indirect_dma source(%dma_start3A_224 : memref<1000000x16xf32, #tpu.memory_space<hbm>>) target(%dma_start3A_218 : memref<512x16xf32, #tpu.memory_space<vmem>>) offsets(%dma_start3A_221 : memref<512xi32, #tpu.memory_space<vmem>>) semaphore(%arg13 : memref<!tpu.dma_semaphore, #tpu.memory_space<semaphore_mem>>)
        %dma_start3A_225 = arith.constant 1 : i32
        %dma_start3A_226 = arith.constant 512 : i32
        %dma_start3A_227 = arith.constant 0 : i32
        %dma_start3A_228 = tpu.memref_slice %arg7[%dma_start3A_226, %dma_start3A_227] : memref<1024x16xf32, #tpu.memory_space<vmem>> -> memref<512x16xf32, #tpu.memory_space<vmem>>
        %dma_start3A_229 = arith.constant 0 : i32
        %dma_start3A_230 = tpu.memref_slice %arg5[%dma_start3A_225, %dma_start3A_229] : memref<2x512xi32, #tpu.memory_space<vmem>> -> memref<1x512xi32, #tpu.memory_space<vmem>>
        %dma_start3A_231 = tpu.memref_squeeze %dma_start3A_230 : memref<1x512xi32, #tpu.memory_space<vmem>> -> memref<512xi32, #tpu.memory_space<vmem>>
        %dma_start3A_232 = arith.constant 0 : i32
        %dma_start3A_233 = arith.constant 0 : i32
        %dma_start3A_234 = tpu.memref_slice %arg3[%dma_start3A_232, %dma_start3A_233] : memref<1000000x16xf32, #tpu.memory_space<hbm>> -> memref<1000000x16xf32, #tpu.memory_space<hbm>>
        tpu.enqueue_indirect_dma source(%dma_start3A_234 : memref<1000000x16xf32, #tpu.memory_space<hbm>>) target(%dma_start3A_228 : memref<512x16xf32, #tpu.memory_space<vmem>>) offsets(%dma_start3A_231 : memref<512xi32, #tpu.memory_space<vmem>>) semaphore(%arg13 : memref<!tpu.dma_semaphore, #tpu.memory_space<semaphore_mem>>)
      } else {
      }
      %dma_wait3A_161 = arith.constant 0 : i32
      %dma_wait3A_162 = arith.constant 0 : i32
      %dma_wait3A_163 = arith.constant 0 : i32
      %dma_wait3A_164 = tpu.memref_slice %arg8[%dma_wait3A_162, %dma_wait3A_163] : memref<1024x16xf32, #tpu.memory_space<vmem>> -> memref<512x16xf32, #tpu.memory_space<vmem>>
      %dma_wait3A_165 = arith.constant 0 : i32
      %dma_wait3A_166 = tpu.memref_slice %arg6[%dma_wait3A_161, %dma_wait3A_165] : memref<2x512xi32, #tpu.memory_space<vmem>> -> memref<1x512xi32, #tpu.memory_space<vmem>>
      %dma_wait3A_167 = tpu.memref_squeeze %dma_wait3A_166 : memref<1x512xi32, #tpu.memory_space<vmem>> -> memref<512xi32, #tpu.memory_space<vmem>>
      %dma_wait3A_168 = arith.constant 0 : i32
      %dma_wait3A_169 = arith.constant 0 : i32
      %dma_wait3A_170 = tpu.memref_slice %arg3[%dma_wait3A_168, %dma_wait3A_169] : memref<1000000x16xf32, #tpu.memory_space<hbm>> -> memref<1000000x16xf32, #tpu.memory_space<hbm>>
      tpu.wait_indirect_dma semaphore(%arg14 : memref<!tpu.dma_semaphore, #tpu.memory_space<semaphore_mem>>) src(%dma_wait3A_170 : memref<1000000x16xf32, #tpu.memory_space<hbm>>) dst(%dma_wait3A_164 : memref<512x16xf32, #tpu.memory_space<vmem>>)
      %dma_wait3A_171 = arith.constant 1 : i32
      %dma_wait3A_172 = arith.constant 512 : i32
      %dma_wait3A_173 = arith.constant 0 : i32
      %dma_wait3A_174 = tpu.memref_slice %arg8[%dma_wait3A_172, %dma_wait3A_173] : memref<1024x16xf32, #tpu.memory_space<vmem>> -> memref<512x16xf32, #tpu.memory_space<vmem>>
      %dma_wait3A_175 = arith.constant 0 : i32
      %dma_wait3A_176 = tpu.memref_slice %arg6[%dma_wait3A_171, %dma_wait3A_175] : memref<2x512xi32, #tpu.memory_space<vmem>> -> memref<1x512xi32, #tpu.memory_space<vmem>>
      %dma_wait3A_177 = tpu.memref_squeeze %dma_wait3A_176 : memref<1x512xi32, #tpu.memory_space<vmem>> -> memref<512xi32, #tpu.memory_space<vmem>>
      %dma_wait3A_178 = arith.constant 0 : i32
      %dma_wait3A_179 = arith.constant 0 : i32
      %dma_wait3A_180 = tpu.memref_slice %arg3[%dma_wait3A_178, %dma_wait3A_179] : memref<1000000x16xf32, #tpu.memory_space<hbm>> -> memref<1000000x16xf32, #tpu.memory_space<hbm>>
      tpu.wait_indirect_dma semaphore(%arg14 : memref<!tpu.dma_semaphore, #tpu.memory_space<semaphore_mem>>) src(%dma_wait3A_180 : memref<1000000x16xf32, #tpu.memory_space<hbm>>) dst(%dma_wait3A_174 : memref<512x16xf32, #tpu.memory_space<vmem>>)
      %gt3A_181 = arith.constant 0 : i32
      %gt3A_182 = arith.cmpi sgt, %scan3A_95, %gt3A_181 : i32
      %convert_element_type3A_183 = arith.extui %gt3A_182 : i1 to i32
      %cond3A_184 = arith.constant 0 : i32
      %cond3A_185 = arith.cmpi ne, %convert_element_type3A_183, %cond3A_184 : i32
      scf.if %cond3A_185 {
        %dma_wait3A_209 = arith.constant 0 : i32
        %dma_wait3A_210 = arith.constant 0 : i32
        %dma_wait3A_211 = arith.constant 0 : i32
        %dma_wait3A_212 = arith.constant 0 : i32
        %dma_wait3A_213 = arith.constant 0 : i32
        %dma_wait3A_214 = tpu.memref_slice %arg4[%dma_wait3A_209, %dma_wait3A_210, %dma_wait3A_211, %dma_wait3A_212, %dma_wait3A_213] : memref<200x2x128x8x128xf32, #tpu.memory_space<hbm>> -> memref<2x2x4x8x128xf32, #tpu.memory_space<hbm>>
        %dma_wait3A_215 = arith.constant 0 : i32
        %dma_wait3A_216 = arith.constant 0 : i32
        %dma_wait3A_217 = arith.constant 0 : i32
        %dma_wait3A_218 = arith.constant 0 : i32
        %dma_wait3A_219 = arith.constant 0 : i32
        %dma_wait3A_220 = tpu.memref_slice %arg4[%dma_wait3A_215, %dma_wait3A_216, %dma_wait3A_217, %dma_wait3A_218, %dma_wait3A_219] : memref<200x2x128x8x128xf32, #tpu.memory_space<hbm>> -> memref<2x2x4x8x128xf32, #tpu.memory_space<hbm>>
        tpu.wait_dma2 semaphore(%arg16 : memref<!tpu.dma_semaphore, #tpu.memory_space<semaphore_mem>>) src(%arg10 : memref<2x2x4x8x128xf32, #tpu.memory_space<vmem>>) dst(%dma_wait3A_220 : memref<2x2x4x8x128xf32, #tpu.memory_space<hbm>>)
      } else {
      }
      %parallel_loop3A_186 = arith.constant 0 : i32
      %parallel_loop3A_187 = arith.constant 32 : i32
      %parallel_loop3A_188 = arith.constant 1 : i32
      scf.for %parallel_loop3A_209 = %parallel_loop3A_186 to %parallel_loop3A_187 step %parallel_loop3A_188  : i32 {
        %parallel_loop3A_210 = arith.constant 16 : i32
        %parallel_loop3A_211 = arith.muli %parallel_loop3A_209, %parallel_loop3A_210 : i32
        %parallel_loop3A_212 = tpu.assume_multiple %parallel_loop3A_211, 16 : i32
        %parallel_loop3A_213 = arith.constant 8 : i32
        %parallel_loop3A_214 = arith.divsi %parallel_loop3A_209, %parallel_loop3A_213 : i32
        %parallel_loop3A_215 = arith.constant 0 : i32
        %parallel_loop3A_216 = arith.cmpi sgt, %parallel_loop3A_209, %parallel_loop3A_215 : i32
        %parallel_loop3A_217 = arith.extui %parallel_loop3A_216 : i1 to i32
        %parallel_loop3A_218 = arith.constant 0 : i32
        %parallel_loop3A_219 = arith.cmpi slt, %parallel_loop3A_209, %parallel_loop3A_218 : i32
        %parallel_loop3A_220 = arith.extui %parallel_loop3A_219 : i1 to i32
        %parallel_loop3A_221 = arith.subi %parallel_loop3A_217, %parallel_loop3A_220 : i32
        %parallel_loop3A_222 = arith.constant 0 : i32
        %parallel_loop3A_223 = arith.cmpi sgt, %parallel_loop3A_213, %parallel_loop3A_222 : i32
        %parallel_loop3A_224 = arith.extui %parallel_loop3A_223 : i1 to i32
        %parallel_loop3A_225 = arith.constant 0 : i32
        %parallel_loop3A_226 = arith.cmpi slt, %parallel_loop3A_213, %parallel_loop3A_225 : i32
        %parallel_loop3A_227 = arith.extui %parallel_loop3A_226 : i1 to i32
        %parallel_loop3A_228 = arith.subi %parallel_loop3A_224, %parallel_loop3A_227 : i32
        %parallel_loop3A_229 = arith.cmpi ne, %parallel_loop3A_221, %parallel_loop3A_228 : i32
        %parallel_loop3A_230 = arith.remsi %parallel_loop3A_209, %parallel_loop3A_213 : i32
        %parallel_loop3A_231 = arith.constant 0 : i32
        %parallel_loop3A_232 = arith.cmpi ne, %parallel_loop3A_230, %parallel_loop3A_231 : i32
        %parallel_loop3A_233 = arith.andi %parallel_loop3A_229, %parallel_loop3A_232 : i1
        %parallel_loop3A_234 = arith.constant 1 : i32
        %parallel_loop3A_235 = arith.subi %parallel_loop3A_214, %parallel_loop3A_234 : i32
        %parallel_loop3A_236 = arith.select %parallel_loop3A_233, %parallel_loop3A_235, %parallel_loop3A_214 : i32
        %parallel_loop3A_237 = arith.constant 8 : i32
        %parallel_loop3A_238 = arith.constant 0 : i32
        %parallel_loop3A_239 = arith.cmpi eq, %parallel_loop3A_237, %parallel_loop3A_238 : i32
        %parallel_loop3A_240 = arith.constant 1 : i32
        %parallel_loop3A_241 = arith.select %parallel_loop3A_239, %parallel_loop3A_240, %parallel_loop3A_237 : i32
        %parallel_loop3A_242 = arith.remsi %parallel_loop3A_209, %parallel_loop3A_241 : i32
        %parallel_loop3A_243 = arith.constant 0 : i32
        %parallel_loop3A_244 = arith.cmpi ne, %parallel_loop3A_242, %parallel_loop3A_243 : i32
        %parallel_loop3A_245 = arith.constant 0 : i32
        %parallel_loop3A_246 = arith.cmpi slt, %parallel_loop3A_242, %parallel_loop3A_245 : i32
        %parallel_loop3A_247 = arith.constant 0 : i32
        %parallel_loop3A_248 = arith.cmpi slt, %parallel_loop3A_241, %parallel_loop3A_247 : i32
        %parallel_loop3A_249 = arith.xori %parallel_loop3A_246, %parallel_loop3A_248 : i1
        %parallel_loop3A_250 = arith.andi %parallel_loop3A_249, %parallel_loop3A_244 : i1
        %parallel_loop3A_251 = arith.addi %parallel_loop3A_242, %parallel_loop3A_241 : i32
        %parallel_loop3A_252 = arith.select %parallel_loop3A_250, %parallel_loop3A_251, %parallel_loop3A_242 : i32
        %parallel_loop3A_253 = arith.constant 16 : i32
        %parallel_loop3A_254 = arith.muli %parallel_loop3A_252, %parallel_loop3A_253 : i32
        %parallel_loop3A_255 = tpu.assume_multiple %parallel_loop3A_254, 16 : i32
        %parallel_loop3A_256 = arith.constant 0 : i32
        %parallel_loop3A_257 = arith.addi %parallel_loop3A_256, %parallel_loop3A_212 : i32
        %parallel_loop3A_258 = vector.broadcast %parallel_loop3A_257 : i32 to vector<16xi32>
        %parallel_loop3A_259 = arith.addi %parallel_loop3A_258, %iota3A : vector<16xi32>
        %parallel_loop3A_260 = tpu.vector_load_idx %arg8[%parallel_loop3A_259, %broadcast_in_dim3A_3] : memref<1024x16xf32, #tpu.memory_space<vmem>>[vector<16xi32>, vector<16xi32>], vector<16xf32>,
        %parallel_loop3A_261 = arith.constant 0 : i32
        %parallel_loop3A_262 = arith.constant 0 : i32
        %parallel_loop3A_263 = arith.constant 0 : i32
        %parallel_loop3A_264 = arith.index_cast %parallel_loop3A_261 : i32 to index
        %parallel_loop3A_265 = arith.index_cast %parallel_loop3A_262 : i32 to index
        %parallel_loop3A_266 = arith.index_cast %parallel_loop3A_236 : i32 to index
        %parallel_loop3A_267 = arith.index_cast %parallel_loop3A_263 : i32 to index
        %parallel_loop3A_268 = arith.index_cast %parallel_loop3A_255 : i32 to index
        %parallel_loop3A_269 = tpu.vector_load %arg10[%parallel_loop3A_264, %parallel_loop3A_265, %parallel_loop3A_266, %parallel_loop3A_267, %parallel_loop3A_268] {strides = array<i32>} : memref<2x2x4x8x128xf32, #tpu.memory_space<vmem>>, vector<16xf32>,
        tpu.vector_store %arg10[%parallel_loop3A_264, %parallel_loop3A_265, %parallel_loop3A_266, %parallel_loop3A_267, %parallel_loop3A_268], %parallel_loop3A_260 {strides = array<i32>} : memref<2x2x4x8x128xf32, #tpu.memory_space<vmem>>, vector<16xf32>,
        %parallel_loop3A_270 = tpu.vector_load_idx %arg8[%parallel_loop3A_259, %broadcast_in_dim3A_5] : memref<1024x16xf32, #tpu.memory_space<vmem>>[vector<16xi32>, vector<16xi32>], vector<16xf32>,
        %parallel_loop3A_271 = arith.constant 0 : i32
        %parallel_loop3A_272 = arith.constant 0 : i32
        %parallel_loop3A_273 = arith.constant 1 : i32
        %parallel_loop3A_274 = arith.index_cast %parallel_loop3A_271 : i32 to index
        %parallel_loop3A_275 = arith.index_cast %parallel_loop3A_272 : i32 to index
        %parallel_loop3A_276 = arith.index_cast %parallel_loop3A_236 : i32 to index
        %parallel_loop3A_277 = arith.index_cast %parallel_loop3A_273 : i32 to index
        %parallel_loop3A_278 = arith.index_cast %parallel_loop3A_255 : i32 to index
        %parallel_loop3A_279 = tpu.vector_load %arg10[%parallel_loop3A_274, %parallel_loop3A_275, %parallel_loop3A_276, %parallel_loop3A_277, %parallel_loop3A_278] {strides = array<i32>} : memref<2x2x4x8x128xf32, #tpu.memory_space<vmem>>, vector<16xf32>,
        tpu.vector_store %arg10[%parallel_loop3A_274, %parallel_loop3A_275, %parallel_loop3A_276, %parallel_loop3A_277, %parallel_loop3A_278], %parallel_loop3A_270 {strides = array<i32>} : memref<2x2x4x8x128xf32, #tpu.memory_space<vmem>>, vector<16xf32>,
        %parallel_loop3A_280 = tpu.vector_load_idx %arg8[%parallel_loop3A_259, %broadcast_in_dim3A_7] : memref<1024x16xf32, #tpu.memory_space<vmem>>[vector<16xi32>, vector<16xi32>], vector<16xf32>,
        %parallel_loop3A_281 = arith.constant 0 : i32
        %parallel_loop3A_282 = arith.constant 0 : i32
        %parallel_loop3A_283 = arith.constant 2 : i32
        %parallel_loop3A_284 = arith.index_cast %parallel_loop3A_281 : i32 to index
        %parallel_loop3A_285 = arith.index_cast %parallel_loop3A_282 : i32 to index
        %parallel_loop3A_286 = arith.index_cast %parallel_loop3A_236 : i32 to index
        %parallel_loop3A_287 = arith.index_cast %parallel_loop3A_283 : i32 to index
        %parallel_loop3A_288 = arith.index_cast %parallel_loop3A_255 : i32 to index
        %parallel_loop3A_289 = tpu.vector_load %arg10[%parallel_loop3A_284, %parallel_loop3A_285, %parallel_loop3A_286, %parallel_loop3A_287, %parallel_loop3A_288] {strides = array<i32>} : memref<2x2x4x8x128xf32, #tpu.memory_space<vmem>>, vector<16xf32>,
        tpu.vector_store %arg10[%parallel_loop3A_284, %parallel_loop3A_285, %parallel_loop3A_286, %parallel_loop3A_287, %parallel_loop3A_288], %parallel_loop3A_280 {strides = array<i32>} : memref<2x2x4x8x128xf32, #tpu.memory_space<vmem>>, vector<16xf32>,
        %parallel_loop3A_290 = tpu.vector_load_idx %arg8[%parallel_loop3A_259, %broadcast_in_dim3A_9] : memref<1024x16xf32, #tpu.memory_space<vmem>>[vector<16xi32>, vector<16xi32>], vector<16xf32>,
        %parallel_loop3A_291 = arith.constant 0 : i32
        %parallel_loop3A_292 = arith.constant 0 : i32
        %parallel_loop3A_293 = arith.constant 3 : i32
        %parallel_loop3A_294 = arith.index_cast %parallel_loop3A_291 : i32 to index
        %parallel_loop3A_295 = arith.index_cast %parallel_loop3A_292 : i32 to index
        %parallel_loop3A_296 = arith.index_cast %parallel_loop3A_236 : i32 to index
        %parallel_loop3A_297 = arith.index_cast %parallel_loop3A_293 : i32 to index
        %parallel_loop3A_298 = arith.index_cast %parallel_loop3A_255 : i32 to index
        %parallel_loop3A_299 = tpu.vector_load %arg10[%parallel_loop3A_294, %parallel_loop3A_295, %parallel_loop3A_296, %parallel_loop3A_297, %parallel_loop3A_298] {strides = array<i32>} : memref<2x2x4x8x128xf32, #tpu.memory_space<vmem>>, vector<16xf32>,
        tpu.vector_store %arg10[%parallel_loop3A_294, %parallel_loop3A_295, %parallel_loop3A_296, %parallel_loop3A_297, %parallel_loop3A_298], %parallel_loop3A_290 {strides = array<i32>} : memref<2x2x4x8x128xf32, #tpu.memory_space<vmem>>, vector<16xf32>,
        %parallel_loop3A_300 = tpu.vector_load_idx %arg8[%parallel_loop3A_259, %broadcast_in_dim3A_11] : memref<1024x16xf32, #tpu.memory_space<vmem>>[vector<16xi32>, vector<16xi32>], vector<16xf32>,
        %parallel_loop3A_301 = arith.constant 0 : i32
        %parallel_loop3A_302 = arith.constant 0 : i32
        %parallel_loop3A_303 = arith.constant 4 : i32
        %parallel_loop3A_304 = arith.index_cast %parallel_loop3A_301 : i32 to index
        %parallel_loop3A_305 = arith.index_cast %parallel_loop3A_302 : i32 to index
        %parallel_loop3A_306 = arith.index_cast %parallel_loop3A_236 : i32 to index
        %parallel_loop3A_307 = arith.index_cast %parallel_loop3A_303 : i32 to index
        %parallel_loop3A_308 = arith.index_cast %parallel_loop3A_255 : i32 to index
        %parallel_loop3A_309 = tpu.vector_load %arg10[%parallel_loop3A_304, %parallel_loop3A_305, %parallel_loop3A_306, %parallel_loop3A_307, %parallel_loop3A_308] {strides = array<i32>} : memref<2x2x4x8x128xf32, #tpu.memory_space<vmem>>, vector<16xf32>,
        tpu.vector_store %arg10[%parallel_loop3A_304, %parallel_loop3A_305, %parallel_loop3A_306, %parallel_loop3A_307, %parallel_loop3A_308], %parallel_loop3A_300 {strides = array<i32>} : memref<2x2x4x8x128xf32, #tpu.memory_space<vmem>>, vector<16xf32>,
        %parallel_loop3A_310 = tpu.vector_load_idx %arg8[%parallel_loop3A_259, %broadcast_in_dim3A_13] : memref<1024x16xf32, #tpu.memory_space<vmem>>[vector<16xi32>, vector<16xi32>], vector<16xf32>,
        %parallel_loop3A_311 = arith.constant 0 : i32
        %parallel_loop3A_312 = arith.constant 0 : i32
        %parallel_loop3A_313 = arith.constant 5 : i32
        %parallel_loop3A_314 = arith.index_cast %parallel_loop3A_311 : i32 to index
        %parallel_loop3A_315 = arith.index_cast %parallel_loop3A_312 : i32 to index
        %parallel_loop3A_316 = arith.index_cast %parallel_loop3A_236 : i32 to index
        %parallel_loop3A_317 = arith.index_cast %parallel_loop3A_313 : i32 to index
        %parallel_loop3A_318 = arith.index_cast %parallel_loop3A_255 : i32 to index
        %parallel_loop3A_319 = tpu.vector_load %arg10[%parallel_loop3A_314, %parallel_loop3A_315, %parallel_loop3A_316, %parallel_loop3A_317, %parallel_loop3A_318] {strides = array<i32>} : memref<2x2x4x8x128xf32, #tpu.memory_space<vmem>>, vector<16xf32>,
        tpu.vector_store %arg10[%parallel_loop3A_314, %parallel_loop3A_315, %parallel_loop3A_316, %parallel_loop3A_317, %parallel_loop3A_318], %parallel_loop3A_310 {strides = array<i32>} : memref<2x2x4x8x128xf32, #tpu.memory_space<vmem>>, vector<16xf32>,
        %parallel_loop3A_320 = tpu.vector_load_idx %arg8[%parallel_loop3A_259, %broadcast_in_dim3A_15] : memref<1024x16xf32, #tpu.memory_space<vmem>>[vector<16xi32>, vector<16xi32>], vector<16xf32>,
        %parallel_loop3A_321 = arith.constant 0 : i32
        %parallel_loop3A_322 = arith.constant 0 : i32
        %parallel_loop3A_323 = arith.constant 6 : i32
        %parallel_loop3A_324 = arith.index_cast %parallel_loop3A_321 : i32 to index
        %parallel_loop3A_325 = arith.index_cast %parallel_loop3A_322 : i32 to index
        %parallel_loop3A_326 = arith.index_cast %parallel_loop3A_236 : i32 to index
        %parallel_loop3A_327 = arith.index_cast %parallel_loop3A_323 : i32 to index
        %parallel_loop3A_328 = arith.index_cast %parallel_loop3A_255 : i32 to index
        %parallel_loop3A_329 = tpu.vector_load %arg10[%parallel_loop3A_324, %parallel_loop3A_325, %parallel_loop3A_326, %parallel_loop3A_327, %parallel_loop3A_328] {strides = array<i32>} : memref<2x2x4x8x128xf32, #tpu.memory_space<vmem>>, vector<16xf32>,
        tpu.vector_store %arg10[%parallel_loop3A_324, %parallel_loop3A_325, %parallel_loop3A_326, %parallel_loop3A_327, %parallel_loop3A_328], %parallel_loop3A_320 {strides = array<i32>} : memref<2x2x4x8x128xf32, #tpu.memory_space<vmem>>, vector<16xf32>,
        %parallel_loop3A_330 = tpu.vector_load_idx %arg8[%parallel_loop3A_259, %broadcast_in_dim3A_17] : memref<1024x16xf32, #tpu.memory_space<vmem>>[vector<16xi32>, vector<16xi32>], vector<16xf32>,
        %parallel_loop3A_331 = arith.constant 0 : i32
        %parallel_loop3A_332 = arith.constant 0 : i32
        %parallel_loop3A_333 = arith.constant 7 : i32
        %parallel_loop3A_334 = arith.index_cast %parallel_loop3A_331 : i32 to index
        %parallel_loop3A_335 = arith.index_cast %parallel_loop3A_332 : i32 to index
        %parallel_loop3A_336 = arith.index_cast %parallel_loop3A_236 : i32 to index
        %parallel_loop3A_337 = arith.index_cast %parallel_loop3A_333 : i32 to index
        %parallel_loop3A_338 = arith.index_cast %parallel_loop3A_255 : i32 to index
        %parallel_loop3A_339 = tpu.vector_load %arg10[%parallel_loop3A_334, %parallel_loop3A_335, %parallel_loop3A_336, %parallel_loop3A_337, %parallel_loop3A_338] {strides = array<i32>} : memref<2x2x4x8x128xf32, #tpu.memory_space<vmem>>, vector<16xf32>,
        tpu.vector_store %arg10[%parallel_loop3A_334, %parallel_loop3A_335, %parallel_loop3A_336, %parallel_loop3A_337, %parallel_loop3A_338], %parallel_loop3A_330 {strides = array<i32>} : memref<2x2x4x8x128xf32, #tpu.memory_space<vmem>>, vector<16xf32>,
        %parallel_loop3A_340 = tpu.vector_load_idx %arg8[%parallel_loop3A_259, %broadcast_in_dim3A_19] : memref<1024x16xf32, #tpu.memory_space<vmem>>[vector<16xi32>, vector<16xi32>], vector<16xf32>,
        %parallel_loop3A_341 = arith.constant 0 : i32
        %parallel_loop3A_342 = arith.constant 1 : i32
        %parallel_loop3A_343 = arith.constant 0 : i32
        %parallel_loop3A_344 = arith.index_cast %parallel_loop3A_341 : i32 to index
        %parallel_loop3A_345 = arith.index_cast %parallel_loop3A_342 : i32 to index
        %parallel_loop3A_346 = arith.index_cast %parallel_loop3A_236 : i32 to index
        %parallel_loop3A_347 = arith.index_cast %parallel_loop3A_343 : i32 to index
        %parallel_loop3A_348 = arith.index_cast %parallel_loop3A_255 : i32 to index
        %parallel_loop3A_349 = tpu.vector_load %arg10[%parallel_loop3A_344, %parallel_loop3A_345, %parallel_loop3A_346, %parallel_loop3A_347, %parallel_loop3A_348] {strides = array<i32>} : memref<2x2x4x8x128xf32, #tpu.memory_space<vmem>>, vector<16xf32>,
        tpu.vector_store %arg10[%parallel_loop3A_344, %parallel_loop3A_345, %parallel_loop3A_346, %parallel_loop3A_347, %parallel_loop3A_348], %parallel_loop3A_340 {strides = array<i32>} : memref<2x2x4x8x128xf32, #tpu.memory_space<vmem>>, vector<16xf32>,
        %parallel_loop3A_350 = tpu.vector_load_idx %arg8[%parallel_loop3A_259, %broadcast_in_dim3A_21] : memref<1024x16xf32, #tpu.memory_space<vmem>>[vector<16xi32>, vector<16xi32>], vector<16xf32>,
        %parallel_loop3A_351 = arith.constant 0 : i32
        %parallel_loop3A_352 = arith.constant 1 : i32
        %parallel_loop3A_353 = arith.constant 1 : i32
        %parallel_loop3A_354 = arith.index_cast %parallel_loop3A_351 : i32 to index
        %parallel_loop3A_355 = arith.index_cast %parallel_loop3A_352 : i32 to index
        %parallel_loop3A_356 = arith.index_cast %parallel_loop3A_236 : i32 to index
        %parallel_loop3A_357 = arith.index_cast %parallel_loop3A_353 : i32 to index
        %parallel_loop3A_358 = arith.index_cast %parallel_loop3A_255 : i32 to index
        %parallel_loop3A_359 = tpu.vector_load %arg10[%parallel_loop3A_354, %parallel_loop3A_355, %parallel_loop3A_356, %parallel_loop3A_357, %parallel_loop3A_358] {strides = array<i32>} : memref<2x2x4x8x128xf32, #tpu.memory_space<vmem>>, vector<16xf32>,
        tpu.vector_store %arg10[%parallel_loop3A_354, %parallel_loop3A_355, %parallel_loop3A_356, %parallel_loop3A_357, %parallel_loop3A_358], %parallel_loop3A_350 {strides = array<i32>} : memref<2x2x4x8x128xf32, #tpu.memory_space<vmem>>, vector<16xf32>,
        %parallel_loop3A_360 = tpu.vector_load_idx %arg8[%parallel_loop3A_259, %broadcast_in_dim3A_23] : memref<1024x16xf32, #tpu.memory_space<vmem>>[vector<16xi32>, vector<16xi32>], vector<16xf32>,
        %parallel_loop3A_361 = arith.constant 0 : i32
        %parallel_loop3A_362 = arith.constant 1 : i32
        %parallel_loop3A_363 = arith.constant 2 : i32
        %parallel_loop3A_364 = arith.index_cast %parallel_loop3A_361 : i32 to index
        %parallel_loop3A_365 = arith.index_cast %parallel_loop3A_362 : i32 to index
        %parallel_loop3A_366 = arith.index_cast %parallel_loop3A_236 : i32 to index
        %parallel_loop3A_367 = arith.index_cast %parallel_loop3A_363 : i32 to index
        %parallel_loop3A_368 = arith.index_cast %parallel_loop3A_255 : i32 to index
        %parallel_loop3A_369 = tpu.vector_load %arg10[%parallel_loop3A_364, %parallel_loop3A_365, %parallel_loop3A_366, %parallel_loop3A_367, %parallel_loop3A_368] {strides = array<i32>} : memref<2x2x4x8x128xf32, #tpu.memory_space<vmem>>, vector<16xf32>,
        tpu.vector_store %arg10[%parallel_loop3A_364, %parallel_loop3A_365, %parallel_loop3A_366, %parallel_loop3A_367, %parallel_loop3A_368], %parallel_loop3A_360 {strides = array<i32>} : memref<2x2x4x8x128xf32, #tpu.memory_space<vmem>>, vector<16xf32>,
        %parallel_loop3A_370 = tpu.vector_load_idx %arg8[%parallel_loop3A_259, %broadcast_in_dim3A_25] : memref<1024x16xf32, #tpu.memory_space<vmem>>[vector<16xi32>, vector<16xi32>], vector<16xf32>,
        %parallel_loop3A_371 = arith.constant 0 : i32
        %parallel_loop3A_372 = arith.constant 1 : i32
        %parallel_loop3A_373 = arith.constant 3 : i32
        %parallel_loop3A_374 = arith.index_cast %parallel_loop3A_371 : i32 to index
        %parallel_loop3A_375 = arith.index_cast %parallel_loop3A_372 : i32 to index
        %parallel_loop3A_376 = arith.index_cast %parallel_loop3A_236 : i32 to index
        %parallel_loop3A_377 = arith.index_cast %parallel_loop3A_373 : i32 to index
        %parallel_loop3A_378 = arith.index_cast %parallel_loop3A_255 : i32 to index
        %parallel_loop3A_379 = tpu.vector_load %arg10[%parallel_loop3A_374, %parallel_loop3A_375, %parallel_loop3A_376, %parallel_loop3A_377, %parallel_loop3A_378] {strides = array<i32>} : memref<2x2x4x8x128xf32, #tpu.memory_space<vmem>>, vector<16xf32>,
        tpu.vector_store %arg10[%parallel_loop3A_374, %parallel_loop3A_375, %parallel_loop3A_376, %parallel_loop3A_377, %parallel_loop3A_378], %parallel_loop3A_370 {strides = array<i32>} : memref<2x2x4x8x128xf32, #tpu.memory_space<vmem>>, vector<16xf32>,
        %parallel_loop3A_380 = tpu.vector_load_idx %arg8[%parallel_loop3A_259, %broadcast_in_dim3A_27] : memref<1024x16xf32, #tpu.memory_space<vmem>>[vector<16xi32>, vector<16xi32>], vector<16xf32>,
        %parallel_loop3A_381 = arith.constant 0 : i32
        %parallel_loop3A_382 = arith.constant 1 : i32
        %parallel_loop3A_383 = arith.constant 4 : i32
        %parallel_loop3A_384 = arith.index_cast %parallel_loop3A_381 : i32 to index
        %parallel_loop3A_385 = arith.index_cast %parallel_loop3A_382 : i32 to index
        %parallel_loop3A_386 = arith.index_cast %parallel_loop3A_236 : i32 to index
        %parallel_loop3A_387 = arith.index_cast %parallel_loop3A_383 : i32 to index
        %parallel_loop3A_388 = arith.index_cast %parallel_loop3A_255 : i32 to index
        %parallel_loop3A_389 = tpu.vector_load %arg10[%parallel_loop3A_384, %parallel_loop3A_385, %parallel_loop3A_386, %parallel_loop3A_387, %parallel_loop3A_388] {strides = array<i32>} : memref<2x2x4x8x128xf32, #tpu.memory_space<vmem>>, vector<16xf32>,
        tpu.vector_store %arg10[%parallel_loop3A_384, %parallel_loop3A_385, %parallel_loop3A_386, %parallel_loop3A_387, %parallel_loop3A_388], %parallel_loop3A_380 {strides = array<i32>} : memref<2x2x4x8x128xf32, #tpu.memory_space<vmem>>, vector<16xf32>,
        %parallel_loop3A_390 = tpu.vector_load_idx %arg8[%parallel_loop3A_259, %broadcast_in_dim3A_29] : memref<1024x16xf32, #tpu.memory_space<vmem>>[vector<16xi32>, vector<16xi32>], vector<16xf32>,
        %parallel_loop3A_391 = arith.constant 0 : i32
        %parallel_loop3A_392 = arith.constant 1 : i32
        %parallel_loop3A_393 = arith.constant 5 : i32
        %parallel_loop3A_394 = arith.index_cast %parallel_loop3A_391 : i32 to index
        %parallel_loop3A_395 = arith.index_cast %parallel_loop3A_392 : i32 to index
        %parallel_loop3A_396 = arith.index_cast %parallel_loop3A_236 : i32 to index
        %parallel_loop3A_397 = arith.index_cast %parallel_loop3A_393 : i32 to index
        %parallel_loop3A_398 = arith.index_cast %parallel_loop3A_255 : i32 to index
        %parallel_loop3A_399 = tpu.vector_load %arg10[%parallel_loop3A_394, %parallel_loop3A_395, %parallel_loop3A_396, %parallel_loop3A_397, %parallel_loop3A_398] {strides = array<i32>} : memref<2x2x4x8x128xf32, #tpu.memory_space<vmem>>, vector<16xf32>,
        tpu.vector_store %arg10[%parallel_loop3A_394, %parallel_loop3A_395, %parallel_loop3A_396, %parallel_loop3A_397, %parallel_loop3A_398], %parallel_loop3A_390 {strides = array<i32>} : memref<2x2x4x8x128xf32, #tpu.memory_space<vmem>>, vector<16xf32>,
        %parallel_loop3A_400 = tpu.vector_load_idx %arg8[%parallel_loop3A_259, %broadcast_in_dim3A_31] : memref<1024x16xf32, #tpu.memory_space<vmem>>[vector<16xi32>, vector<16xi32>], vector<16xf32>,
        %parallel_loop3A_401 = arith.constant 0 : i32
        %parallel_loop3A_402 = arith.constant 1 : i32
        %parallel_loop3A_403 = arith.constant 6 : i32
        %parallel_loop3A_404 = arith.index_cast %parallel_loop3A_401 : i32 to index
        %parallel_loop3A_405 = arith.index_cast %parallel_loop3A_402 : i32 to index
        %parallel_loop3A_406 = arith.index_cast %parallel_loop3A_236 : i32 to index
        %parallel_loop3A_407 = arith.index_cast %parallel_loop3A_403 : i32 to index
        %parallel_loop3A_408 = arith.index_cast %parallel_loop3A_255 : i32 to index
        %parallel_loop3A_409 = tpu.vector_load %arg10[%parallel_loop3A_404, %parallel_loop3A_405, %parallel_loop3A_406, %parallel_loop3A_407, %parallel_loop3A_408] {strides = array<i32>} : memref<2x2x4x8x128xf32, #tpu.memory_space<vmem>>, vector<16xf32>,
        tpu.vector_store %arg10[%parallel_loop3A_404, %parallel_loop3A_405, %parallel_loop3A_406, %parallel_loop3A_407, %parallel_loop3A_408], %parallel_loop3A_400 {strides = array<i32>} : memref<2x2x4x8x128xf32, #tpu.memory_space<vmem>>, vector<16xf32>,
        %parallel_loop3A_410 = tpu.vector_load_idx %arg8[%parallel_loop3A_259, %broadcast_in_dim3A_33] : memref<1024x16xf32, #tpu.memory_space<vmem>>[vector<16xi32>, vector<16xi32>], vector<16xf32>,
        %parallel_loop3A_411 = arith.constant 0 : i32
        %parallel_loop3A_412 = arith.constant 1 : i32
        %parallel_loop3A_413 = arith.constant 7 : i32
        %parallel_loop3A_414 = arith.index_cast %parallel_loop3A_411 : i32 to index
        %parallel_loop3A_415 = arith.index_cast %parallel_loop3A_412 : i32 to index
        %parallel_loop3A_416 = arith.index_cast %parallel_loop3A_236 : i32 to index
        %parallel_loop3A_417 = arith.index_cast %parallel_loop3A_413 : i32 to index
        %parallel_loop3A_418 = arith.index_cast %parallel_loop3A_255 : i32 to index
        %parallel_loop3A_419 = tpu.vector_load %arg10[%parallel_loop3A_414, %parallel_loop3A_415, %parallel_loop3A_416, %parallel_loop3A_417, %parallel_loop3A_418] {strides = array<i32>} : memref<2x2x4x8x128xf32, #tpu.memory_space<vmem>>, vector<16xf32>,
        tpu.vector_store %arg10[%parallel_loop3A_414, %parallel_loop3A_415, %parallel_loop3A_416, %parallel_loop3A_417, %parallel_loop3A_418], %parallel_loop3A_410 {strides = array<i32>} : memref<2x2x4x8x128xf32, #tpu.memory_space<vmem>>, vector<16xf32>,
        %parallel_loop3A_420 = arith.constant 512 : i32
        %parallel_loop3A_421 = arith.addi %parallel_loop3A_420, %parallel_loop3A_212 : i32
        %parallel_loop3A_422 = vector.broadcast %parallel_loop3A_421 : i32 to vector<16xi32>
        %parallel_loop3A_423 = arith.addi %parallel_loop3A_422, %iota3A : vector<16xi32>
        %parallel_loop3A_424 = tpu.vector_load_idx %arg8[%parallel_loop3A_423, %broadcast_in_dim3A_3] : memref<1024x16xf32, #tpu.memory_space<vmem>>[vector<16xi32>, vector<16xi32>], vector<16xf32>,
        %parallel_loop3A_425 = arith.constant 1 : i32
        %parallel_loop3A_426 = arith.constant 0 : i32
        %parallel_loop3A_427 = arith.constant 0 : i32
        %parallel_loop3A_428 = arith.index_cast %parallel_loop3A_425 : i32 to index
        %parallel_loop3A_429 = arith.index_cast %parallel_loop3A_426 : i32 to index
        %parallel_loop3A_430 = arith.index_cast %parallel_loop3A_236 : i32 to index
        %parallel_loop3A_431 = arith.index_cast %parallel_loop3A_427 : i32 to index
        %parallel_loop3A_432 = arith.index_cast %parallel_loop3A_255 : i32 to index
        %parallel_loop3A_433 = tpu.vector_load %arg10[%parallel_loop3A_428, %parallel_loop3A_429, %parallel_loop3A_430, %parallel_loop3A_431, %parallel_loop3A_432] {strides = array<i32>} : memref<2x2x4x8x128xf32, #tpu.memory_space<vmem>>, vector<16xf32>,
        tpu.vector_store %arg10[%parallel_loop3A_428, %parallel_loop3A_429, %parallel_loop3A_430, %parallel_loop3A_431, %parallel_loop3A_432], %parallel_loop3A_424 {strides = array<i32>} : memref<2x2x4x8x128xf32, #tpu.memory_space<vmem>>, vector<16xf32>,
        %parallel_loop3A_434 = tpu.vector_load_idx %arg8[%parallel_loop3A_423, %broadcast_in_dim3A_5] : memref<1024x16xf32, #tpu.memory_space<vmem>>[vector<16xi32>, vector<16xi32>], vector<16xf32>,
        %parallel_loop3A_435 = arith.constant 1 : i32
        %parallel_loop3A_436 = arith.constant 0 : i32
        %parallel_loop3A_437 = arith.constant 1 : i32
        %parallel_loop3A_438 = arith.index_cast %parallel_loop3A_435 : i32 to index
        %parallel_loop3A_439 = arith.index_cast %parallel_loop3A_436 : i32 to index
        %parallel_loop3A_440 = arith.index_cast %parallel_loop3A_236 : i32 to index
        %parallel_loop3A_441 = arith.index_cast %parallel_loop3A_437 : i32 to index
        %parallel_loop3A_442 = arith.index_cast %parallel_loop3A_255 : i32 to index
        %parallel_loop3A_443 = tpu.vector_load %arg10[%parallel_loop3A_438, %parallel_loop3A_439, %parallel_loop3A_440, %parallel_loop3A_441, %parallel_loop3A_442] {strides = array<i32>} : memref<2x2x4x8x128xf32, #tpu.memory_space<vmem>>, vector<16xf32>,
        tpu.vector_store %arg10[%parallel_loop3A_438, %parallel_loop3A_439, %parallel_loop3A_440, %parallel_loop3A_441, %parallel_loop3A_442], %parallel_loop3A_434 {strides = array<i32>} : memref<2x2x4x8x128xf32, #tpu.memory_space<vmem>>, vector<16xf32>,
        %parallel_loop3A_444 = tpu.vector_load_idx %arg8[%parallel_loop3A_423, %broadcast_in_dim3A_7] : memref<1024x16xf32, #tpu.memory_space<vmem>>[vector<16xi32>, vector<16xi32>], vector<16xf32>,
        %parallel_loop3A_445 = arith.constant 1 : i32
        %parallel_loop3A_446 = arith.constant 0 : i32
        %parallel_loop3A_447 = arith.constant 2 : i32
        %parallel_loop3A_448 = arith.index_cast %parallel_loop3A_445 : i32 to index
        %parallel_loop3A_449 = arith.index_cast %parallel_loop3A_446 : i32 to index
        %parallel_loop3A_450 = arith.index_cast %parallel_loop3A_236 : i32 to index
        %parallel_loop3A_451 = arith.index_cast %parallel_loop3A_447 : i32 to index
        %parallel_loop3A_452 = arith.index_cast %parallel_loop3A_255 : i32 to index
        %parallel_loop3A_453 = tpu.vector_load %arg10[%parallel_loop3A_448, %parallel_loop3A_449, %parallel_loop3A_450, %parallel_loop3A_451, %parallel_loop3A_452] {strides = array<i32>} : memref<2x2x4x8x128xf32, #tpu.memory_space<vmem>>, vector<16xf32>,
        tpu.vector_store %arg10[%parallel_loop3A_448, %parallel_loop3A_449, %parallel_loop3A_450, %parallel_loop3A_451, %parallel_loop3A_452], %parallel_loop3A_444 {strides = array<i32>} : memref<2x2x4x8x128xf32, #tpu.memory_space<vmem>>, vector<16xf32>,
        %parallel_loop3A_454 = tpu.vector_load_idx %arg8[%parallel_loop3A_423, %broadcast_in_dim3A_9] : memref<1024x16xf32, #tpu.memory_space<vmem>>[vector<16xi32>, vector<16xi32>], vector<16xf32>,
        %parallel_loop3A_455 = arith.constant 1 : i32
        %parallel_loop3A_456 = arith.constant 0 : i32
        %parallel_loop3A_457 = arith.constant 3 : i32
        %parallel_loop3A_458 = arith.index_cast %parallel_loop3A_455 : i32 to index
        %parallel_loop3A_459 = arith.index_cast %parallel_loop3A_456 : i32 to index
        %parallel_loop3A_460 = arith.index_cast %parallel_loop3A_236 : i32 to index
        %parallel_loop3A_461 = arith.index_cast %parallel_loop3A_457 : i32 to index
        %parallel_loop3A_462 = arith.index_cast %parallel_loop3A_255 : i32 to index
        %parallel_loop3A_463 = tpu.vector_load %arg10[%parallel_loop3A_458, %parallel_loop3A_459, %parallel_loop3A_460, %parallel_loop3A_461, %parallel_loop3A_462] {strides = array<i32>} : memref<2x2x4x8x128xf32, #tpu.memory_space<vmem>>, vector<16xf32>,
        tpu.vector_store %arg10[%parallel_loop3A_458, %parallel_loop3A_459, %parallel_loop3A_460, %parallel_loop3A_461, %parallel_loop3A_462], %parallel_loop3A_454 {strides = array<i32>} : memref<2x2x4x8x128xf32, #tpu.memory_space<vmem>>, vector<16xf32>,
        %parallel_loop3A_464 = tpu.vector_load_idx %arg8[%parallel_loop3A_423, %broadcast_in_dim3A_11] : memref<1024x16xf32, #tpu.memory_space<vmem>>[vector<16xi32>, vector<16xi32>], vector<16xf32>,
        %parallel_loop3A_465 = arith.constant 1 : i32
        %parallel_loop3A_466 = arith.constant 0 : i32
        %parallel_loop3A_467 = arith.constant 4 : i32
        %parallel_loop3A_468 = arith.index_cast %parallel_loop3A_465 : i32 to index
        %parallel_loop3A_469 = arith.index_cast %parallel_loop3A_466 : i32 to index
        %parallel_loop3A_470 = arith.index_cast %parallel_loop3A_236 : i32 to index
        %parallel_loop3A_471 = arith.index_cast %parallel_loop3A_467 : i32 to index
        %parallel_loop3A_472 = arith.index_cast %parallel_loop3A_255 : i32 to index
        %parallel_loop3A_473 = tpu.vector_load %arg10[%parallel_loop3A_468, %parallel_loop3A_469, %parallel_loop3A_470, %parallel_loop3A_471, %parallel_loop3A_472] {strides = array<i32>} : memref<2x2x4x8x128xf32, #tpu.memory_space<vmem>>, vector<16xf32>,
        tpu.vector_store %arg10[%parallel_loop3A_468, %parallel_loop3A_469, %parallel_loop3A_470, %parallel_loop3A_471, %parallel_loop3A_472], %parallel_loop3A_464 {strides = array<i32>} : memref<2x2x4x8x128xf32, #tpu.memory_space<vmem>>, vector<16xf32>,
        %parallel_loop3A_474 = tpu.vector_load_idx %arg8[%parallel_loop3A_423, %broadcast_in_dim3A_13] : memref<1024x16xf32, #tpu.memory_space<vmem>>[vector<16xi32>, vector<16xi32>], vector<16xf32>,
        %parallel_loop3A_475 = arith.constant 1 : i32
        %parallel_loop3A_476 = arith.constant 0 : i32
        %parallel_loop3A_477 = arith.constant 5 : i32
        %parallel_loop3A_478 = arith.index_cast %parallel_loop3A_475 : i32 to index
        %parallel_loop3A_479 = arith.index_cast %parallel_loop3A_476 : i32 to index
        %parallel_loop3A_480 = arith.index_cast %parallel_loop3A_236 : i32 to index
        %parallel_loop3A_481 = arith.index_cast %parallel_loop3A_477 : i32 to index
        %parallel_loop3A_482 = arith.index_cast %parallel_loop3A_255 : i32 to index
        %parallel_loop3A_483 = tpu.vector_load %arg10[%parallel_loop3A_478, %parallel_loop3A_479, %parallel_loop3A_480, %parallel_loop3A_481, %parallel_loop3A_482] {strides = array<i32>} : memref<2x2x4x8x128xf32, #tpu.memory_space<vmem>>, vector<16xf32>,
        tpu.vector_store %arg10[%parallel_loop3A_478, %parallel_loop3A_479, %parallel_loop3A_480, %parallel_loop3A_481, %parallel_loop3A_482], %parallel_loop3A_474 {strides = array<i32>} : memref<2x2x4x8x128xf32, #tpu.memory_space<vmem>>, vector<16xf32>,
        %parallel_loop3A_484 = tpu.vector_load_idx %arg8[%parallel_loop3A_423, %broadcast_in_dim3A_15] : memref<1024x16xf32, #tpu.memory_space<vmem>>[vector<16xi32>, vector<16xi32>], vector<16xf32>,
        %parallel_loop3A_485 = arith.constant 1 : i32
        %parallel_loop3A_486 = arith.constant 0 : i32
        %parallel_loop3A_487 = arith.constant 6 : i32
        %parallel_loop3A_488 = arith.index_cast %parallel_loop3A_485 : i32 to index
        %parallel_loop3A_489 = arith.index_cast %parallel_loop3A_486 : i32 to index
        %parallel_loop3A_490 = arith.index_cast %parallel_loop3A_236 : i32 to index
        %parallel_loop3A_491 = arith.index_cast %parallel_loop3A_487 : i32 to index
        %parallel_loop3A_492 = arith.index_cast %parallel_loop3A_255 : i32 to index
        %parallel_loop3A_493 = tpu.vector_load %arg10[%parallel_loop3A_488, %parallel_loop3A_489, %parallel_loop3A_490, %parallel_loop3A_491, %parallel_loop3A_492] {strides = array<i32>} : memref<2x2x4x8x128xf32, #tpu.memory_space<vmem>>, vector<16xf32>,
        tpu.vector_store %arg10[%parallel_loop3A_488, %parallel_loop3A_489, %parallel_loop3A_490, %parallel_loop3A_491, %parallel_loop3A_492], %parallel_loop3A_484 {strides = array<i32>} : memref<2x2x4x8x128xf32, #tpu.memory_space<vmem>>, vector<16xf32>,
        %parallel_loop3A_494 = tpu.vector_load_idx %arg8[%parallel_loop3A_423, %broadcast_in_dim3A_17] : memref<1024x16xf32, #tpu.memory_space<vmem>>[vector<16xi32>, vector<16xi32>], vector<16xf32>,
        %parallel_loop3A_495 = arith.constant 1 : i32
        %parallel_loop3A_496 = arith.constant 0 : i32
        %parallel_loop3A_497 = arith.constant 7 : i32
        %parallel_loop3A_498 = arith.index_cast %parallel_loop3A_495 : i32 to index
        %parallel_loop3A_499 = arith.index_cast %parallel_loop3A_496 : i32 to index
        %parallel_loop3A_500 = arith.index_cast %parallel_loop3A_236 : i32 to index
        %parallel_loop3A_501 = arith.index_cast %parallel_loop3A_497 : i32 to index
        %parallel_loop3A_502 = arith.index_cast %parallel_loop3A_255 : i32 to index
        %parallel_loop3A_503 = tpu.vector_load %arg10[%parallel_loop3A_498, %parallel_loop3A_499, %parallel_loop3A_500, %parallel_loop3A_501, %parallel_loop3A_502] {strides = array<i32>} : memref<2x2x4x8x128xf32, #tpu.memory_space<vmem>>, vector<16xf32>,
        tpu.vector_store %arg10[%parallel_loop3A_498, %parallel_loop3A_499, %parallel_loop3A_500, %parallel_loop3A_501, %parallel_loop3A_502], %parallel_loop3A_494 {strides = array<i32>} : memref<2x2x4x8x128xf32, #tpu.memory_space<vmem>>, vector<16xf32>,
        %parallel_loop3A_504 = tpu.vector_load_idx %arg8[%parallel_loop3A_423, %broadcast_in_dim3A_19] : memref<1024x16xf32, #tpu.memory_space<vmem>>[vector<16xi32>, vector<16xi32>], vector<16xf32>,
        %parallel_loop3A_505 = arith.constant 1 : i32
        %parallel_loop3A_506 = arith.constant 1 : i32
        %parallel_loop3A_507 = arith.constant 0 : i32
        %parallel_loop3A_508 = arith.index_cast %parallel_loop3A_505 : i32 to index
        %parallel_loop3A_509 = arith.index_cast %parallel_loop3A_506 : i32 to index
        %parallel_loop3A_510 = arith.index_cast %parallel_loop3A_236 : i32 to index
        %parallel_loop3A_511 = arith.index_cast %parallel_loop3A_507 : i32 to index
        %parallel_loop3A_512 = arith.index_cast %parallel_loop3A_255 : i32 to index
        %parallel_loop3A_513 = tpu.vector_load %arg10[%parallel_loop3A_508, %parallel_loop3A_509, %parallel_loop3A_510, %parallel_loop3A_511, %parallel_loop3A_512] {strides = array<i32>} : memref<2x2x4x8x128xf32, #tpu.memory_space<vmem>>, vector<16xf32>,
        tpu.vector_store %arg10[%parallel_loop3A_508, %parallel_loop3A_509, %parallel_loop3A_510, %parallel_loop3A_511, %parallel_loop3A_512], %parallel_loop3A_504 {strides = array<i32>} : memref<2x2x4x8x128xf32, #tpu.memory_space<vmem>>, vector<16xf32>,
        %parallel_loop3A_514 = tpu.vector_load_idx %arg8[%parallel_loop3A_423, %broadcast_in_dim3A_21] : memref<1024x16xf32, #tpu.memory_space<vmem>>[vector<16xi32>, vector<16xi32>], vector<16xf32>,
        %parallel_loop3A_515 = arith.constant 1 : i32
        %parallel_loop3A_516 = arith.constant 1 : i32
        %parallel_loop3A_517 = arith.constant 1 : i32
        %parallel_loop3A_518 = arith.index_cast %parallel_loop3A_515 : i32 to index
        %parallel_loop3A_519 = arith.index_cast %parallel_loop3A_516 : i32 to index
        %parallel_loop3A_520 = arith.index_cast %parallel_loop3A_236 : i32 to index
        %parallel_loop3A_521 = arith.index_cast %parallel_loop3A_517 : i32 to index
        %parallel_loop3A_522 = arith.index_cast %parallel_loop3A_255 : i32 to index
        %parallel_loop3A_523 = tpu.vector_load %arg10[%parallel_loop3A_518, %parallel_loop3A_519, %parallel_loop3A_520, %parallel_loop3A_521, %parallel_loop3A_522] {strides = array<i32>} : memref<2x2x4x8x128xf32, #tpu.memory_space<vmem>>, vector<16xf32>,
        tpu.vector_store %arg10[%parallel_loop3A_518, %parallel_loop3A_519, %parallel_loop3A_520, %parallel_loop3A_521, %parallel_loop3A_522], %parallel_loop3A_514 {strides = array<i32>} : memref<2x2x4x8x128xf32, #tpu.memory_space<vmem>>, vector<16xf32>,
        %parallel_loop3A_524 = tpu.vector_load_idx %arg8[%parallel_loop3A_423, %broadcast_in_dim3A_23] : memref<1024x16xf32, #tpu.memory_space<vmem>>[vector<16xi32>, vector<16xi32>], vector<16xf32>,
        %parallel_loop3A_525 = arith.constant 1 : i32
        %parallel_loop3A_526 = arith.constant 1 : i32
        %parallel_loop3A_527 = arith.constant 2 : i32
        %parallel_loop3A_528 = arith.index_cast %parallel_loop3A_525 : i32 to index
        %parallel_loop3A_529 = arith.index_cast %parallel_loop3A_526 : i32 to index
        %parallel_loop3A_530 = arith.index_cast %parallel_loop3A_236 : i32 to index
        %parallel_loop3A_531 = arith.index_cast %parallel_loop3A_527 : i32 to index
        %parallel_loop3A_532 = arith.index_cast %parallel_loop3A_255 : i32 to index
        %parallel_loop3A_533 = tpu.vector_load %arg10[%parallel_loop3A_528, %parallel_loop3A_529, %parallel_loop3A_530, %parallel_loop3A_531, %parallel_loop3A_532] {strides = array<i32>} : memref<2x2x4x8x128xf32, #tpu.memory_space<vmem>>, vector<16xf32>,
        tpu.vector_store %arg10[%parallel_loop3A_528, %parallel_loop3A_529, %parallel_loop3A_530, %parallel_loop3A_531, %parallel_loop3A_532], %parallel_loop3A_524 {strides = array<i32>} : memref<2x2x4x8x128xf32, #tpu.memory_space<vmem>>, vector<16xf32>,
        %parallel_loop3A_534 = tpu.vector_load_idx %arg8[%parallel_loop3A_423, %broadcast_in_dim3A_25] : memref<1024x16xf32, #tpu.memory_space<vmem>>[vector<16xi32>, vector<16xi32>], vector<16xf32>,
        %parallel_loop3A_535 = arith.constant 1 : i32
        %parallel_loop3A_536 = arith.constant 1 : i32
        %parallel_loop3A_537 = arith.constant 3 : i32
        %parallel_loop3A_538 = arith.index_cast %parallel_loop3A_535 : i32 to index
        %parallel_loop3A_539 = arith.index_cast %parallel_loop3A_536 : i32 to index
        %parallel_loop3A_540 = arith.index_cast %parallel_loop3A_236 : i32 to index
        %parallel_loop3A_541 = arith.index_cast %parallel_loop3A_537 : i32 to index
        %parallel_loop3A_542 = arith.index_cast %parallel_loop3A_255 : i32 to index
        %parallel_loop3A_543 = tpu.vector_load %arg10[%parallel_loop3A_538, %parallel_loop3A_539, %parallel_loop3A_540, %parallel_loop3A_541, %parallel_loop3A_542] {strides = array<i32>} : memref<2x2x4x8x128xf32, #tpu.memory_space<vmem>>, vector<16xf32>,
        tpu.vector_store %arg10[%parallel_loop3A_538, %parallel_loop3A_539, %parallel_loop3A_540, %parallel_loop3A_541, %parallel_loop3A_542], %parallel_loop3A_534 {strides = array<i32>} : memref<2x2x4x8x128xf32, #tpu.memory_space<vmem>>, vector<16xf32>,
        %parallel_loop3A_544 = tpu.vector_load_idx %arg8[%parallel_loop3A_423, %broadcast_in_dim3A_27] : memref<1024x16xf32, #tpu.memory_space<vmem>>[vector<16xi32>, vector<16xi32>], vector<16xf32>,
        %parallel_loop3A_545 = arith.constant 1 : i32
        %parallel_loop3A_546 = arith.constant 1 : i32
        %parallel_loop3A_547 = arith.constant 4 : i32
        %parallel_loop3A_548 = arith.index_cast %parallel_loop3A_545 : i32 to index
        %parallel_loop3A_549 = arith.index_cast %parallel_loop3A_546 : i32 to index
        %parallel_loop3A_550 = arith.index_cast %parallel_loop3A_236 : i32 to index
        %parallel_loop3A_551 = arith.index_cast %parallel_loop3A_547 : i32 to index
        %parallel_loop3A_552 = arith.index_cast %parallel_loop3A_255 : i32 to index
        %parallel_loop3A_553 = tpu.vector_load %arg10[%parallel_loop3A_548, %parallel_loop3A_549, %parallel_loop3A_550, %parallel_loop3A_551, %parallel_loop3A_552] {strides = array<i32>} : memref<2x2x4x8x128xf32, #tpu.memory_space<vmem>>, vector<16xf32>,
        tpu.vector_store %arg10[%parallel_loop3A_548, %parallel_loop3A_549, %parallel_loop3A_550, %parallel_loop3A_551, %parallel_loop3A_552], %parallel_loop3A_544 {strides = array<i32>} : memref<2x2x4x8x128xf32, #tpu.memory_space<vmem>>, vector<16xf32>,
        %parallel_loop3A_554 = tpu.vector_load_idx %arg8[%parallel_loop3A_423, %broadcast_in_dim3A_29] : memref<1024x16xf32, #tpu.memory_space<vmem>>[vector<16xi32>, vector<16xi32>], vector<16xf32>,
        %parallel_loop3A_555 = arith.constant 1 : i32
        %parallel_loop3A_556 = arith.constant 1 : i32
        %parallel_loop3A_557 = arith.constant 5 : i32
        %parallel_loop3A_558 = arith.index_cast %parallel_loop3A_555 : i32 to index
        %parallel_loop3A_559 = arith.index_cast %parallel_loop3A_556 : i32 to index
        %parallel_loop3A_560 = arith.index_cast %parallel_loop3A_236 : i32 to index
        %parallel_loop3A_561 = arith.index_cast %parallel_loop3A_557 : i32 to index
        %parallel_loop3A_562 = arith.index_cast %parallel_loop3A_255 : i32 to index
        %parallel_loop3A_563 = tpu.vector_load %arg10[%parallel_loop3A_558, %parallel_loop3A_559, %parallel_loop3A_560, %parallel_loop3A_561, %parallel_loop3A_562] {strides = array<i32>} : memref<2x2x4x8x128xf32, #tpu.memory_space<vmem>>, vector<16xf32>,
        tpu.vector_store %arg10[%parallel_loop3A_558, %parallel_loop3A_559, %parallel_loop3A_560, %parallel_loop3A_561, %parallel_loop3A_562], %parallel_loop3A_554 {strides = array<i32>} : memref<2x2x4x8x128xf32, #tpu.memory_space<vmem>>, vector<16xf32>,
        %parallel_loop3A_564 = tpu.vector_load_idx %arg8[%parallel_loop3A_423, %broadcast_in_dim3A_31] : memref<1024x16xf32, #tpu.memory_space<vmem>>[vector<16xi32>, vector<16xi32>], vector<16xf32>,
        %parallel_loop3A_565 = arith.constant 1 : i32
        %parallel_loop3A_566 = arith.constant 1 : i32
        %parallel_loop3A_567 = arith.constant 6 : i32
        %parallel_loop3A_568 = arith.index_cast %parallel_loop3A_565 : i32 to index
        %parallel_loop3A_569 = arith.index_cast %parallel_loop3A_566 : i32 to index
        %parallel_loop3A_570 = arith.index_cast %parallel_loop3A_236 : i32 to index
        %parallel_loop3A_571 = arith.index_cast %parallel_loop3A_567 : i32 to index
        %parallel_loop3A_572 = arith.index_cast %parallel_loop3A_255 : i32 to index
        %parallel_loop3A_573 = tpu.vector_load %arg10[%parallel_loop3A_568, %parallel_loop3A_569, %parallel_loop3A_570, %parallel_loop3A_571, %parallel_loop3A_572] {strides = array<i32>} : memref<2x2x4x8x128xf32, #tpu.memory_space<vmem>>, vector<16xf32>,
        tpu.vector_store %arg10[%parallel_loop3A_568, %parallel_loop3A_569, %parallel_loop3A_570, %parallel_loop3A_571, %parallel_loop3A_572], %parallel_loop3A_564 {strides = array<i32>} : memref<2x2x4x8x128xf32, #tpu.memory_space<vmem>>, vector<16xf32>,
        %parallel_loop3A_574 = tpu.vector_load_idx %arg8[%parallel_loop3A_423, %broadcast_in_dim3A_33] : memref<1024x16xf32, #tpu.memory_space<vmem>>[vector<16xi32>, vector<16xi32>], vector<16xf32>,
        %parallel_loop3A_575 = arith.constant 1 : i32
        %parallel_loop3A_576 = arith.constant 1 : i32
        %parallel_loop3A_577 = arith.constant 7 : i32
        %parallel_loop3A_578 = arith.index_cast %parallel_loop3A_575 : i32 to index
        %parallel_loop3A_579 = arith.index_cast %parallel_loop3A_576 : i32 to index
        %parallel_loop3A_580 = arith.index_cast %parallel_loop3A_236 : i32 to index
        %parallel_loop3A_581 = arith.index_cast %parallel_loop3A_577 : i32 to index
        %parallel_loop3A_582 = arith.index_cast %parallel_loop3A_255 : i32 to index
        %parallel_loop3A_583 = tpu.vector_load %arg10[%parallel_loop3A_578, %parallel_loop3A_579, %parallel_loop3A_580, %parallel_loop3A_581, %parallel_loop3A_582] {strides = array<i32>} : memref<2x2x4x8x128xf32, #tpu.memory_space<vmem>>, vector<16xf32>,
        tpu.vector_store %arg10[%parallel_loop3A_578, %parallel_loop3A_579, %parallel_loop3A_580, %parallel_loop3A_581, %parallel_loop3A_582], %parallel_loop3A_574 {strides = array<i32>} : memref<2x2x4x8x128xf32, #tpu.memory_space<vmem>>, vector<16xf32>,
      } {sc.loop_unroll_factor = 4 : i64, sc.parallel_access}
      %mul3A_189 = arith.constant 2 : i32
      %mul3A_190 = arith.muli %add3A_153, %mul3A_189 : i32
      %multiple_of3A_191 = tpu.assume_multiple %mul3A_190, 2 : i32
      %mul3A_192 = arith.constant 4 : i32
      %mul3A_193 = arith.muli %add3A, %mul3A_192 : i32
      %dma_start3A_194 = arith.constant 0 : i32
      %dma_start3A_195 = arith.constant 0 : i32
      %dma_start3A_196 = arith.constant 0 : i32
      %dma_start3A_197 = tpu.memref_slice %arg4[%multiple_of3A_191, %dma_start3A_194, %mul3A_193, %dma_start3A_195, %dma_start3A_196] : memref<200x2x128x8x128xf32, #tpu.memory_space<hbm>> -> memref<2x2x4x8x128xf32, #tpu.memory_space<hbm>>
      %dma_start3A_198 = arith.constant 0 : i32
      %dma_start3A_199 = arith.constant 0 : i32
      %dma_start3A_200 = arith.constant 0 : i32
      %dma_start3A_201 = tpu.memref_slice %arg4[%multiple_of3A_191, %dma_start3A_198, %mul3A_193, %dma_start3A_199, %dma_start3A_200] : memref<200x2x128x8x128xf32, #tpu.memory_space<hbm>> -> memref<2x2x4x8x128xf32, #tpu.memory_space<hbm>>
      tpu.enqueue_dma source(%arg10 : memref<2x2x4x8x128xf32, #tpu.memory_space<vmem>>) target(%dma_start3A_201 : memref<2x2x4x8x128xf32, #tpu.memory_space<hbm>>) target_semaphore(%arg16 : memref<!tpu.dma_semaphore, #tpu.memory_space<semaphore_mem>>)
      %add3A_202 = arith.constant 2 : i32
      %add3A_203 = arith.addi %add3A_153, %add3A_202 : i32
      %lt3A_204 = arith.constant 100 : i32
      %lt3A_205 = arith.cmpi slt, %add3A_203, %lt3A_204 : i32
      %convert_element_type3A_206 = arith.extui %lt3A_205 : i1 to i32
      %cond3A_207 = arith.constant 0 : i32
      %cond3A_208 = arith.cmpi ne, %convert_element_type3A_206, %cond3A_207 : i32
      scf.if %cond3A_208 {
        %add3A_209 = arith.constant 2 : i32
        %add3A_210 = arith.addi %add3A_153, %add3A_209 : i32
        %mul3A_211 = arith.constant 2 : i32
        %mul3A_212 = arith.muli %add3A_210, %mul3A_211 : i32
        %multiple_of3A_213 = tpu.assume_multiple %mul3A_212, 2 : i32
        %dma_start3A_214 = tpu.memref_slice %arg2[%multiple_of3A_213, %multiple_of3A] : memref<200x16384xi32, #tpu.memory_space<hbm>> -> memref<2x512xi32, #tpu.memory_space<hbm>>
        %dma_start3A_215 = tpu.memref_slice %arg2[%multiple_of3A_213, %multiple_of3A] : memref<200x16384xi32, #tpu.memory_space<hbm>> -> memref<2x512xi32, #tpu.memory_space<hbm>>
        tpu.enqueue_dma source(%dma_start3A_215 : memref<2x512xi32, #tpu.memory_space<hbm>>) target(%arg6 : memref<2x512xi32, #tpu.memory_space<vmem>>) target_semaphore(%arg12 : memref<!tpu.dma_semaphore, #tpu.memory_space<semaphore_mem>>)
      } else {
      }
    }
    %scan3A_70 = arith.constant 50 : i32
    %dma_wait3A_71 = arith.constant 0 : i32
    %dma_wait3A_72 = arith.constant 0 : i32
    %dma_wait3A_73 = arith.constant 0 : i32
    %dma_wait3A_74 = arith.constant 0 : i32
    %dma_wait3A_75 = arith.constant 0 : i32
    %dma_wait3A_76 = tpu.memref_slice %arg4[%dma_wait3A_71, %dma_wait3A_72, %dma_wait3A_73, %dma_wait3A_74, %dma_wait3A_75] : memref<200x2x128x8x128xf32, #tpu.memory_space<hbm>> -> memref<2x2x4x8x128xf32, #tpu.memory_space<hbm>>
    %dma_wait3A_77 = arith.constant 0 : i32
    %dma_wait3A_78 = arith.constant 0 : i32
    %dma_wait3A_79 = arith.constant 0 : i32
    %dma_wait3A_80 = arith.constant 0 : i32
    %dma_wait3A_81 = arith.constant 0 : i32
    %dma_wait3A_82 = tpu.memref_slice %arg4[%dma_wait3A_77, %dma_wait3A_78, %dma_wait3A_79, %dma_wait3A_80, %dma_wait3A_81] : memref<200x2x128x8x128xf32, #tpu.memory_space<hbm>> -> memref<2x2x4x8x128xf32, #tpu.memory_space<hbm>>
    tpu.wait_dma2 semaphore(%arg15 : memref<!tpu.dma_semaphore, #tpu.memory_space<semaphore_mem>>) src(%arg9 : memref<2x2x4x8x128xf32, #tpu.memory_space<vmem>>) dst(%dma_wait3A_82 : memref<2x2x4x8x128xf32, #tpu.memory_space<hbm>>)
    %dma_wait3A_83 = arith.constant 0 : i32
    %dma_wait3A_84 = arith.constant 0 : i32
    %dma_wait3A_85 = arith.constant 0 : i32
    %dma_wait3A_86 = arith.constant 0 : i32
    %dma_wait3A_87 = arith.constant 0 : i32
    %dma_wait3A_88 = tpu.memref_slice %arg4[%dma_wait3A_83, %dma_wait3A_84, %dma_wait3A_85, %dma_wait3A_86, %dma_wait3A_87] : memref<200x2x128x8x128xf32, #tpu.memory_space<hbm>> -> memref<2x2x4x8x128xf32, #tpu.memory_space<hbm>>
    %dma_wait3A_89 = arith.constant 0 : i32
    %dma_wait3A_90 = arith.constant 0 : i32
    %dma_wait3A_91 = arith.constant 0 : i32
    %dma_wait3A_92 = arith.constant 0 : i32
    %dma_wait3A_93 = arith.constant 0 : i32
    %dma_wait3A_94 = tpu.memref_slice %arg4[%dma_wait3A_89, %dma_wait3A_90, %dma_wait3A_91, %dma_wait3A_92, %dma_wait3A_93] : memref<200x2x128x8x128xf32, #tpu.memory_space<hbm>> -> memref<2x2x4x8x128xf32, #tpu.memory_space<hbm>>
    tpu.wait_dma2 semaphore(%arg16 : memref<!tpu.dma_semaphore, #tpu.memory_space<semaphore_mem>>) src(%arg10 : memref<2x2x4x8x128xf32, #tpu.memory_space<vmem>>) dst(%dma_wait3A_94 : memref<2x2x4x8x128xf32, #tpu.memory_space<hbm>>)
    return
  }
}

</mosaic_0001>

<sc_bundles>
// kernel: kernel.3.cloned.1.call-start
scs
__scs_entry_jumppad:
0x0: {  	(pc) =	sbr.rel $0x88, $3  }
0x1: {  	(tag) =	ssettag $0x0;
	lr =	simm.s32 $0x1  }
0x2: {  	[smem:$0x3F9F] =	sst lr;
	_ =	strace $0xD0000000  }
0x3: {  	_ = 	snop  }
0x4: {  	_ = 	snop  }
0x5: {  	_ = 	snop  }
0x6: {  	_ = 	snop  }
0x7: {  	_ = 	snop  }
__scs_overlays_trampoline_lowered:
0x8: {  	[smem:$0x3FAE] =	sst s0  }
0x9: {  	[smem:$0x3FAF] =	sst s1  }
0xa: {  	[smem:$0x3FB0] =	sst s2  }
0xb: {  	[smem:$0x3FB1] =	sst s3  }
0xc: {  	[smem:$0x3FB2] =	sst s4  }
0xd: {  	[smem:$0x3FB3] =	sst s5  }
0xe: {  	[smem:$0x3FB4] =	sst s6  }
0xf: {  	[smem:$0x3FB5] =	sst s7  }
0x10: {  	[smem:$0x3FB6] =	sst s8  }
0x11: {  	[smem:$0x3FB7] =	sst s9;
	s0 =	simm.s32 @!p0 $0x0  }
0x12: {  	s1 =	sld [smem:$0x3F9D];
	s0 =	simm.s32 @p0 $0x1  }
0x13: {  	[smem:$0x3FB8] =	sst s0;
	s0 =	simm.s32 @!p1 $0x0  }
0x14: {  	s2 =	sld [smem:$0x3F9C];
	s0 =	simm.s32 @p1 $0x1  }
0x15: {  	[smem:$0x3FB9] =	sst s0;
	s0 =	simm.s32 @!p2 $0x0  }
0x16: {  	s3 =	sld [smem:$0x3FDB];
	s0 =	simm.s32 @p2 $0x1  }
0x17: {  	s4 =	simm.s32 $0x1BF5;
	[smem:$0x3FBB] =	sst s0  }
0x18: {  	s0 =	sld [smem:$0x3F9E];
	_ =	swait.ge [sflag:s4], $0x0  }
0x19: {  	s7 =	sld [smem:$0x3F9F]  }
0x1a: {  	s8 =	sadd.s32 $0xFFFFE003, lr  }
0x1b: {  	s9 =	sadd.s32 $0xFFFFFEF7, lr;
	s5 =	simm.s32 $0xFFFFFFFF;
	p2 =	slt.u32 s8, $0xFFFFF086  }
0x1c: {  	p1 =	slt.u32 s9, $0xF7A;
	s5 =	simm.s32 @!p2 $0x0  }
0x1d: {  	s5 =	simm.s32 @p1 $0x1;
	p0 =	seq.s32 s7, s2  }
0x1e: {  	s7 =	smul.u32 @!p0 $0xF7A, s2;
	p2 =	seq.s32 @!p0 s5, $0x0  }
0x1f: {  	s9 =	smul.u32 $0xF7A, s1;
	s8 =	simm.s32 @!p0 $0x1BF5;
	p2 =	por !p2, p0  }
0x20: {  	[sflag:s8] =	ssyncset.s32 @!p0 $0xFFFFF086;
	s6 =	sadd.s32 @!p0 s3, s7;
	s7 =	simm.s32 @!p0 $0x108  }
0x21: {  	s3 =	sadd.s32 s3, s9;
	s6 =	sadd.s32 @!p0 $0x88, s6;
	s7 =	simm.s32 @p2 $0x1082  }
0x22: {  	[simem:s7], [sflag:s8] =	dma.local @!p0 [hbm:s6], $0xF7A  }
0x23: {  	s9 =	sor.u32 $0xD0000000, s2;
	s6 =	simm.s32 $0x108;
	_ =	swait.ge @!p0 [sflag:s8], $0x0  }
0x24: {  	s3 =	sadd.s32 $0x88, s3;
	s6 =	simm.s32 @!p1 $0x1082;
	[sflag:s4] =	ssyncset.s32 $0xFFFFF086  }
0x25: {  	[simem:s6], [sflag:s4] =	dma.local [hbm:s3], $0xF7A  }
0x26: {  	[smem:$0x3F9F] =	sst s1;
	(tag) =	ssettag s2;
	_ =	strace s9  }
0x27: {  	s1 =	sld [smem:$0x3FAF]  }
0x28: {  	s2 =	sld [smem:$0x3FB0]  }
0x29: {  	s4 =	sld [smem:$0x3FB2]  }
0x2a: {  	p0 =	seq.s32 s5, $0x0;
	s5 =	sld [smem:$0x3FB3]  }
0x2b: {  	s6 =	sld [smem:$0x3FB4]  }
0x2c: {  	s7 =	sld [smem:$0x3FB5]  }
0x2d: {  	s3 =	simm.s32 $0x108;
	s8 =	sld [smem:$0x3FB6]  }
0x2e: {  	s3 =	simm.s32 @!p0 $0x1082;
	s9 =	sld [smem:$0x3FB7]  }
0x2f: {  	lr =	sadd.s32 s0, s3;
	s0 =	sld [smem:$0x3FAE]  }
0x30: {  	s3 =	sld [smem:$0x3FB1]  }
0x31: {  	[smem:$0x3FBA] =	sst s10  }
0x32: {  	s10 =	sld [smem:$0x3FB8];
	_ =	sdelay $0x3  }
0x33: {  	p0 =	seq.s32 s10, $0x1;
	s10 =	sld [smem:$0x3FBA];
	_ =	sdelay $0x3  }
0x34: {  	[smem:$0x3FBA] =	sst s10  }
0x35: {  	s10 =	sld [smem:$0x3FB9];
	_ =	sdelay $0x3  }
0x36: {  	p1 =	seq.s32 s10, $0x1;
	s10 =	sld [smem:$0x3FBA];
	_ =	sdelay $0x3  }
0x37: {  	[smem:$0x3FBA] =	sst s10  }
0x38: {  	s10 =	sld [smem:$0x3FBB]  }
0x39: {  	_ = 	snop;
	(pc) =	sbr.ind lr, $3  }
0x3a: {  	_ = 	snop  }
0x3b: {  	_ = 	snop  }
0x3c: {  	p2 =	seq.s32 s10, $0x1;
	s10 =	sld [smem:$0x3FBA]  }
0x3d: {  	_ =	shalt  }
0x3e: {  	_ =	shalt  }
0x3f: {  	_ =	shalt  }
0x40: {  	_ =	shalt  }
0x41: {  	_ =	shalt  }
0x42: {  	_ =	shalt  }
0x43: {  	_ =	shalt  }
0x44: {  	_ =	shalt  }
0x45: {  	_ =	shalt  }
0x46: {  	_ =	shalt  }
0x47: {  	_ =	shalt  }
0x48: {  	_ =	shalt  }
0x49: {  	_ =	shalt  }
0x4a: {  	_ =	shalt  }
0x4b: {  	_ =	shalt  }
0x4c: {  	_ =	shalt  }
0x4d: {  	_ =	shalt  }
0x4e: {  	_ =	shalt  }
0x4f: {  	_ =	shalt  }
0x50: {  	_ =	shalt  }
0x51: {  	_ =	shalt  }
0x52: {  	_ =	shalt  }
0x53: {  	_ =	shalt  }
0x54: {  	_ =	shalt  }
0x55: {  	_ =	shalt  }
0x56: {  	_ =	shalt  }
0x57: {  	_ =	shalt  }
0x58: {  	_ =	shalt  }
0x59: {  	_ =	shalt  }
0x5a: {  	_ =	shalt  }
0x5b: {  	_ =	shalt  }
0x5c: {  	_ =	shalt  }
0x5d: {  	_ =	shalt  }
0x5e: {  	_ =	shalt  }
0x5f: {  	_ =	shalt  }
0x60: {  	_ =	shalt  }
0x61: {  	_ =	shalt  }
0x62: {  	_ =	shalt  }
0x63: {  	_ =	shalt  }
0x64: {  	_ =	shalt  }
0x65: {  	_ =	shalt  }
0x66: {  	_ =	shalt  }
0x67: {  	_ =	shalt  }
0x68: {  	_ =	shalt  }
0x69: {  	_ =	shalt  }
0x6a: {  	_ =	shalt  }
0x6b: {  	_ =	shalt  }
0x6c: {  	_ =	shalt  }
0x6d: {  	_ =	shalt  }
0x6e: {  	_ =	shalt  }
0x6f: {  	_ =	shalt  }
0x70: {  	_ =	shalt  }
0x71: {  	_ =	shalt  }
0x72: {  	_ =	shalt  }
0x73: {  	_ =	shalt  }
0x74: {  	_ =	shalt  }
0x75: {  	_ =	shalt  }
0x76: {  	_ =	shalt  }
0x77: {  	_ =	shalt  }
0x78: {  	_ =	shalt  }
0x79: {  	_ =	shalt  }
0x7a: {  	_ =	shalt  }
0x7b: {  	_ =	shalt  }
0x7c: {  	_ =	shalt  }
0x7d: {  	_ =	shalt  }
0x7e: {  	_ =	shalt  }
0x7f: {  	_ =	shalt  }
0x80: {  	_ =	shalt  }
0x81: {  	_ =	shalt  }
0x82: {  	_ =	shalt  }
0x83: {  	_ =	shalt  }
0x84: {  	_ =	shalt  }
0x85: {  	_ =	shalt  }
0x86: {  	_ =	shalt  }
0x87: {  	_ =	shalt  }
.Lfunc_end0:
.L_simem_size_0:
called_computation_lowered:
.L_overlay_start_0:
0x88: {  	s2 =	sld [smem:$0x3FD9]  }
0x89: {  	s3 =	sld [smem:$0x3FFE];
	_ =	sdelay $0x1  }
0x8a: {  	s1 =	srdreg.scid  }
0x8b: {  	s0 =	sand.u32 $0x1, s1  }
0x8c: {  	s17 =	sshll.u32 s0, $0xA;
	s2 =	sadd.s32 s3, s2  }
0x8d: {  	s2 =	sadd.s32 s2, s17  }
0x8e: {  	[smem:$0x3FC6] =	sst s2  }
0x8f: {  	_ = 	snop  }
0x90: {  	s2 =	sld [smem:$0x3FD0];
	(tm) =	ssettm $0x1  }
0x91: {  	s18 =	sld [smem:$0x3FFB];
	_ =	sdelay $0x3  }
0x92: {  	_ =	strace s18  }
0x93: {  	s3 =	sld [smem:$0x3FFC];
	_ =	sdelay $0x3  }
0x94: {  	_ =	strace s3  }
0x95: {  	s3 =	sld [smem:$0x3FFD];
	_ =	sdelay $0x3  }
0x96: {  	_ =	strace s3  }
0x97: {  	_ =	strace $0x8FFFFFFF  }
0x98: {  	s19 =	sld [smem:$0x3FDB];
	_ =	sdelay $0x1  }
0x99: {  	s4 =	simm.s32 $_scs_section_size  }
0x9a: {  	s5 =	simm.s32 $_size__tile_overlayer_lowered;
	s6 =	simm.s32 $_tile_overlayer_lowered  }
0x9b: {  	s22 =	simm.s32 $0x1BFF;
	s21 =	sshll.u32 s6, $0x1;
	s3 =	sadd.s32 s4, s19  }
0x9c: {  	s7 =	simm.s32 $0x0;
	s20 =	sshll.u32 s5, $0x1;
	s5 =	sadd.s32 s21, s3  }
0x9d: {  	[timem:s7], [sflag:s22] =	dma.local [hbm:s5], s20  }
0x9e: {  	_ =	swait.ge [sflag:s22], s20  }
0x9f: {  	s4 =	ssub.s32 $0x0, s20;
	[sflag:s22] =	ssyncset.done $0x0  }
0xa0: {  	[sflag:s22] =	ssyncadd.s32 s4;
	_ =	sdelay $0x1  }
0xa1: {  	s23 =	simm.s32 $0x1B8B  }
0xa2: {  	_ =	swait.ge [sflag:s23], $0x1  }
0xa3: {  	[sflag:s23] =	ssyncset.done $0x0  }
0xa4: {  	s25 =	simm.s32 $0x1B8E;
	s24 =	sld [smem:$0x3FFE];
	[sflag:s23] =	ssyncadd.s32 $0xFFFFFFFF  }
0xa5: {  	s26 =	simm.s32 $execute0_lowered;
	[smem:$0x3FD2] =	sst s25  }
0xa6: {  	s5 =	sshll.u32 s26, $0x1;
	_ =	strace $0x80000046;
	[dreg:$0x1] =	wrdreg $0xFFFFFFFF  }
0xa7: {  	s28 =	simm.s32 $_size_execute0_lowered;
	s3 =	sadd.s32 s3, s5;
	[dreg:$0x0] =	wrdreg $0x0  }
0xa8: {  	s5 =	sshll.u32 s28, $0x1;
	[dreg:$0x2] =	wrdreg s3  }
0xa9: {  	[dreg:$0x3] =	wrdreg s5  }
0xaa: {  	[dreg:$0x4] =	wrdreg $0xC0  }
0xab: {  	_ =	task [dreg:s7], $0x5FFFF  }
0xac: {  	[dreg:$0x1] =	wrdreg $0xFFFFFFFF  }
0xad: {  	[dreg:$0x0] =	wrdreg $0x60  }
0xae: {  	[dreg:$0x2] =	wrdreg s24  }
0xaf: {  	[dreg:$0x3] =	wrdreg s2  }
0xb0: {  	[dreg:$0x4] =	wrdreg $0x9  }
0xb1: {  	_ =	task.clear_ibuf [dreg:s7], $0x5FFFF;
	_ =	strace $0x90000046  }
0xb2: {  	s29 =	simm.s32 $0x9;
	_ =	strace $0x80000048  }
0xb3: {  	_ =	swait.ge [sflag:s29], $0x1  }
0xb4: {  	[sflag:s29] =	ssyncadd.s32 $0xFFFFFFFF  }
0xb5: {  	_ =	strace $0x90000048  }
0xb6: {  	_ =	sfence  }
0xb7: {  	s30 =	sld [smem:$0x0];
	_ =	sdelay $0x2  }
0xb8: {  	s31 =	sshll.u32 s1, $0xD;
	s1 =	sshrl.u32 s1, $0x2  }
0xb9: {  	s3 =	sand.u32 $0x4000, s31;
	s1 =	sadd.s32 s1, s30  }
0xba: {  	s0 =	sor.u32 s3, s0;
	s1 =	sshll.u32 s1, $0x11  }
0xbb: {  	s0 =	sor.u32 s1, s0  }
0xbc: {  	s0 =	sadd.s32 $0x8F2B, s0  }
0xbd: {  	[sflag:s0] =	ssyncadd.remote.s32 $0x1  }
0xbe: {  	_ =	sfence.sel $0xFFFF  }
0xbf: {  	[dreg:$0x0] =	wrdreg $0xFFFFFFFF;
	(pc) =	sbr.abs _section_cstart, $3  }
0xc0: {  	[dreg:$0x1] =	wrdreg $0xFFFFFFFF  }
0xc1: {  	_ =	task.clear_ibuf [dreg:s7], $0x2FFFF;
	_ =	strace $0x9FFFFFFF  }
0xc2: {  	(tm) =	ssettm $0x7FFFFFFF  }
0xc3: {  	_ =	shalt  }
tec
execute0_lowered:
.L_overlay_start_1:
0x0: {  	(tag) =	ssettag $0x1  }
0x1: {  	s0 =	rddreg [dreg:$0x0]  }
0x2: {  	s4 =	rddreg [dreg:$0x1]  }
0x3: {  	s1 =	simm.s32 $0x0;
	s28 =	srdreg.scid;
	s2 =	stileid.u32  }
0x4: {  	s17 =	simm.s32 $0x800;
	[smem:$0x7FF] =	sst s1;
	s1 =	sand.u32 $0x1, s28  }
0x5: {  	s2 =	sshll.u32 s2, $0x1;
	s5 =	sadd.s32 $0x600, s0;
	s0 =	sadd.s32 $0xF42A00, s0  }
0x6: {  	s31 =	sadd.s32 $0x10000, s4;
	_ =	strace $0x80000047;
	[dreg:$0x8] =	wrdreg s0  }
0x7: {  	s3 =	ssub.s32 $0x2, s1;
	s1 =	sor.u32 s1, s2;
	[dreg:$0x7] =	wrdreg s5  }
0x8: {  	[dreg:$0xe] =	wrdreg s31;
	s2 =	sshll.u32 s1, $0x6;
	s1 =	sshll.u32 s1, $0x9  }
0x9: {  	s20 =	simm.s32 $0x4800;
	s2 =	sadd.s32 s5, s2;
	[dreg:$0x9] =	wrdreg s1  }
.Ltmp0:
0xa: {  	s30 =	sor.u32 $0x10000, s1;
	[dreg:$0xa] =	wrdreg s2;
	(pc) =	sbr.rel .LBB2_1-.Ltmp0, $4  }
0xb: {  	v0 =	vlaneseq.u32;
	s29 =	sshrl.u32 s3, $0x1;
	s1 =	sor.u32 $0x18000, s1;
	[dreg:$0xc] =	wrdreg s30  }
0xc: {  	v26 =	vmul.u32 $0x10, v0;
	s0 =	ssub.s32 s3, s29;
	s2 =	sadd.s32 $0x1000, s2;
	[dreg:$0xd] =	wrdreg s1  }
0xd: {  	s4 =	simm.s32 $0x400;
	s0 =	smax.u32 s0, $0x1;
	[dreg:$0xb] =	wrdreg s2  }
0xe: {  	[tilespmem:$0x1FFF0] =	vst v26;
	s3 =	simm.s32 $0x0;
	[dreg:$0xf] =	wrdreg s0;
	s2 =	simm.s32 $0x200  }
.LBB2_8:
0xf: {  	s0 =	simm.s32 $0x5  }
0x10: {  	_ =	swait.ge [sflag:s0], $0x4000  }
0x11: {  	[sflag:s0] =	ssyncset.done $0x0  }
0x12: {  	s1 =	simm.s32 $0x6;
	[sflag:s0] =	ssyncadd.s32 $0xFFFFC000  }
0x13: {  	_ =	swait.ge [sflag:s1], $0x4000  }
0x14: {  	s3 =	rddreg [dreg:$0x10]  }
0x15: {  	s31 =	rddreg [dreg:$0xf];
	s3 =	sadd.s32 $0x1, s3  }
0x16: {  	p0 =	sne.s32 s3, s31  }
.Ltmp1:
0x17: {  	_ = 	snop;
	(pc) =	sbr.rel @!p0 .LBB2_9-.Ltmp1, $3  }
0x18: {  	_ =	sdelay $0x1  }
0x19: {  	[sflag:s1] =	ssyncset.done $0x0  }
0x1a: {  	s2 =	simm.s32 $0x200;
	s4 =	simm.s32 $0x400;
	[sflag:s1] =	ssyncadd.s32 $0xFFFFC000  }
.LBB2_1:
0x1b: {  	[dreg:$0x10] =	wrdreg s3  }
0x1c: {  	s0 =	simm.s32 $0x0;
	s1 =	rddreg [dreg:$0xa];
	s26 =	simm.s32 $0x4000  }
0x1d: {  	[tilespmem:s0], [sflag:$0x1] =	stream.strided.gather [hbm4b:s1+s2], $0x400, s26, s2, $0x38;
	[tilespmem:$0x10800] =	vst v63  }
0x1e: {  	s28 =	rddreg [dreg:$0xb];
	s29 =	simm.s32 $0x1  }
0x1f: {  	[tilespmem:s4], [sflag:$0x2] =	stream.strided.gather [hbm4b:s28+s2], $0x400, s26, s2, $0x38;
	[tilespmem:$0x10800] =	vst v63  }
0x20: {  	_ =	swait.ge [sflag:s29], $0x400  }
0x21: {  	[sflag:s29] =	ssyncset.done $0x0  }
0x22: {  	s30 =	rddreg [dreg:$0x8];
	[sflag:s29] =	ssyncadd.s32 $0xFFFFFC00  }
0x23: {  	[tilespmem:s17], [sflag:$0x3] =	stream.indirect.gather [hbm4b:s30+s2], $0x10, s0, s2, $0xb8;
	[tilespmem:$0x10800] =	vst v63  }
0x24: {  	s31 =	simm.s32 $0x2800;
	s15 =	simm.s32 $0x0  }
0x25: {  	[tilespmem:s31], [sflag:$0x3] =	stream.indirect.gather [hbm4b:s30+s2], $0x10, s2, s2, $0xb8;
	[tilespmem:$0x10800] =	vst v63  }
.LBB2_2:
0x26: {  	s0 =	simm.s32 $0x2  }
0x27: {  	_ =	swait.ge [sflag:s0], $0x400  }
0x28: {  	[sflag:s0] =	ssyncset.done $0x0  }
0x29: {  	s7 =	rddreg [dreg:$0x8];
	[sflag:s0] =	ssyncadd.s32 $0xFFFFFC00  }
0x2a: {  	[tilespmem:s20], [sflag:$0x4] =	stream.indirect.gather [hbm4b:s7+s2], $0x10, s4, s2, $0xb8;
	[tilespmem:$0x10800] =	vst v63  }
0x2b: {  	s1 =	simm.s32 $0x600;
	s3 =	simm.s32 $0x6800;
	s8 =	simm.s32 $0x3  }
0x2c: {  	[tilespmem:s3], [sflag:$0x4] =	stream.indirect.gather [hbm4b:s7+s2], $0x10, s1, s2, $0xb8;
	[tilespmem:$0x10800] =	vst v63  }
0x2d: {  	_ =	swait.ge [sflag:s8], $0x2000  }
0x2e: {  	s9 =	simm.s32 $0x30;
	[sflag:s8] =	ssyncset.done $0x0  }
0x2f: {  	s10 =	simm.s32 $0x10;
	v0 =	vmov s9;
	[sflag:s8] =	ssyncadd.s32 $0xFFFFE000  }
0x30: {  	s11 =	simm.s32 $0x20;
	v1 =	vmov s10;
	v0 =	vshll.u32 v0, $0x4;
	_ =	swait.ge [sflag:s8], $0x2000  }
0x31: {  	p0 =	seq.s32 s15, $0x0;
	v3 =	vmov s11;
	v2 =	vshll.u32 v1, $0x4;
	v1 =	vor.u32 v26, v0;
	[sflag:s8] =	ssyncset.done $0x0  }
0x32: {  	v2 =	vor.u32 v26, v2;
	v0 =	vshll.u32 v3, $0x4;
	s2 =	simm.s32 @!p0 $0x5;
	[sflag:s8] =	ssyncadd.s32 $0xFFFFE000  }
0x33: {  	s5 =	simm.s32 $0x0;
	v3 =	vor.u32 v26, v0;
	_ =	swait.ge @!p0 [sflag:s2], $0x4000  }
0x34: {  	v0 =	vmov s5;
	[sflag:s2] =	ssyncset.done @!p0 $0x0  }
0x35: {  	v0 =	vshll.u32 v0, $0x4;
	[sflag:s2] =	ssyncadd.s32 @!p0 $0xFFFFC000  }
0x36: {  	v0 =	vor.u32 v26, v0;
	v4 =	vld.idx.msk [tilespmem:v1+s17+$0x0], $0xffff  }
0x37: {  	v6 =	vor.u32 $0x1, v1;
	v5 =	vld.idx.msk [tilespmem:v2+s17+$0x0], $0xffff  }
0x38: {  	s21 =	sand.u32 $0xC00, s5;
	v7 =	vor.u32 $0x1, v2;
	v8 =	vld.idx.msk [tilespmem:v3+s17+$0x0], $0xffff  }
0x39: {  	s18 =	sand.u32 $0x70, s9;
	s6 =	sadd.s32 $0x8800, s21;
	v9 =	vor.u32 $0x1, v3  }
0x3a: {  	s0 =	sand.u32 $0x50, s10;
	s12 =	sor.u32 s18, s6  }
0x3b: {  	s31 =	sand.u32 $0x60, s11;
	s13 =	sor.u32 s0, s6;
	v10 =	vld.idx.msk [tilespmem:v0+s17+$0x0], $0xffff;
	[tilespmem:s12+$0x0] =	vst v4  }
0x3c: {  	s14 =	sor.u32 s31, s6;
	v4 =	vor.u32 $0x1, v0;
	[tilespmem:s13+$0x0] =	vst v5;
	v5 =	vld.idx.msk [tilespmem:v6+s17+$0x0], $0xffff  }
0x3d: {  	[tilespmem:s14+$0x0] =	vst v8;
	v6 =	vld.idx.msk [tilespmem:v7+s17+$0x0], $0xffff;
	v7 =	vor.u32 $0x2, v1  }
0x3e: {  	s1 =	sand.u32 $0x40, s5;
	v8 =	vor.u32 $0x2, v2;
	v9 =	vld.idx.msk [tilespmem:v9+s17+$0x0], $0xffff  }
0x3f: {  	v11 =	vor.u32 $0x2, v3;
	s5 =	sor.u32 s1, s6  }
0x40: {  	[tilespmem:s5+$0x0] =	vst v10  }
0x41: {  	v4 =	vld.idx.msk [tilespmem:v4+s17+$0x0], $0xffff;
	[tilespmem:s12+$0x80] =	vst v5  }
0x42: {  	v5 =	vor.u32 $0x2, v0;
	[tilespmem:s13+$0x80] =	vst v6;
	v6 =	vld.idx.msk [tilespmem:v7+s17+$0x0], $0xffff  }
0x43: {  	[tilespmem:s14+$0x80] =	vst v9;
	v7 =	vld.idx.msk [tilespmem:v8+s17+$0x0], $0xffff;
	v8 =	vor.u32 $0x3, v1  }
0x44: {  	v9 =	vor.u32 $0x3, v2;
	v10 =	vld.idx.msk [tilespmem:v11+s17+$0x0], $0xffff  }
0x45: {  	v11 =	vor.u32 $0x3, v3  }
0x46: {  	[tilespmem:s5+$0x80] =	vst v4  }
0x47: {  	v4 =	vld.idx.msk [tilespmem:v5+s17+$0x0], $0xffff;
	[tilespmem:s12+$0x100] =	vst v6  }
0x48: {  	v5 =	vor.u32 $0x3, v0;
	[tilespmem:s13+$0x100] =	vst v7;
	v6 =	vld.idx.msk [tilespmem:v8+s17+$0x0], $0xffff  }
0x49: {  	[tilespmem:s14+$0x100] =	vst v10;
	v7 =	vld.idx.msk [tilespmem:v9+s17+$0x0], $0xffff;
	v8 =	vor.u32 $0x4, v1  }
0x4a: {  	v9 =	vor.u32 $0x4, v2;
	v10 =	vld.idx.msk [tilespmem:v11+s17+$0x0], $0xffff  }
0x4b: {  	v11 =	vor.u32 $0x4, v3  }
0x4c: {  	[tilespmem:s5+$0x100] =	vst v4  }
0x4d: {  	v4 =	vld.idx.msk [tilespmem:v5+s17+$0x0], $0xffff;
	[tilespmem:s12+$0x180] =	vst v6  }
0x4e: {  	v5 =	vor.u32 $0x4, v0;
	[tilespmem:s13+$0x180] =	vst v7;
	v6 =	vld.idx.msk [tilespmem:v8+s17+$0x0], $0xffff  }
0x4f: {  	[tilespmem:s14+$0x180] =	vst v10;
	v7 =	vld.idx.msk [tilespmem:v9+s17+$0x0], $0xffff;
	v8 =	vor.u32 $0x5, v1  }
0x50: {  	v9 =	vor.u32 $0x5, v2;
	v10 =	vld.idx.msk [tilespmem:v11+s17+$0x0], $0xffff  }
0x51: {  	v11 =	vor.u32 $0x5, v3  }
0x52: {  	[tilespmem:s5+$0x180] =	vst v4  }
0x53: {  	v4 =	vld.idx.msk [tilespmem:v5+s17+$0x0], $0xffff;
	[tilespmem:s12+$0x200] =	vst v6  }
0x54: {  	v5 =	vor.u32 $0x5, v0;
	[tilespmem:s13+$0x200] =	vst v7;
	v6 =	vld.idx.msk [tilespmem:v8+s17+$0x0], $0xffff  }
0x55: {  	[tilespmem:s14+$0x200] =	vst v10;
	v7 =	vld.idx.msk [tilespmem:v9+s17+$0x0], $0xffff;
	v8 =	vor.u32 $0x6, v1  }
0x56: {  	v9 =	vor.u32 $0x6, v2;
	v10 =	vld.idx.msk [tilespmem:v11+s17+$0x0], $0xffff  }
0x57: {  	v11 =	vor.u32 $0x6, v3  }
0x58: {  	[tilespmem:s5+$0x200] =	vst v4  }
0x59: {  	v4 =	vld.idx.msk [tilespmem:v5+s17+$0x0], $0xffff;
	[tilespmem:s12+$0x280] =	vst v6  }
0x5a: {  	v5 =	vor.u32 $0x6, v0;
	[tilespmem:s13+$0x280] =	vst v7;
	v6 =	vld.idx.msk [tilespmem:v8+s17+$0x0], $0xffff  }
0x5b: {  	[tilespmem:s14+$0x280] =	vst v10;
	v7 =	vld.idx.msk [tilespmem:v9+s17+$0x0], $0xffff;
	v8 =	vor.u32 $0x7, v1  }
0x5c: {  	v9 =	vor.u32 $0x7, v2;
	v10 =	vld.idx.msk [tilespmem:v11+s17+$0x0], $0xffff  }
0x5d: {  	v11 =	vor.u32 $0x7, v3  }
0x5e: {  	[tilespmem:s5+$0x280] =	vst v4  }
0x5f: {  	v4 =	vld.idx.msk [tilespmem:v5+s17+$0x0], $0xffff;
	[tilespmem:s12+$0x300] =	vst v6  }
0x60: {  	v5 =	vor.u32 $0x7, v0;
	[tilespmem:s13+$0x300] =	vst v7;
	v6 =	vld.idx.msk [tilespmem:v8+s17+$0x0], $0xffff  }
0x61: {  	[tilespmem:s14+$0x300] =	vst v10;
	v7 =	vld.idx.msk [tilespmem:v9+s17+$0x0], $0xffff;
	v8 =	vor.u32 $0x8, v1  }
0x62: {  	v9 =	vor.u32 $0x8, v2;
	v10 =	vld.idx.msk [tilespmem:v11+s17+$0x0], $0xffff  }
0x63: {  	v11 =	vor.u32 $0x8, v3  }
0x64: {  	[tilespmem:s5+$0x300] =	vst v4  }
0x65: {  	v4 =	vld.idx.msk [tilespmem:v5+s17+$0x0], $0xffff;
	[tilespmem:s12+$0x380] =	vst v6  }
0x66: {  	v5 =	vor.u32 $0x8, v0;
	[tilespmem:s13+$0x380] =	vst v7;
	v6 =	vld.idx.msk [tilespmem:v8+s17+$0x0], $0xffff  }
0x67: {  	[tilespmem:s14+$0x380] =	vst v10;
	v7 =	vld.idx.msk [tilespmem:v9+s17+$0x0], $0xffff;
	v8 =	vor.u32 $0x9, v1  }
0x68: {  	v9 =	vor.u32 $0x9, v2;
	v10 =	vld.idx.msk [tilespmem:v11+s17+$0x0], $0xffff  }
0x69: {  	s16 =	sadd.s32 $0x9800, s21;
	v11 =	vor.u32 $0x9, v3  }
0x6a: {  	s19 =	sor.u32 s18, s16;
	[tilespmem:s5+$0x380] =	vst v4  }
0x6b: {  	s22 =	sor.u32 s0, s16;
	v4 =	vld.idx.msk [tilespmem:v5+s17+$0x0], $0xffff;
	[tilespmem:s19+$0x0] =	vst v6  }
0x6c: {  	s23 =	sor.u32 s31, s16;
	v5 =	vor.u32 $0x9, v0;
	[tilespmem:s22+$0x0] =	vst v7;
	v6 =	vld.idx.msk [tilespmem:v8+s17+$0x0], $0xffff  }
0x6d: {  	[tilespmem:s23+$0x0] =	vst v10;
	v7 =	vld.idx.msk [tilespmem:v9+s17+$0x0], $0xffff;
	v8 =	vor.u32 $0xA, v1  }
0x6e: {  	v9 =	vor.u32 $0xA, v2;
	v10 =	vld.idx.msk [tilespmem:v11+s17+$0x0], $0xffff  }
0x6f: {  	s24 =	sadd.s32 $0x9880, s21;
	s2 =	sor.u32 s1, s16;
	v11 =	vor.u32 $0xA, v3  }
0x70: {  	s25 =	sor.u32 s18, s24;
	[tilespmem:s2+$0x0] =	vst v4  }
0x71: {  	s26 =	sor.u32 s0, s24;
	v4 =	vld.idx.msk [tilespmem:v5+s17+$0x0], $0xffff;
	[tilespmem:s25+$0x0] =	vst v6  }
0x72: {  	s28 =	sor.u32 s31, s24;
	v5 =	vor.u32 $0xA, v0;
	[tilespmem:s26+$0x0] =	vst v7;
	v6 =	vld.idx.msk [tilespmem:v8+s17+$0x0], $0xffff  }
0x73: {  	[tilespmem:s28+$0x0] =	vst v10;
	v7 =	vld.idx.msk [tilespmem:v9+s17+$0x0], $0xffff;
	v8 =	vor.u32 $0xB, v1  }
0x74: {  	v9 =	vor.u32 $0xB, v2;
	v10 =	vld.idx.msk [tilespmem:v11+s17+$0x0], $0xffff  }
0x75: {  	s30 =	sadd.s32 $0x9900, s21;
	s29 =	sor.u32 s1, s24;
	v11 =	vor.u32 $0xB, v3  }
0x76: {  	s5 =	sor.u32 s18, s30;
	[tilespmem:s29+$0x0] =	vst v4  }
0x77: {  	s6 =	sor.u32 s0, s30;
	v4 =	vld.idx.msk [tilespmem:v5+s17+$0x0], $0xffff;
	[tilespmem:s5+$0x0] =	vst v6  }
0x78: {  	s7 =	sor.u32 s31, s30;
	v5 =	vor.u32 $0xB, v0;
	[tilespmem:s6+$0x0] =	vst v7;
	v6 =	vld.idx.msk [tilespmem:v8+s17+$0x0], $0xffff  }
0x79: {  	[tilespmem:s7+$0x0] =	vst v10;
	v7 =	vld.idx.msk [tilespmem:v9+s17+$0x0], $0xffff;
	v8 =	vor.u32 $0xC, v1  }
0x7a: {  	v9 =	vor.u32 $0xC, v2;
	v10 =	vld.idx.msk [tilespmem:v11+s17+$0x0], $0xffff  }
0x7b: {  	s9 =	sadd.s32 $0x9980, s21;
	s8 =	sor.u32 s1, s30;
	v11 =	vor.u32 $0xC, v3  }
0x7c: {  	s10 =	sor.u32 s18, s9;
	[tilespmem:s8+$0x0] =	vst v4  }
0x7d: {  	s11 =	sor.u32 s0, s9;
	v4 =	vld.idx.msk [tilespmem:v5+s17+$0x0], $0xffff;
	[tilespmem:s10+$0x0] =	vst v6  }
0x7e: {  	s12 =	sor.u32 s31, s9;
	v5 =	vor.u32 $0xC, v0;
	[tilespmem:s11+$0x0] =	vst v7;
	v6 =	vld.idx.msk [tilespmem:v8+s17+$0x0], $0xffff  }
0x7f: {  	[tilespmem:s12+$0x0] =	vst v10;
	v7 =	vld.idx.msk [tilespmem:v9+s17+$0x0], $0xffff;
	v8 =	vor.u32 $0xD, v1  }
0x80: {  	v9 =	vor.u32 $0xD, v2;
	v10 =	vld.idx.msk [tilespmem:v11+s17+$0x0], $0xffff  }
0x81: {  	s13 =	sor.u32 s1, s9;
	s14 =	sadd.s32 $0x9A00, s21;
	v11 =	vor.u32 $0xD, v3  }
0x82: {  	s16 =	sor.u32 s18, s14;
	[tilespmem:s13+$0x0] =	vst v4  }
0x83: {  	s19 =	sor.u32 s0, s14;
	v4 =	vld.idx.msk [tilespmem:v5+s17+$0x0], $0xffff;
	[tilespmem:s16+$0x0] =	vst v6  }
0x84: {  	s22 =	sor.u32 s31, s14;
	v5 =	vor.u32 $0xD, v0;
	[tilespmem:s19+$0x0] =	vst v7;
	v6 =	vld.idx.msk [tilespmem:v8+s17+$0x0], $0xffff  }
0x85: {  	[tilespmem:s22+$0x0] =	vst v10;
	v7 =	vld.idx.msk [tilespmem:v9+s17+$0x0], $0xffff;
	v8 =	vor.u32 $0xE, v1  }
0x86: {  	v9 =	vor.u32 $0xE, v2;
	v10 =	vld.idx.msk [tilespmem:v11+s17+$0x0], $0xffff  }
0x87: {  	s24 =	sadd.s32 $0x9A80, s21;
	s23 =	sor.u32 s1, s14;
	v11 =	vor.u32 $0xE, v3  }
0x88: {  	s25 =	sor.u32 s18, s24;
	[tilespmem:s23+$0x0] =	vst v4  }
0x89: {  	s26 =	sor.u32 s0, s24;
	v4 =	vld.idx.msk [tilespmem:v5+s17+$0x0], $0xffff;
	[tilespmem:s25+$0x0] =	vst v6  }
0x8a: {  	s28 =	sor.u32 s31, s24;
	v5 =	vor.u32 $0xE, v0;
	[tilespmem:s26+$0x0] =	vst v7;
	v6 =	vld.idx.msk [tilespmem:v8+s17+$0x0], $0xffff  }
0x8b: {  	v1 =	vor.u32 $0xF, v1;
	[tilespmem:s28+$0x0] =	vst v10;
	v7 =	vld.idx.msk [tilespmem:v9+s17+$0x0], $0xffff  }
0x8c: {  	v2 =	vor.u32 $0xF, v2;
	v8 =	vld.idx.msk [tilespmem:v11+s17+$0x0], $0xffff  }
0x8d: {  	s30 =	sadd.s32 $0x9B00, s21;
	s29 =	sor.u32 s1, s24;
	v3 =	vor.u32 $0xF, v3  }
0x8e: {  	s5 =	sor.u32 s18, s30;
	s6 =	simm.s32 $0x230;
	[tilespmem:s29+$0x0] =	vst v4  }
0x8f: {  	s7 =	simm.s32 $0x210;
	s8 =	sor.u32 s0, s30;
	v4 =	vld.idx.msk [tilespmem:v5+s17+$0x0], $0xffff;
	v5 =	vmov s6;
	[tilespmem:s5+$0x0] =	vst v6  }
0x90: {  	s9 =	simm.s32 $0x220;
	s10 =	sor.u32 s31, s30;
	v0 =	vor.u32 $0xF, v0;
	v6 =	vmov s7;
	[tilespmem:s8+$0x0] =	vst v7;
	v7 =	vld.idx.msk [tilespmem:v1+s17+$0x0], $0xffff;
	v1 =	vshll.u32 v5, $0x4  }
0x91: {  	[tilespmem:s10+$0x0] =	vst v8;
	v5 =	vshll.u32 v6, $0x4;
	v6 =	vmov s9;
	v9 =	vld.idx.msk [tilespmem:v2+s17+$0x0], $0xffff;
	v8 =	vor.u32 v26, v1  }
0x92: {  	v2 =	vor.u32 v26, v5;
	v1 =	vshll.u32 v6, $0x4;
	v5 =	vld.idx.msk [tilespmem:v3+s17+$0x0], $0xffff  }
0x93: {  	s11 =	sor.u32 s1, s30;
	s12 =	sadd.s32 $0x9B80, s21;
	s19 =	simm.s32 $0x200;
	v1 =	vor.u32 v26, v1  }
0x94: {  	s13 =	sor.u32 s18, s12;
	v3 =	vmov s19;
	[tilespmem:s11+$0x0] =	vst v4  }
0x95: {  	s14 =	sor.u32 s0, s12;
	v3 =	vshll.u32 v3, $0x4;
	v0 =	vld.idx.msk [tilespmem:v0+s17+$0x0], $0xffff;
	[tilespmem:s13+$0x0] =	vst v7  }
0x96: {  	s16 =	sor.u32 s31, s12;
	v3 =	vor.u32 v26, v3;
	[tilespmem:s14+$0x0] =	vst v9;
	v4 =	vld.idx.msk [tilespmem:v8+s17+$0x0], $0xffff  }
0x97: {  	v6 =	vld.idx.msk [tilespmem:v2+s17+$0x0], $0xffff;
	[tilespmem:s16+$0x0] =	vst v5;
	v5 =	vor.u32 $0x1, v8  }
0x98: {  	v7 =	vor.u32 $0x1, v2;
	v9 =	vld.idx.msk [tilespmem:v1+s17+$0x0], $0xffff  }
0x99: {  	s22 =	sor.u32 s1, s12;
	s23 =	sadd.s32 $0xA800, s21;
	v10 =	vor.u32 $0x1, v1  }
0x9a: {  	s24 =	sor.u32 s18, s23;
	[tilespmem:s22+$0x0] =	vst v0  }
0x9b: {  	s25 =	sor.u32 s0, s23;
	v0 =	vld.idx.msk [tilespmem:v3+s17+$0x0], $0xffff;
	[tilespmem:s24+$0x0] =	vst v4  }
0x9c: {  	s26 =	sor.u32 s31, s23;
	v4 =	vor.u32 $0x1, v3;
	[tilespmem:s25+$0x0] =	vst v6;
	v6 =	vld.idx.msk [tilespmem:v5+s17+$0x0], $0xffff  }
0x9d: {  	s28 =	simm.s32 $0x70;
	v7 =	vld.idx.msk [tilespmem:v7+s17+$0x0], $0xffff;
	[tilespmem:s26+$0x0] =	vst v9;
	v9 =	vor.u32 $0x2, v8  }
0x9e: {  	s29 =	simm.s32 $0x50;
	v11 =	vor.u32 $0x2, v2;
	v5 =	vmov s28;
	v10 =	vld.idx.msk [tilespmem:v10+s17+$0x0], $0xffff  }
0x9f: {  	s30 =	simm.s32 $0x60;
	s3 =	sor.u32 s1, s23;
	v13 =	vmov s29;
	v12 =	vor.u32 $0x2, v1;
	s14 =	sadd.s32 $0xA880, s21;
	v5 =	vshll.u32 v5, $0x4  }
0xa0: {  	s10 =	simm.s32 $0x40;
	s16 =	sor.u32 s18, s14;
	v5 =	vor.u32 v26, v5;
	[tilespmem:s3+$0x0] =	vst v0;
	v0 =	vshll.u32 v13, $0x4;
	v13 =	vmov s30  }
0xa1: {  	v14 =	vmov s10;
	s7 =	sor.u32 s0, s14;
	v15 =	vld.idx.msk [tilespmem:v4+s17+$0x0], $0xffff;
	v4 =	vor.u32 v26, v0;
	v0 =	vshll.u32 v13, $0x4;
	[tilespmem:s16+$0x0] =	vst v6  }
0xa2: {  	s22 =	sor.u32 s31, s14;
	v13 =	vshll.u32 v14, $0x4;
	v6 =	vor.u32 v26, v0;
	[tilespmem:s7+$0x0] =	vst v7;
	v0 =	vld.idx.msk [tilespmem:v9+s17+$0x0], $0xffff  }
0xa3: {  	v7 =	vor.u32 v26, v13;
	v9 =	vld.idx.msk [tilespmem:v11+s17+$0x0], $0xffff;
	[tilespmem:s22+$0x0] =	vst v10  }
0xa4: {  	v11 =	vor.u32 $0x3, v8;
	v10 =	vld.idx.msk [tilespmem:v12+s17+$0x0], $0xffff  }
0xa5: {  	s13 =	sadd.s32 $0xA900, s21;
	s23 =	sor.u32 s1, s14;
	v12 =	vor.u32 $0x2, v3;
	v13 =	vld.idx.msk [tilespmem:v5+s17+$0x0], $0xffff  }
0xa6: {  	s24 =	sor.u32 s18, s13;
	v14 =	vor.u32 $0x3, v2;
	v16 =	vld.idx.msk [tilespmem:v4+s17+$0x0], $0xffff;
	[tilespmem:s23+$0x0] =	vst v15  }
0xa7: {  	s25 =	sor.u32 s0, s13;
	v17 =	vor.u32 $0x1, v5;
	s3 =	sand.u32 $0xC00, s19;
	v15 =	vld.idx.msk [tilespmem:v6+s17+$0x0], $0xffff;
	[tilespmem:s24+$0x0] =	vst v0  }
0xa8: {  	s12 =	sand.u32 $0x70, s28;
	s26 =	sor.u32 s31, s13;
	s11 =	sadd.s32 $0x8800, s3;
	v18 =	vor.u32 $0x1, v4;
	v19 =	vld.idx.msk [tilespmem:v7+s17+$0x0], $0xffff;
	[tilespmem:s25+$0x0] =	vst v9  }
0xa9: {  	s8 =	sand.u32 $0x50, s29;
	s9 =	sor.u32 s12, s11;
	v0 =	vor.u32 $0x1, v6;
	v9 =	vld.idx.msk [tilespmem:v11+s17+$0x0], $0xffff;
	[tilespmem:s26+$0x0] =	vst v10  }
0xaa: {  	s7 =	sand.u32 $0x60, s30;
	s6 =	sor.u32 s8, s11;
	v11 =	vor.u32 $0x1, v7;
	v12 =	vld.idx.msk [tilespmem:v12+s17+$0x0], $0xffff;
	[tilespmem:s9+$0x0] =	vst v13  }
0xab: {  	s16 =	sand.u32 $0x40, s10;
	s10 =	sor.u32 s7, s11;
	v10 =	vld.idx.msk [tilespmem:v14+s17+$0x0], $0xffff;
	v14 =	vor.u32 $0x3, v1;
	[tilespmem:s6+$0x0] =	vst v16  }
0xac: {  	s28 =	sadd.s32 $0xA980, s21;
	s11 =	sor.u32 s16, s11;
	v13 =	vor.u32 $0x4, v8;
	v16 =	vld.idx.msk [tilespmem:v17+s17+$0x0], $0xffff;
	[tilespmem:s10+$0x0] =	vst v15  }
0xad: {  	s29 =	sor.u32 s18, s28;
	v17 =	vor.u32 $0x3, v3;
	v18 =	vld.idx.msk [tilespmem:v18+s17+$0x0], $0xffff;
	[tilespmem:s11+$0x0] =	vst v19  }
0xae: {  	s30 =	sor.u32 s1, s13;
	v15 =	vor.u32 $0x2, v5;
	v0 =	vld.idx.msk [tilespmem:v0+s17+$0x0], $0xffff;
	[tilespmem:s29+$0x0] =	vst v9  }
0xaf: {  	s13 =	sor.u32 s0, s28;
	v19 =	vor.u32 $0x2, v4;
	v11 =	vld.idx.msk [tilespmem:v11+s17+$0x0], $0xffff;
	[tilespmem:s30+$0x0] =	vst v12  }
0xb0: {  	v9 =	vor.u32 $0x2, v6;
	[tilespmem:s13+$0x0] =	vst v10;
	v10 =	vld.idx.msk [tilespmem:v14+s17+$0x0], $0xffff  }
0xb1: {  	v12 =	vld.idx.msk [tilespmem:v13+s17+$0x0], $0xffff;
	v13 =	vor.u32 $0x2, v7;
	[tilespmem:s9+$0x80] =	vst v16  }
0xb2: {  	v14 =	vld.idx.msk [tilespmem:v17+s17+$0x0], $0xffff;
	v16 =	vor.u32 $0x5, v8;
	[tilespmem:s6+$0x80] =	vst v18  }
0xb3: {  	v17 =	vor.u32 $0x4, v2;
	v15 =	vld.idx.msk [tilespmem:v15+s17+$0x0], $0xffff;
	[tilespmem:s10+$0x80] =	vst v0  }
0xb4: {  	s14 =	sadd.s32 $0xAA00, s21;
	s23 =	sor.u32 s31, s28;
	v18 =	vor.u32 $0x4, v1;
	v19 =	vld.idx.msk [tilespmem:v19+s17+$0x0], $0xffff;
	[tilespmem:s11+$0x80] =	vst v11  }
0xb5: {  	s22 =	sor.u32 s18, s14;
	v0 =	vld.idx.msk [tilespmem:v9+s17+$0x0], $0xffff;
	v9 =	vor.u32 $0x3, v5;
	[tilespmem:s23+$0x0] =	vst v10  }
0xb6: {  	s2 =	sor.u32 s1, s28;
	v11 =	vor.u32 $0x3, v4;
	v13 =	vld.idx.msk [tilespmem:v13+s17+$0x0], $0xffff;
	[tilespmem:s22+$0x0] =	vst v12  }
0xb7: {  	v12 =	vor.u32 $0x3, v6;
	v10 =	vld.idx.msk [tilespmem:v16+s17+$0x0], $0xffff;
	[tilespmem:s2+$0x0] =	vst v14  }
0xb8: {  	v16 =	vor.u32 $0x3, v7;
	v14 =	vld.idx.msk [tilespmem:v17+s17+$0x0], $0xffff;
	[tilespmem:s9+$0x100] =	vst v15  }
0xb9: {  	v17 =	vor.u32 $0x6, v8;
	v15 =	vld.idx.msk [tilespmem:v18+s17+$0x0], $0xffff;
	[tilespmem:s6+$0x100] =	vst v19  }
0xba: {  	s24 =	sadd.s32 $0xAA80, s21;
	v18 =	vor.u32 $0x4, v3;
	v9 =	vld.idx.msk [tilespmem:v9+s17+$0x0], $0xffff;
	[tilespmem:s10+$0x100] =	vst v0  }
0xbb: {  	s25 =	sor.u32 s18, s24;
	v19 =	vor.u32 $0x5, v2;
	v11 =	vld.idx.msk [tilespmem:v11+s17+$0x0], $0xffff;
	[tilespmem:s11+$0x100] =	vst v13  }
0xbc: {  	s26 =	sor.u32 s0, s14;
	v0 =	vld.idx.msk [tilespmem:v12+s17+$0x0], $0xffff;
	v12 =	vor.u32 $0x4, v5;
	[tilespmem:s25+$0x0] =	vst v10  }
0xbd: {  	s28 =	sor.u32 s31, s14;
	v13 =	vor.u32 $0x4, v4;
	v16 =	vld.idx.msk [tilespmem:v16+s17+$0x0], $0xffff;
	[tilespmem:s26+$0x0] =	vst v14  }
0xbe: {  	v10 =	vor.u32 $0x4, v6;
	v14 =	vld.idx.msk [tilespmem:v17+s17+$0x0], $0xffff;
	[tilespmem:s28+$0x0] =	vst v15  }
0xbf: {  	v17 =	vor.u32 $0x4, v7;
	v18 =	vld.idx.msk [tilespmem:v18+s17+$0x0], $0xffff;
	[tilespmem:s9+$0x180] =	vst v9  }
0xc0: {  	v15 =	vor.u32 $0x7, v8;
	v9 =	vld.idx.msk [tilespmem:v19+s17+$0x0], $0xffff;
	[tilespmem:s6+$0x180] =	vst v11  }
0xc1: {  	s29 =	sadd.s32 $0xAB00, s21;
	v19 =	vor.u32 $0x5, v1;
	v11 =	vld.idx.msk [tilespmem:v12+s17+$0x0], $0xffff;
	[tilespmem:s10+$0x180] =	vst v0  }
0xc2: {  	s30 =	sor.u32 s18, s29;
	v12 =	vor.u32 $0x5, v3;
	v13 =	vld.idx.msk [tilespmem:v13+s17+$0x0], $0xffff;
	[tilespmem:s11+$0x180] =	vst v16  }
0xc3: {  	s4 =	sor.u32 s1, s14;
	v0 =	vld.idx.msk [tilespmem:v10+s17+$0x0], $0xffff;
	v10 =	vor.u32 $0x5, v5;
	[tilespmem:s30+$0x0] =	vst v14  }
0xc4: {  	s14 =	sor.u32 s0, s24;
	v16 =	vor.u32 $0x5, v4;
	v17 =	vld.idx.msk [tilespmem:v17+s17+$0x0], $0xffff;
	[tilespmem:s4+$0x0] =	vst v18  }
0xc5: {  	v14 =	vor.u32 $0x5, v6;
	v15 =	vld.idx.msk [tilespmem:v15+s17+$0x0], $0xffff;
	[tilespmem:s14+$0x0] =	vst v9  }
0xc6: {  	v18 =	vor.u32 $0x5, v7;
	v9 =	vld.idx.msk [tilespmem:v19+s17+$0x0], $0xffff;
	[tilespmem:s9+$0x200] =	vst v11  }
0xc7: {  	v11 =	vld.idx.msk [tilespmem:v12+s17+$0x0], $0xffff;
	v12 =	vor.u32 $0x8, v8;
	[tilespmem:s6+$0x200] =	vst v13  }
0xc8: {  	s4 =	sadd.s32 $0xAB80, s21;
	v19 =	vor.u32 $0x6, v2;
	v10 =	vld.idx.msk [tilespmem:v10+s17+$0x0], $0xffff;
	[tilespmem:s10+$0x200] =	vst v0  }
0xc9: {  	s22 =	sor.u32 s18, s4;
	v13 =	vor.u32 $0x6, v1;
	v16 =	vld.idx.msk [tilespmem:v16+s17+$0x0], $0xffff;
	[tilespmem:s11+$0x200] =	vst v17  }
0xca: {  	s14 =	sor.u32 s31, s24;
	v0 =	vld.idx.msk [tilespmem:v14+s17+$0x0], $0xffff;
	v14 =	vor.u32 $0x6, v5;
	[tilespmem:s22+$0x0] =	vst v15  }
0xcb: {  	s2 =	sor.u32 s1, s24;
	v17 =	vor.u32 $0x6, v4;
	v18 =	vld.idx.msk [tilespmem:v18+s17+$0x0], $0xffff;
	[tilespmem:s14+$0x0] =	vst v9  }
0xcc: {  	v15 =	vor.u32 $0x6, v6;
	v9 =	vld.idx.msk [tilespmem:v12+s17+$0x0], $0xffff;
	[tilespmem:s2+$0x0] =	vst v11  }
0xcd: {  	v12 =	vor.u32 $0x6, v7;
	v11 =	vld.idx.msk [tilespmem:v19+s17+$0x0], $0xffff;
	[tilespmem:s9+$0x280] =	vst v10  }
0xce: {  	v19 =	vor.u32 $0x6, v3;
	v10 =	vld.idx.msk [tilespmem:v13+s17+$0x0], $0xffff;
	[tilespmem:s6+$0x280] =	vst v16  }
0xcf: {  	s5 =	sadd.s32 $0xB800, s21;
	v13 =	vor.u32 $0x9, v8;
	v14 =	vld.idx.msk [tilespmem:v14+s17+$0x0], $0xffff;
	[tilespmem:s10+$0x280] =	vst v0  }
0xd0: {  	s23 =	sor.u32 s18, s5;
	v16 =	vor.u32 $0x7, v2;
	v17 =	vld.idx.msk [tilespmem:v17+s17+$0x0], $0xffff;
	[tilespmem:s11+$0x280] =	vst v18  }
0xd1: {  	s24 =	sor.u32 s0, s29;
	v0 =	vld.idx.msk [tilespmem:v15+s17+$0x0], $0xffff;
	v15 =	vor.u32 $0x7, v5;
	[tilespmem:s23+$0x0] =	vst v9  }
0xd2: {  	s25 =	sor.u32 s31, s29;
	v18 =	vor.u32 $0x7, v4;
	v12 =	vld.idx.msk [tilespmem:v12+s17+$0x0], $0xffff;
	[tilespmem:s24+$0x0] =	vst v11  }
0xd3: {  	v9 =	vor.u32 $0x7, v6;
	v19 =	vld.idx.msk [tilespmem:v19+s17+$0x0], $0xffff;
	[tilespmem:s25+$0x0] =	vst v10  }
0xd4: {  	v11 =	vld.idx.msk [tilespmem:v13+s17+$0x0], $0xffff;
	v13 =	vor.u32 $0x7, v7;
	[tilespmem:s9+$0x300] =	vst v14  }
0xd5: {  	v10 =	vld.idx.msk [tilespmem:v16+s17+$0x0], $0xffff;
	v16 =	vor.u32 $0x7, v1;
	[tilespmem:s6+$0x300] =	vst v17  }
0xd6: {  	v14 =	vor.u32 $0xA, v8;
	v15 =	vld.idx.msk [tilespmem:v15+s17+$0x0], $0xffff;
	[tilespmem:s10+$0x300] =	vst v0  }
0xd7: {  	s13 =	sor.u32 s1, s29;
	s2 =	sadd.s32 $0xB880, s21;
	v17 =	vor.u32 $0x7, v3;
	v18 =	vld.idx.msk [tilespmem:v18+s17+$0x0], $0xffff;
	[tilespmem:s11+$0x300] =	vst v12  }
0xd8: {  	s26 =	sor.u32 s18, s2;
	v0 =	vld.idx.msk [tilespmem:v9+s17+$0x0], $0xffff;
	v9 =	vor.u32 $0x8, v5;
	[tilespmem:s13+$0x0] =	vst v19  }
0xd9: {  	s28 =	sor.u32 s0, s4;
	[tilespmem:s26+$0x0] =	vst v11;
	v11 =	vor.u32 $0x8, v4;
	v12 =	vld.idx.msk [tilespmem:v13+s17+$0x0], $0xffff  }
0xda: {  	v13 =	vor.u32 $0x8, v6;
	[tilespmem:s28+$0x0] =	vst v10;
	v16 =	vld.idx.msk [tilespmem:v16+s17+$0x0], $0xffff  }
0xdb: {  	v10 =	vor.u32 $0x8, v7;
	v14 =	vld.idx.msk [tilespmem:v14+s17+$0x0], $0xffff;
	[tilespmem:s9+$0x380] =	vst v15  }
0xdc: {  	v15 =	vld.idx.msk [tilespmem:v17+s17+$0x0], $0xffff;
	v17 =	vor.u32 $0xB, v8;
	[tilespmem:s6+$0x380] =	vst v18  }
0xdd: {  	v19 =	vor.u32 $0x8, v2;
	v9 =	vld.idx.msk [tilespmem:v9+s17+$0x0], $0xffff;
	[tilespmem:s10+$0x380] =	vst v0  }
0xde: {  	s30 =	sor.u32 s31, s4;
	s14 =	sadd.s32 $0xB900, s21;
	v18 =	vor.u32 $0x8, v1;
	v11 =	vld.idx.msk [tilespmem:v11+s17+$0x0], $0xffff;
	[tilespmem:s11+$0x380] =	vst v12  }
0xdf: {  	s29 =	sor.u32 s18, s14;
	v0 =	vld.idx.msk [tilespmem:v13+s17+$0x0], $0xffff;
	v12 =	vor.u32 $0x9, v5;
	[tilespmem:s30+$0x0] =	vst v16  }
0xe0: {  	s4 =	sor.u32 s1, s4;
	s10 =	sadd.s32 $0x9800, s3;
	v13 =	vor.u32 $0x9, v4;
	v10 =	vld.idx.msk [tilespmem:v10+s17+$0x0], $0xffff;
	[tilespmem:s29+$0x0] =	vst v14  }
0xe1: {  	s11 =	sor.u32 s12, s10;
	v14 =	vor.u32 $0x9, v6;
	v16 =	vld.idx.msk [tilespmem:v17+s17+$0x0], $0xffff;
	[tilespmem:s4+$0x0] =	vst v15  }
0xe2: {  	s13 =	sor.u32 s8, s10;
	v17 =	vor.u32 $0x9, v7;
	v15 =	vld.idx.msk [tilespmem:v19+s17+$0x0], $0xffff;
	[tilespmem:s11+$0x0] =	vst v9  }
0xe3: {  	s22 =	sor.u32 s7, s10;
	v19 =	vor.u32 $0x8, v3;
	v9 =	vld.idx.msk [tilespmem:v18+s17+$0x0], $0xffff;
	[tilespmem:s13+$0x0] =	vst v11  }
0xe4: {  	s6 =	sor.u32 s16, s10;
	s4 =	sadd.s32 $0xB980, s21;
	v18 =	vor.u32 $0xC, v8;
	v11 =	vld.idx.msk [tilespmem:v12+s17+$0x0], $0xffff;
	[tilespmem:s22+$0x0] =	vst v0  }
0xe5: {  	s23 =	sor.u32 s18, s4;
	v12 =	vor.u32 $0x9, v2;
	v13 =	vld.idx.msk [tilespmem:v13+s17+$0x0], $0xffff;
	[tilespmem:s6+$0x0] =	vst v10  }
0xe6: {  	s24 =	sor.u32 s0, s5;
	v0 =	vld.idx.msk [tilespmem:v14+s17+$0x0], $0xffff;
	v10 =	vor.u32 $0xA, v5;
	[tilespmem:s23+$0x0] =	vst v16  }
0xe7: {  	s25 =	sor.u32 s31, s5;
	s26 =	sadd.s32 $0x9880, s3;
	v14 =	vor.u32 $0xA, v4;
	v17 =	vld.idx.msk [tilespmem:v17+s17+$0x0], $0xffff;
	[tilespmem:s24+$0x0] =	vst v15  }
0xe8: {  	s28 =	sor.u32 s12, s26;
	v16 =	vor.u32 $0xA, v6;
	v19 =	vld.idx.msk [tilespmem:v19+s17+$0x0], $0xffff;
	[tilespmem:s25+$0x0] =	vst v9  }
0xe9: {  	s29 =	sor.u32 s8, s26;
	v15 =	vld.idx.msk [tilespmem:v18+s17+$0x0], $0xffff;
	v18 =	vor.u32 $0xA, v7;
	[tilespmem:s28+$0x0] =	vst v11  }
0xea: {  	s30 =	sor.u32 s7, s26;
	v9 =	vld.idx.msk [tilespmem:v12+s17+$0x0], $0xffff;
	v11 =	vor.u32 $0xD, v8;
	[tilespmem:s29+$0x0] =	vst v13  }
0xeb: {  	s10 =	sor.u32 s16, s26;
	v12 =	vor.u32 $0x9, v1;
	v10 =	vld.idx.msk [tilespmem:v10+s17+$0x0], $0xffff;
	[tilespmem:s30+$0x0] =	vst v0  }
0xec: {  	s5 =	sor.u32 s1, s5;
	s6 =	sadd.s32 $0xBA00, s21;
	v13 =	vor.u32 $0x9, v3;
	v14 =	vld.idx.msk [tilespmem:v14+s17+$0x0], $0xffff;
	[tilespmem:s10+$0x0] =	vst v17  }
0xed: {  	s11 =	sor.u32 s18, s6;
	v0 =	vld.idx.msk [tilespmem:v16+s17+$0x0], $0xffff;
	v16 =	vor.u32 $0xB, v5;
	[tilespmem:s5+$0x0] =	vst v19  }
0xee: {  	s13 =	sor.u32 s0, s2;
	s22 =	sadd.s32 $0x9900, s3;
	v17 =	vor.u32 $0xB, v4;
	v18 =	vld.idx.msk [tilespmem:v18+s17+$0x0], $0xffff;
	[tilespmem:s11+$0x0] =	vst v15  }
0xef: {  	s23 =	sor.u32 s12, s22;
	v15 =	vor.u32 $0xB, v6;
	v11 =	vld.idx.msk [tilespmem:v11+s17+$0x0], $0xffff;
	[tilespmem:s13+$0x0] =	vst v9  }
0xf0: {  	s24 =	sor.u32 s8, s22;
	v19 =	vor.u32 $0xB, v7;
	v9 =	vld.idx.msk [tilespmem:v12+s17+$0x0], $0xffff;
	[tilespmem:s23+$0x0] =	vst v10  }
0xf1: {  	s25 =	sor.u32 s7, s22;
	v12 =	vor.u32 $0xE, v8;
	v10 =	vld.idx.msk [tilespmem:v13+s17+$0x0], $0xffff;
	[tilespmem:s24+$0x0] =	vst v14  }
0xf2: {  	s9 =	sadd.s32 $0xBA80, s21;
	s10 =	sor.u32 s16, s22;
	v13 =	vor.u32 $0xA, v2;
	v14 =	vld.idx.msk [tilespmem:v16+s17+$0x0], $0xffff;
	[tilespmem:s25+$0x0] =	vst v0  }
0xf3: {  	s26 =	sor.u32 s18, s9;
	v16 =	vor.u32 $0xA, v1;
	v17 =	vld.idx.msk [tilespmem:v17+s17+$0x0], $0xffff;
	[tilespmem:s10+$0x0] =	vst v18  }
0xf4: {  	s28 =	sor.u32 s31, s2;
	v0 =	vld.idx.msk [tilespmem:v15+s17+$0x0], $0xffff;
	v15 =	vor.u32 $0xC, v5;
	[tilespmem:s26+$0x0] =	vst v11  }
0xf5: {  	s2 =	sor.u32 s1, s2;
	s29 =	sadd.s32 $0x9980, s3;
	v18 =	vor.u32 $0xC, v4;
	v19 =	vld.idx.msk [tilespmem:v19+s17+$0x0], $0xffff;
	[tilespmem:s28+$0x0] =	vst v9  }
0xf6: {  	s30 =	sor.u32 s12, s29;
	v11 =	vor.u32 $0xC, v6;
	v9 =	vld.idx.msk [tilespmem:v12+s17+$0x0], $0xffff;
	[tilespmem:s2+$0x0] =	vst v10  }
0xf7: {  	s11 =	sor.u32 s8, s29;
	v12 =	vor.u32 $0xC, v7;
	v10 =	vld.idx.msk [tilespmem:v13+s17+$0x0], $0xffff;
	[tilespmem:s30+$0x0] =	vst v14  }
0xf8: {  	v8 =	vor.u32 $0xF, v8;
	s13 =	sor.u32 s7, s29;
	v13 =	vld.idx.msk [tilespmem:v16+s17+$0x0], $0xffff;
	[tilespmem:s11+$0x0] =	vst v17  }
0xf9: {  	s22 =	sor.u32 s16, s29;
	s10 =	sadd.s32 $0xBB00, s21;
	v14 =	vor.u32 $0xA, v3;
	v15 =	vld.idx.msk [tilespmem:v15+s17+$0x0], $0xffff;
	[tilespmem:s13+$0x0] =	vst v0  }
0xfa: {  	s23 =	sor.u32 s18, s10;
	v16 =	vor.u32 $0xB, v2;
	v17 =	vld.idx.msk [tilespmem:v18+s17+$0x0], $0xffff;
	[tilespmem:s22+$0x0] =	vst v19  }
0xfb: {  	s24 =	sor.u32 s0, s14;
	v0 =	vld.idx.msk [tilespmem:v11+s17+$0x0], $0xffff;
	v11 =	vor.u32 $0xD, v5;
	[tilespmem:s23+$0x0] =	vst v9  }
0xfc: {  	s25 =	sor.u32 s31, s14;
	s26 =	sadd.s32 $0x9A00, s3;
	v18 =	vor.u32 $0xD, v4;
	v12 =	vld.idx.msk [tilespmem:v12+s17+$0x0], $0xffff;
	[tilespmem:s24+$0x0] =	vst v10  }
0xfd: {  	s28 =	sor.u32 s12, s26;
	v9 =	vor.u32 $0xD, v6;
	v8 =	vld.idx.msk [tilespmem:v8+s17+$0x0], $0xffff;
	[tilespmem:s25+$0x0] =	vst v13  }
0xfe: {  	s29 =	sor.u32 s8, s26;
	v10 =	vor.u32 $0xD, v7;
	v13 =	vld.idx.msk [tilespmem:v14+s17+$0x0], $0xffff;
	[tilespmem:s28+$0x0] =	vst v15  }
0xff: {  	s30 =	sor.u32 s7, s26;
	v14 =	vor.u32 $0xB, v1;
	v15 =	vld.idx.msk [tilespmem:v16+s17+$0x0], $0xffff;
	[tilespmem:s29+$0x0] =	vst v17  }
0x100: {  	s11 =	sor.u32 s16, s26;
	s13 =	sadd.s32 $0xBB80, s21;
	v16 =	vor.u32 $0xB, v3;
	v11 =	vld.idx.msk [tilespmem:v11+s17+$0x0], $0xffff;
	[tilespmem:s30+$0x0] =	vst v0  }
0x101: {  	s22 =	sor.u32 s18, s13;
	v0 =	vor.u32 $0xC, v2;
	v17 =	vld.idx.msk [tilespmem:v18+s17+$0x0], $0xffff;
	[tilespmem:s11+$0x0] =	vst v12  }
0x102: {  	s23 =	sor.u32 s1, s14;
	v9 =	vld.idx.msk [tilespmem:v9+s17+$0x0], $0xffff;
	v12 =	vor.u32 $0xE, v5;
	[tilespmem:s22+$0x0] =	vst v8  }
0x103: {  	s24 =	sor.u32 s0, s4;
	s25 =	sadd.s32 $0x9A80, s3;
	v18 =	vor.u32 $0xE, v4;
	v10 =	vld.idx.msk [tilespmem:v10+s17+$0x0], $0xffff;
	[tilespmem:s23+$0x0] =	vst v13  }
0x104: {  	s26 =	sor.u32 s12, s25;
	v8 =	vor.u32 $0xE, v6;
	v13 =	vld.idx.msk [tilespmem:v14+s17+$0x0], $0xffff;
	[tilespmem:s24+$0x0] =	vst v15  }
0x105: {  	v19 =	vor.u32 $0xE, v7;
	s28 =	sor.u32 s8, s25;
	v15 =	vld.idx.msk [tilespmem:v16+s17+$0x0], $0xffff;
	[tilespmem:s26+$0x0] =	vst v11  }
0x106: {  	v21 =	vor.u32 $0xD, v2;
	v20 =	vor.u32 $0xC, v1;
	s29 =	sor.u32 s7, s25;
	v0 =	vld.idx.msk [tilespmem:v0+s17+$0x0], $0xffff;
	[tilespmem:s28+$0x0] =	vst v17  }
0x107: {  	v24 =	vor.u32 $0xE, v2;
	v25 =	vor.u32 $0xF, v2;
	s5 =	sor.u32 s16, s25;
	v14 =	vor.u32 $0xC, v3;
	v12 =	vld.idx.msk [tilespmem:v12+s17+$0x0], $0xffff;
	[tilespmem:s29+$0x0] =	vst v9  }
0x108: {  	v41 =	vor.u32 $0xF, v1;
	v22 =	vor.u32 $0xE, v3;
	v42 =	vor.u32 $0xF, v3;
	s11 =	sor.u32 s31, s4;
	v2 =	vld.idx.msk [tilespmem:v18+s17+$0x0], $0xffff;
	[tilespmem:s5+$0x0] =	vst v10  }
0x109: {  	s30 =	simm.s32 $0x240;
	v4 =	vor.u32 $0xF, v4;
	v5 =	vor.u32 $0xF, v5;
	s4 =	sor.u32 s1, s4;
	v16 =	vor.u32 $0xD, v3;
	v3 =	vld.idx.msk [tilespmem:v8+s17+$0x0], $0xffff;
	[tilespmem:s11+$0x0] =	vst v13  }
0x10a: {  	s21 =	sor.u32 s0, s6;
	s18 =	simm.s32 $0x260;
	s22 =	sadd.s32 $0x9B00, s3;
	v11 =	vor.u32 $0xD, v1;
	v17 =	vor.u32 $0xE, v1;
	v1 =	vmov s30;
	v8 =	vld.idx.msk [tilespmem:v19+s17+$0x0], $0xffff;
	[tilespmem:s4+$0x0] =	vst v15  }
0x10b: {  	v6 =	vor.u32 $0xF, v6;
	s23 =	sor.u32 s12, s22;
	v1 =	vshll.u32 v1, $0x4;
	v10 =	vmov s18;
	v13 =	vld.idx.msk [tilespmem:v20+s17+$0x0], $0xffff;
	[tilespmem:s21+$0x0] =	vst v0  }
0x10c: {  	s25 =	simm.s32 $0x270;
	s24 =	sor.u32 s8, s22;
	v15 =	vor.u32 v26, v1;
	v1 =	vshll.u32 v10, $0x4;
	v10 =	vld.idx.msk [tilespmem:v14+s17+$0x0], $0xffff;
	[tilespmem:s23+$0x0] =	vst v12  }
0x10d: {  	v7 =	vor.u32 $0xF, v7;
	s26 =	sor.u32 s7, s22;
	v0 =	vld.idx.msk [tilespmem:v21+s17+$0x0], $0xffff;
	[tilespmem:s24+$0x0] =	vst v2;
	v2 =	vmov s25  }
0x10e: {  	s14 =	simm.s32 $0x250;
	s28 =	sor.u32 s16, s22;
	v14 =	vor.u32 v26, v1;
	v1 =	vld.idx.msk [tilespmem:v5+s17+$0x0], $0xffff;
	[tilespmem:s26+$0x0] =	vst v3;
	v2 =	vshll.u32 v2, $0x4  }
0x10f: {  	v9 =	vmov s14;
	v4 =	vld.idx.msk [tilespmem:v4+s17+$0x0], $0xffff;
	[tilespmem:s28+$0x0] =	vst v8;
	v23 =	vor.u32 v26, v2;
	v2 =	vor.u32 $0x4, v15  }
0x110: {  	s29 =	sor.u32 s31, s6;
	v9 =	vshll.u32 v9, $0x4;
	v3 =	vld.idx.msk [tilespmem:v6+s17+$0x0], $0xffff;
	[tilespmem:$0x1FFB0] =	vst v2  }
0x111: {  	s30 =	sor.u32 s1, s6;
	v9 =	vor.u32 v26, v9;
	[tilespmem:s29+$0x0] =	vst v13  }
0x112: {  	v6 =	vor.u32 $0x5, v9;
	v2 =	vld.idx.msk [tilespmem:v7+s17+$0x0], $0xffff;
	[tilespmem:s30+$0x0] =	vst v10  }
0x113: {  	v5 =	vld.idx.msk [tilespmem:v11+s17+$0x0], $0xffff;
	[tilespmem:$0x1FFC0] =	vst v6;
	v6 =	vor.u32 $0x5, v14  }
0x114: {  	s6 =	sadd.s32 $0x9B80, s3;
	s5 =	sor.u32 s0, s9;
	v18 =	vor.u32 $0x1, v9;
	[tilespmem:$0x1FFD0] =	vst v6  }
0x115: {  	s11 =	sor.u32 s12, s6;
	v55 =	vor.u32 $0x2, v9;
	v54 =	vor.u32 $0x3, v9;
	v47 =	vor.u32 $0x4, v9;
	[tilespmem:s5+$0x0] =	vst v0  }
0x116: {  	s14 =	sor.u32 s8, s6;
	v44 =	vor.u32 $0x6, v9;
	v40 =	vor.u32 $0x7, v9;
	v35 =	vor.u32 $0x8, v9;
	v6 =	vld.idx.msk [tilespmem:v16+s17+$0x0], $0xffff;
	[tilespmem:s11+$0x0] =	vst v1  }
0x117: {  	v33 =	vor.u32 $0x9, v9;
	v31 =	vor.u32 $0xA, v9;
	[tilespmem:s14+$0x0] =	vst v4;
	v0 =	vor.u32 $0x7, v14;
	v1 =	vld.idx.msk [tilespmem:v24+s17+$0x0], $0xffff  }
0x118: {  	s18 =	sor.u32 s7, s6;
	v28 =	vor.u32 $0xB, v9;
	v20 =	vor.u32 $0xD, v9;
	v48 =	vor.u32 $0x1, v15;
	v4 =	vld.idx.msk [tilespmem:v23+s17+$0x0], $0xffff;
	[tilespmem:$0x1FFE0] =	vst v0  }
0x119: {  	v53 =	vor.u32 $0x2, v15;
	v50 =	vor.u32 $0x3, v15;
	v58 =	vor.u32 $0x5, v15;
	s21 =	sor.u32 s16, s6;
	[tilespmem:s18+$0x0] =	vst v3  }
0x11a: {  	s22 =	sor.u32 s31, s9;
	v60 =	vor.u32 $0x6, v15;
	v37 =	vor.u32 $0x7, v15;
	v34 =	vor.u32 $0x8, v15;
	v7 =	vld.idx.msk [tilespmem:v9+s17+$0x0], $0xffff;
	[tilespmem:s21+$0x0] =	vst v2  }
0x11b: {  	v30 =	vor.u32 $0x9, v15;
	v27 =	vor.u32 $0xA, v15;
	v19 =	vor.u32 $0xC, v15;
	s23 =	sor.u32 s1, s9;
	v8 =	vld.idx.msk [tilespmem:v14+s17+$0x0], $0xffff;
	[tilespmem:s22+$0x0] =	vst v5  }
0x11c: {  	v49 =	vor.u32 $0xF, v15;
	v56 =	vor.u32 $0x1, v14;
	v10 =	vor.u32 $0x1, v23;
	v2 =	vld.idx.msk [tilespmem:v15+s17+$0x0], $0xffff;
	[tilespmem:s23+$0x0] =	vst v6  }
0x11d: {  	v43 =	vor.u32 $0x2, v14;
	v51 =	vor.u32 $0x3, v14;
	v45 =	vor.u32 $0x4, v14;
	s26 =	sshll.u32 s15, $0x10;
	v0 =	vld.idx.msk [tilespmem:v17+s17+$0x0], $0xffff;
	[dreg:$0x11] =	wrdreg s15  }
0x11e: {  	v52 =	vor.u32 $0x6, v14;
	v38 =	vor.u32 $0x8, v14;
	v36 =	vor.u32 $0x9, v14;
	s24 =	sor.u32 s0, s10;
	s25 =	sadd.s32 $0xA800, s3;
	[dreg:$0x12] =	wrdreg s26  }
0x11f: {  	v21 =	vor.u32 $0xB, v15;
	v32 =	vor.u32 $0xA, v14;
	v29 =	vor.u32 $0xB, v14;
	s9 =	sor.u32 s1, s13;
	s28 =	sor.u32 s12, s25;
	v3 =	vld.idx.msk [tilespmem:v22+s17+$0x0], $0xffff;
	[tilespmem:s24+$0x0] =	vst v1  }
0x120: {  	v12 =	vor.u32 $0xD, v15;
	v46 =	vor.u32 $0xF, v14;
	s29 =	sor.u32 s8, s25;
	v13 =	vor.u32 $0xE, v14;
	s30 =	sor.u32 s7, s25;
	s11 =	sor.u32 s1, s10;
	[tilespmem:s28+$0x0] =	vst v4;
	v1 =	vld.idx.msk [tilespmem:v25+s17+$0x0], $0xffff  }
0x121: {  	v11 =	vor.u32 $0xE, v15;
	s14 =	sor.u32 s31, s10;
	v16 =	vor.u32 $0xE, v9;
	s10 =	sor.u32 s31, s13;
	s1 =	sor.u32 s16, s25;
	v24 =	vor.u32 $0xC, v9;
	[tilespmem:s29+$0x0] =	vst v7;
	v5 =	vld.idx.msk [tilespmem:v10+s17+$0x0], $0xffff  }
0x122: {  	s18 =	simm.s32 $0x4;
	v9 =	vor.u32 $0xF, v9;
	v17 =	vor.u32 $0xD, v14;
	s15 =	sor.u32 s0, s13;
	s0 =	simm.s32 $0x80;
	v22 =	vor.u32 $0xC, v14;
	[tilespmem:s30+$0x0] =	vst v8;
	v4 =	vld.idx.msk [tilespmem:v18+s17+$0x0], $0xffff  }
.LBB2_3:
0x123: {  	[tilespmem:$0x1FC50] =	vst v35  }
0x124: {  	[tilespmem:$0x1FC70] =	vst v34  }
0x125: {  	[tilespmem:$0x1FCD0] =	vst v30  }
0x126: {  	[tilespmem:$0x1FD20] =	vst v32  }
0x127: {  	[tilespmem:$0x1FD10] =	vst v31  }
0x128: {  	[tilespmem:$0x1FD60] =	vst v27  }
0x129: {  	[tilespmem:$0x1FDB0] =	vst v29  }
0x12a: {  	[tilespmem:$0x1FDE0] =	vst v24  }
0x12b: {  	[tilespmem:$0x1FD70] =	vst v28  }
0x12c: {  	[tilespmem:$0x1FE50] =	vst v19  }
0x12d: {  	[tilespmem:$0x1FE30] =	vst v22  }
0x12e: {  	[tilespmem:$0x1FEC0] =	vst v17  }
0x12f: {  	[tilespmem:$0x1FDC0] =	vst v21  }
0x130: {  	[tilespmem:$0x1FF40] =	vst v13  }
0x131: {  	[tilespmem:$0x1FE70] =	vst v20  }
0x132: {  	[tilespmem:$0x1FED0] =	vst v12  }
0x133: {  	[tilespmem:$0x1FEF0] =	vst v16  }
0x134: {  	[tilespmem:$0x1FF60] =	vst v11  }
0x135: {  	[tilespmem:$0x1FF80] =	vst v9  }
0x136: {  	[tilespmem:s1+$0x0] =	vst v2;
	v10 =	vmov v46  }
0x137: {  	s2 =	sadd.s32 $0x10, s0;
	[tilespmem:$0x1FC20] =	vst v10  }
0x138: {  	s29 =	sadd.s32 $0x20, s0;
	v8 =	vmov s2;
	[tilespmem:s15+$0x0] =	vst v1  }
0x139: {  	v7 =	vor.u32 $0x2, v23;
	s13 =	sadd.s32 $0xA880, s3;
	v2 =	vld.idx.msk [tilespmem:v56+s17+$0x0], $0xffff;
	[tilespmem:s14+$0x0] =	vst v0;
	v0 =	vshll.u32 v8, $0x4;
	v8 =	vmov s29  }
0x13a: {  	s6 =	sadd.s32 $0x30, s0;
	s18 =	sadd.s32 $0x4, s18;
	s30 =	sor.u32 s12, s13;
	v11 =	vld.idx.msk [tilespmem:v48+s17+$0x0], $0xffff;
	[tilespmem:s11+$0x0] =	vst v3;
	v14 =	vor.u32 v26, v0;
	v0 =	vshll.u32 v8, $0x4  }
0x13b: {  	[dreg:$0x5] =	wrdreg s18;
	p1 =	slt.u32 s18, $0x1C;
	s18 =	sor.u32 s8, s13;
	[tilespmem:s30+$0x0] =	vst v5;
	v21 =	vor.u32 v26, v0  }
0x13c: {  	v6 =	vmov s0;
	v9 =	vmov s6;
	[tilespmem:s18+$0x0] =	vst v4;
	v3 =	vld.idx.msk [tilespmem:v41+s17+$0x0], $0xffff;
	v1 =	vor.u32 $0x8, v21  }
0x13d: {  	v6 =	vshll.u32 v6, $0x4;
	s21 =	sor.u32 s7, s13;
	v9 =	vshll.u32 v9, $0x4;
	v8 =	vld.idx.msk [tilespmem:v42+s17+$0x0], $0xffff;
	[tilespmem:$0x1FC30] =	vst v1  }
0x13e: {  	s31 =	sor.u32 s16, s13;
	v16 =	vor.u32 v26, v6;
	v48 =	vor.u32 v26, v9;
	v6 =	vld.idx.msk [tilespmem:v7+s17+$0x0], $0xffff;
	[tilespmem:s21+$0x0] =	vst v2  }
0x13f: {  	v7 =	vld.idx.msk [tilespmem:v55+s17+$0x0], $0xffff;
	v1 =	vor.u32 $0x8, v16;
	[tilespmem:s31+$0x0] =	vst v11  }
0x140: {  	[tilespmem:$0x1FC40] =	vst v1  }
0x141: {  	s23 =	sadd.s32 $0xA900, s3;
	v11 =	vld.idx.msk [tilespmem:v43+s17+$0x0], $0xffff;
	[tilespmem:s10+$0x0] =	vst v3  }
0x142: {  	s24 =	sor.u32 s12, s23;
	[tilespmem:s9+$0x0] =	vst v8  }
0x143: {  	s25 =	sor.u32 s8, s23;
	v57 =	vld.idx.msk [tilespmem:v48+s17+$0x0], $0xffff;
	[tilespmem:s24+$0x0] =	vst v6  }
0x144: {  	v12 =	vor.u32 $0x3, v23;
	v1 =	vor.u32 $0x9, v21;
	v3 =	vld.idx.msk [tilespmem:v14+s17+$0x0], $0xffff;
	[tilespmem:s25+$0x0] =	vst v7  }
0x145: {  	s19 =	sadd.s32 $0x200, s19;
	[tilespmem:$0x1FC60] =	vst v1;
	v1 =	vor.u32 $0xA, v14  }
0x146: {  	s22 =	sand.u32 $0x60, s29;
	s29 =	sand.u32 $0xC00, s19;
	[tilespmem:$0x1FC90] =	vst v1;
	v1 =	vor.u32 $0xA, v16  }
0x147: {  	s30 =	sadd.s32 $0x8800, s29;
	s31 =	sand.u32 $0x70, s6;
	[tilespmem:$0x1FCB0] =	vst v1;
	v1 =	vor.u32 $0xB, v14  }
0x148: {  	s14 =	sor.u32 s31, s30;
	[tilespmem:$0x1FCE0] =	vst v1  }
0x149: {  	v18 =	vmov v49;
	v49 =	vld.idx.msk [tilespmem:v12+s17+$0x0], $0xffff;
	v1 =	vor.u32 $0xA, v21;
	[tilespmem:s14+$0x0] =	vst v57  }
0x14a: {  	s1 =	sand.u32 $0x50, s2;
	s28 =	sor.u32 s7, s23;
	v34 =	vld.idx.msk [tilespmem:v21+s17+$0x0], $0xffff;
	[tilespmem:$0x1FCA0] =	vst v1  }
0x14b: {  	s10 =	sor.u32 s1, s30;
	v46 =	vld.idx.msk [tilespmem:v16+s17+$0x0], $0xffff;
	[tilespmem:s28+$0x0] =	vst v11  }
0x14c: {  	v55 =	vld.idx.msk [tilespmem:v54+s17+$0x0], $0xffff;
	v1 =	vor.u32 $0xB, v16;
	[tilespmem:s10+$0x0] =	vst v3  }
0x14d: {  	v26 =	vor.u32 $0x1, v16;
	v53 =	vld.idx.msk [tilespmem:v53+s17+$0x0], $0xffff;
	[tilespmem:$0x1FD00] =	vst v1;
	v1 =	vor.u32 $0xC, v14  }
0x14e: {  	s26 =	sand.u32 $0x40, s0;
	s11 =	sor.u32 s22, s30;
	[tilespmem:$0x1FD30] =	vst v1  }
0x14f: {  	s9 =	sor.u32 s26, s30;
	[tilespmem:s11+$0x0] =	vst v34  }
0x150: {  	v1 =	vor.u32 $0xB, v21;
	[tilespmem:s9+$0x0] =	vst v46  }
0x151: {  	s13 =	sor.u32 s16, s23;
	[tilespmem:$0x1FCF0] =	vst v1  }
0x152: {  	v1 =	vor.u32 $0xC, v16;
	v26 =	vld.idx.msk [tilespmem:v26+s17+$0x0], $0xffff;
	[tilespmem:s13+$0x0] =	vst v53  }
0x153: {  	v10 =	vor.u32 $0x2, v16;
	v20 =	vor.u32 $0x1, v14;
	[tilespmem:$0x1FD50] =	vst v1;
	v1 =	vor.u32 $0xC, v21  }
0x154: {  	v15 =	vor.u32 $0x4, v16;
	v35 =	vor.u32 $0x1, v48;
	[tilespmem:$0x1FD40] =	vst v1;
	v1 =	vor.u32 $0xD, v16  }
0x155: {  	v27 =	vor.u32 $0x5, v16;
	v31 =	vor.u32 $0x1, v21;
	[tilespmem:$0x1FDA0] =	vst v1;
	v1 =	vor.u32 $0xD, v14  }
0x156: {  	v24 =	vor.u32 $0x6, v16;
	v62 =	vor.u32 $0x2, v48;
	[tilespmem:$0x1FD80] =	vst v1;
	v1 =	vor.u32 $0xD, v21  }
0x157: {  	v28 =	vor.u32 $0x2, v14;
	v9 =	vor.u32 $0x3, v14;
	v3 =	vld [tilespmem:$0x1FFF0];
	[tilespmem:$0x1FD90] =	vst v1;
	v1 =	vor.u32 $0xE, v16  }
0x158: {  	v0 =	vor.u32 $0x3, v16;
	v30 =	vor.u32 $0x5, v14;
	v20 =	vld.idx.msk [tilespmem:v20+s17+$0x0], $0xffff;
	[tilespmem:$0x1FE20] =	vst v1;
	v1 =	vor.u32 $0xE, v14  }
0x159: {  	s2 =	sadd.s32 $0x200, s0;
	[dreg:$0x3] =	wrdreg s19;
	s19 =	sadd.s32 $0xA980, s3;
	v8 =	vor.u32 $0x7, v16;
	v57 =	vor.u32 $0x4, v23;
	v35 =	vld.idx.msk [tilespmem:v35+s17+$0x0], $0xffff;
	[tilespmem:$0x1FDF0] =	vst v1;
	v1 =	vor.u32 $0xE, v21  }
0x15a: {  	s24 =	sor.u32 s12, s19;
	v11 =	vor.u32 $0x9, v16;
	v31 =	vld.idx.msk [tilespmem:v31+s17+$0x0], $0xffff;
	[tilespmem:$0x1FE00] =	vst v1;
	v1 =	vor.u32 $0xF, v16;
	v16 =	vmov s2  }
0x15b: {  	s23 =	sor.u32 s8, s19;
	v25 =	vor.u32 $0x6, v14;
	v19 =	vor.u32 $0x7, v14;
	v7 =	vmovc v40;
	[tilespmem:s24+$0x0] =	vst v49;
	v40 =	vld.idx.msk [tilespmem:v50+s17+$0x0], $0xffff;
	v16 =	vshll.u32 v16, $0x4  }
0x15c: {  	v17 =	vor.u32 $0x8, v14;
	v32 =	vor.u32 $0x2, v21;
	[tilespmem:s23+$0x0] =	vst v55;
	v50 =	vor.u32 v3, v16;
	v3 =	vld [tilespmem:$0x1FFF0]  }
0x15d: {  	v13 =	vor.u32 $0x9, v14;
	v56 =	vor.u32 $0x3, v21;
	v59 =	vor.u32 $0x4, v21;
	[tilespmem:s10+$0x80] =	vst v20  }
0x15e: {  	s4 =	sadd.s32 $0x210, s0;
	v29 =	vor.u32 $0x5, v21;
	v22 =	vor.u32 $0x6, v21;
	[tilespmem:$0x1FEB0] =	vst v1;
	v1 =	vor.u32 $0xF, v14  }
0x15f: {  	s5 =	sadd.s32 $0x220, s0;
	v61 =	vor.u32 $0x7, v21;
	v63 =	vld.idx.msk [tilespmem:v57+s17+$0x0], $0xffff;
	[tilespmem:$0x1FE90] =	vst v1;
	v1 =	vor.u32 $0xF, v21;
	v21 =	vmov s4  }
0x160: {  	v43 =	vor.u32 $0x4, v14;
	v14 =	vld.idx.msk [tilespmem:v51+s17+$0x0], $0xffff;
	[tilespmem:s11+$0x80] =	vst v31;
	v20 =	vshll.u32 v21, $0x4;
	v21 =	vmov s5  }
0x161: {  	[tilespmem:s9+$0x80] =	vst v26;
	v51 =	vor.u32 v3, v20;
	v20 =	vshll.u32 v21, $0x4;
	v21 =	vld.idx.msk [tilespmem:v32+s17+$0x0], $0xffff  }
0x162: {  	[tilespmem:s14+$0x80] =	vst v35;
	v10 =	vld.idx.msk [tilespmem:v10+s17+$0x0], $0xffff  }
0x163: {  	s21 =	sor.u32 s16, s19;
	v34 =	vld.idx.msk [tilespmem:v62+s17+$0x0], $0xffff  }
0x164: {  	s15 =	sor.u32 s7, s19;
	[tilespmem:s21+$0x0] =	vst v40;
	v3 =	vld [tilespmem:$0x1FFF0]  }
0x165: {  	v16 =	vld.idx.msk [tilespmem:v28+s17+$0x0], $0xffff;
	[tilespmem:s15+$0x0] =	vst v14  }
0x166: {  	v46 =	vld.idx.msk [tilespmem:v45+s17+$0x0], $0xffff;
	[tilespmem:s11+$0x100] =	vst v21  }
0x167: {  	v41 =	vor.u32 $0x5, v23;
	[tilespmem:s9+$0x100] =	vst v10;
	v57 =	vld.idx.msk [tilespmem:v56+s17+$0x0], $0xffff  }
0x168: {  	v56 =	vld.idx.msk [tilespmem:v0+s17+$0x0], $0xffff  }
0x169: {  	s25 =	sadd.s32 $0xAA00, s3;
	v53 =	vor.u32 v3, v20;
	v20 =	vor.u32 $0x3, v48;
	v0 =	vld [tilespmem:$0x1FFB0]  }
0x16a: {  	s30 =	sor.u32 s12, s25;
	v28 =	vld.idx.msk [tilespmem:v47+s17+$0x0], $0xffff  }
0x16b: {  	[tilespmem:s30+$0x0] =	vst v63  }
0x16c: {  	v14 =	vld.idx.msk [tilespmem:v41+s17+$0x0], $0xffff  }
0x16d: {  	[tilespmem:s14+$0x100] =	vst v34  }
0x16e: {  	v42 =	vor.u32 $0x6, v23;
	s28 =	sor.u32 s8, s25;
	[tilespmem:s10+$0x100] =	vst v16;
	v54 =	vld.idx.msk [tilespmem:v20+s17+$0x0], $0xffff  }
0x16f: {  	s13 =	sor.u32 s7, s25;
	s21 =	sadd.s32 $0xAA80, s3;
	v55 =	vld.idx.msk [tilespmem:v9+s17+$0x0], $0xffff;
	[tilespmem:s28+$0x0] =	vst v28  }
0x170: {  	v4 =	vmov v44;
	s2 =	sor.u32 s16, s25;
	s25 =	sor.u32 s12, s21;
	v44 =	vor.u32 $0x4, v50;
	v10 =	vor.u32 $0x4, v48;
	[tilespmem:s13+$0x0] =	vst v46  }
0x171: {  	[tilespmem:s25+$0x0] =	vst v14;
	v40 =	vld.idx.msk [tilespmem:v0+s17+$0x0], $0xffff;
	v0 =	vmov v44  }
0x172: {  	[tilespmem:$0x1FFB0] =	vst v0  }
0x173: {  	v49 =	vld.idx.msk [tilespmem:v42+s17+$0x0], $0xffff;
	v0 =	vor.u32 $0xB, v50;
	[tilespmem:s14+$0x180] =	vst v54  }
0x174: {  	v44 =	vmov v58;
	v58 =	vor.u32 $0x7, v23;
	[tilespmem:$0x1FDD0] =	vst v0;
	v0 =	vld [tilespmem:$0x1FFC0]  }
0x175: {  	v12 =	vor.u32 $0x3, v53;
	[tilespmem:s9+$0x180] =	vst v56;
	v41 =	vld.idx.msk [tilespmem:v10+s17+$0x0], $0xffff  }
0x176: {  	s28 =	sadd.s32 $0xAB00, s3;
	[tilespmem:$0x1FF10] =	vst v12;
	v12 =	vld.idx.msk [tilespmem:v15+s17+$0x0], $0xffff  }
0x177: {  	s30 =	sor.u32 s12, s28;
	[tilespmem:s11+$0x180] =	vst v57  }
0x178: {  	v15 =	vld [tilespmem:$0x1FFD0];
	[tilespmem:s30+$0x0] =	vst v49  }
0x179: {  	[tilespmem:s2+$0x0] =	vst v40;
	v40 =	vld.idx.msk [tilespmem:v58+s17+$0x0], $0xffff  }
0x17a: {  	[tilespmem:s14+$0x200] =	vst v41;
	v41 =	vld.idx.msk [tilespmem:v44+s17+$0x0], $0xffff  }
0x17b: {  	v16 =	vor.u32 $0x5, v51;
	[tilespmem:s9+$0x200] =	vst v12  }
0x17c: {  	v54 =	vld.idx.msk [tilespmem:v0+s17+$0x0], $0xffff;
	v0 =	vmov v16;
	[tilespmem:s10+$0x180] =	vst v55  }
0x17d: {  	v59 =	vld.idx.msk [tilespmem:v59+s17+$0x0], $0xffff;
	[tilespmem:$0x1FFC0] =	vst v0;
	v0 =	vor.u32 $0xC, v50  }
0x17e: {  	s4 =	sor.u32 s16, s21;
	v27 =	vld.idx.msk [tilespmem:v27+s17+$0x0], $0xffff;
	[tilespmem:$0x1FE60] =	vst v0  }
0x17f: {  	v42 =	vld.idx.msk [tilespmem:v43+s17+$0x0], $0xffff;
	v43 =	vor.u32 $0x5, v48;
	v0 =	vor.u32 $0xD, v50;
	[tilespmem:s4+$0x0] =	vst v41  }
0x180: {  	v2 =	vmov v52;
	s23 =	sor.u32 s8, s21;
	v52 =	vor.u32 $0x5, v53;
	[tilespmem:$0x1FEE0] =	vst v0  }
0x181: {  	v0 =	vor.u32 $0xE, v50;
	[tilespmem:s23+$0x0] =	vst v54;
	v54 =	vld.idx.msk [tilespmem:v15+s17+$0x0], $0xffff;
	v15 =	vmov v52;
	v52 =	vor.u32 $0x8, v23  }
0x182: {  	[tilespmem:$0x1FF70] =	vst v0;
	v0 =	vor.u32 $0xE, v51  }
0x183: {  	s19 =	sadd.s32 $0xAB80, s3;
	v45 =	vmov v37;
	v37 =	vor.u32 $0x5, v50;
	[tilespmem:$0x1FF00] =	vst v0  }
0x184: {  	s5 =	sor.u32 s7, s21;
	s21 =	sor.u32 s12, s19;
	v58 =	vmov v37;
	[tilespmem:s11+$0x200] =	vst v59;
	v37 =	vld.idx.msk [tilespmem:v43+s17+$0x0], $0xffff  }
0x185: {  	v0 =	vor.u32 $0xE, v53;
	v12 =	vld.idx.msk [tilespmem:v29+s17+$0x0], $0xffff;
	v29 =	vor.u32 $0x6, v48;
	[tilespmem:s21+$0x0] =	vst v40  }
0x186: {  	[tilespmem:$0x1FF50] =	vst v0;
	v0 =	vor.u32 $0xF, v51;
	v40 =	vld.idx.msk [tilespmem:v52+s17+$0x0], $0xffff  }
0x187: {  	v59 =	vor.u32 $0x9, v23;
	[tilespmem:$0x1FF90] =	vst v0  }
0x188: {  	v0 =	vld [tilespmem:$0x1FFE0];
	[tilespmem:s5+$0x0] =	vst v54  }
0x189: {  	s6 =	sor.u32 s16, s28;
	s25 =	sadd.s32 $0xB800, s3;
	[tilespmem:s14+$0x280] =	vst v37;
	v37 =	vld.idx.msk [tilespmem:v2+s17+$0x0], $0xffff  }
0x18a: {  	s15 =	sor.u32 s8, s28;
	s24 =	sor.u32 s7, s28;
	s28 =	sor.u32 s12, s25;
	[tilespmem:s11+$0x280] =	vst v12;
	v29 =	vld.idx.msk [tilespmem:v29+s17+$0x0], $0xffff  }
0x18b: {  	v12 =	vld.idx.msk [tilespmem:v22+s17+$0x0], $0xffff;
	v22 =	vor.u32 $0x7, v48;
	[tilespmem:s28+$0x0] =	vst v40  }
0x18c: {  	[tilespmem:s9+$0x280] =	vst v27;
	v27 =	vld.idx.msk [tilespmem:v59+s17+$0x0], $0xffff  }
0x18d: {  	[tilespmem:s10+$0x200] =	vst v42  }
0x18e: {  	[tilespmem:s24+$0x0] =	vst v37  }
0x18f: {  	s18 =	sor.u32 s8, s25;
	s30 =	sadd.s32 $0xB880, s3;
	[tilespmem:s14+$0x300] =	vst v29  }
0x190: {  	v35 =	vor.u32 $0x7, v53;
	s2 =	sor.u32 s16, s25;
	s4 =	sor.u32 s7, s25;
	s25 =	sor.u32 s12, s30;
	[tilespmem:s11+$0x300] =	vst v12;
	v22 =	vld.idx.msk [tilespmem:v22+s17+$0x0], $0xffff  }
0x191: {  	[tilespmem:s25+$0x0] =	vst v27;
	v27 =	vld.idx.msk [tilespmem:v0+s17+$0x0], $0xffff;
	v0 =	vmov v35  }
0x192: {  	[tilespmem:$0x1FFE0] =	vst v0;
	v0 =	vld [tilespmem:$0x1FC30]  }
0x193: {  	v30 =	vld.idx.msk [tilespmem:v30+s17+$0x0], $0xffff  }
0x194: {  	v12 =	vld.idx.msk [tilespmem:v61+s17+$0x0], $0xffff;
	_ =	sdelay $0x1  }
0x195: {  	v24 =	vld.idx.msk [tilespmem:v24+s17+$0x0], $0xffff  }
0x196: {  	v41 =	vld.idx.msk [tilespmem:v4+s17+$0x0], $0xffff  }
0x197: {  	[tilespmem:s10+$0x280] =	vst v30;
	v30 =	vld.idx.msk [tilespmem:v60+s17+$0x0], $0xffff  }
0x198: {  	v25 =	vld.idx.msk [tilespmem:v25+s17+$0x0], $0xffff;
	[tilespmem:s11+$0x380] =	vst v12  }
0x199: {  	v12 =	vld.idx.msk [tilespmem:v0+s17+$0x0], $0xffff  }
0x19a: {  	v63 =	vor.u32 $0x6, v50;
	v0 =	vld [tilespmem:$0x1FC40]  }
0x19b: {  	v60 =	vmov v63;
	v63 =	vor.u32 $0xA, v23;
	[tilespmem:s9+$0x300] =	vst v24  }
0x19c: {  	v42 =	vmov v18;
	v18 =	vld.idx.msk [tilespmem:v8+s17+$0x0], $0xffff  }
0x19d: {  	[tilespmem:s15+$0x0] =	vst v41  }
0x19e: {  	[tilespmem:s6+$0x0] =	vst v30  }
0x19f: {  	v29 =	vld.idx.msk [tilespmem:v7+s17+$0x0], $0xffff;
	[tilespmem:s10+$0x300] =	vst v25  }
0x1a0: {  	v25 =	vld.idx.msk [tilespmem:v63+s17+$0x0], $0xffff;
	[tilespmem:s14+$0x380] =	vst v22  }
0x1a1: {  	v22 =	vld.idx.msk [tilespmem:v45+s17+$0x0], $0xffff;
	[tilespmem:s9+$0x380] =	vst v18  }
0x1a2: {  	v18 =	vld.idx.msk [tilespmem:v0+s17+$0x0], $0xffff  }
0x1a3: {  	v0 =	vld [tilespmem:$0x1FC50];
	_ =	sdelay $0x1  }
0x1a4: {  	v24 =	vor.u32 $0x8, v48;
	v19 =	vld.idx.msk [tilespmem:v19+s17+$0x0], $0xffff;
	_ =	sdelay $0x2  }
0x1a5: {  	s23 =	sor.u32 s8, s19  }
0x1a6: {  	[tilespmem:s23+$0x0] =	vst v29  }
0x1a7: {  	s13 =	sor.u32 s16, s19;
	[tilespmem:s10+$0x380] =	vst v19;
	v19 =	vld.idx.msk [tilespmem:v24+s17+$0x0], $0xffff  }
0x1a8: {  	[tilespmem:s13+$0x0] =	vst v22;
	v22 =	vld.idx.msk [tilespmem:v0+s17+$0x0], $0xffff  }
0x1a9: {  	v29 =	vor.u32 $0xB, v23;
	v0 =	vld [tilespmem:$0x1FC60];
	_ =	sdelay $0x1  }
0x1aa: {  	v47 =	vmov v38;
	s21 =	sadd.s32 $0xB900, s3  }
0x1ab: {  	s24 =	sadd.s32 $0x9800, s29;
	s6 =	sor.u32 s16, s21;
	s23 =	sor.u32 s12, s21  }
0x1ac: {  	s9 =	sor.u32 s7, s21;
	s10 =	sor.u32 s8, s21;
	s21 =	sor.u32 s31, s24;
	[tilespmem:s23+$0x0] =	vst v25  }
0x1ad: {  	s19 =	sor.u32 s7, s19;
	v24 =	vld.idx.msk [tilespmem:v29+s17+$0x0], $0xffff;
	[tilespmem:s21+$0x0] =	vst v19  }
0x1ae: {  	s11 =	sor.u32 s22, s24;
	[tilespmem:s19+$0x0] =	vst v27  }
0x1af: {  	v6 =	vor.u32 $0x4, v51;
	v19 =	vld.idx.msk [tilespmem:v47+s17+$0x0], $0xffff;
	[tilespmem:s11+$0x0] =	vst v12  }
0x1b0: {  	v47 =	vmov v6;
	v6 =	vld.idx.msk [tilespmem:v0+s17+$0x0], $0xffff  }
0x1b1: {  	v0 =	vld [tilespmem:$0x1FC70];
	_ =	sdelay $0x5  }
0x1b2: {  	[tilespmem:$0x1FFD0] =	vst v15;
	s25 =	sor.u32 s26, s24  }
0x1b3: {  	v15 =	vor.u32 $0x9, v48;
	[tilespmem:s25+$0x0] =	vst v18  }
0x1b4: {  	[tilespmem:$0x1FC80] =	vst v33;
	v18 =	vld.idx.msk [tilespmem:v0+s17+$0x0], $0xffff  }
0x1b5: {  	v0 =	vld [tilespmem:$0x1FC80]  }
0x1b6: {  	v17 =	vld.idx.msk [tilespmem:v17+s17+$0x0], $0xffff;
	v25 =	vor.u32 $0xC, v23;
	_ =	sdelay $0x1  }
0x1b7: {  	s23 =	sadd.s32 $0xB980, s3;
	v15 =	vld.idx.msk [tilespmem:v15+s17+$0x0], $0xffff  }
0x1b8: {  	s25 =	sor.u32 s12, s23  }
0x1b9: {  	s28 =	sor.u32 s1, s24;
	[tilespmem:s25+$0x0] =	vst v24  }
0x1ba: {  	s24 =	sor.u32 s16, s23;
	s19 =	sadd.s32 $0x9880, s29;
	[tilespmem:s28+$0x0] =	vst v17;
	v17 =	vld.idx.msk [tilespmem:v25+s17+$0x0], $0xffff  }
0x1bb: {  	s13 =	sor.u32 s7, s23;
	s28 =	sor.u32 s8, s23;
	s23 =	sor.u32 s31, s19;
	v13 =	vld.idx.msk [tilespmem:v13+s17+$0x0], $0xffff;
	[tilespmem:s18+$0x0] =	vst v22  }
0x1bc: {  	[tilespmem:s23+$0x0] =	vst v15;
	v15 =	vld.idx.msk [tilespmem:v0+s17+$0x0], $0xffff  }
0x1bd: {  	v0 =	vld [tilespmem:$0x1FC90];
	_ =	sdelay $0x5  }
0x1be: {  	s21 =	sor.u32 s1, s19  }
0x1bf: {  	[tilespmem:s21+$0x0] =	vst v13  }
0x1c0: {  	v7 =	vld.idx.msk [tilespmem:v0+s17+$0x0], $0xffff  }
0x1c1: {  	v0 =	vld [tilespmem:$0x1FCA0];
	_ =	sdelay $0x5  }
0x1c2: {  	s25 =	sor.u32 s22, s19;
	[tilespmem:s4+$0x0] =	vst v19  }
0x1c3: {  	[tilespmem:s25+$0x0] =	vst v6  }
0x1c4: {  	v6 =	vld.idx.msk [tilespmem:v0+s17+$0x0], $0xffff  }
0x1c5: {  	v0 =	vld [tilespmem:$0x1FCB0];
	_ =	sdelay $0x1  }
0x1c6: {  	v11 =	vld.idx.msk [tilespmem:v11+s17+$0x0], $0xffff;
	_ =	sdelay $0x3  }
0x1c7: {  	s14 =	sor.u32 s26, s19  }
0x1c8: {  	[tilespmem:s14+$0x0] =	vst v11  }
0x1c9: {  	[tilespmem:$0x1FCC0] =	vst v36;
	v11 =	vld.idx.msk [tilespmem:v0+s17+$0x0], $0xffff  }
0x1ca: {  	v0 =	vld [tilespmem:$0x1FCC0];
	_ =	sdelay $0x6  }
0x1cb: {  	s5 =	sor.u32 s8, s30;
	v12 =	vor.u32 $0xA, v48  }
0x1cc: {  	[tilespmem:s5+$0x0] =	vst v15;
	v15 =	vld.idx.msk [tilespmem:v0+s17+$0x0], $0xffff  }
0x1cd: {  	v0 =	vld [tilespmem:$0x1FCD0];
	_ =	sdelay $0x1  }
0x1ce: {  	v19 =	vor.u32 $0xD, v23  }
0x1cf: {  	v12 =	vld.idx.msk [tilespmem:v12+s17+$0x0], $0xffff  }
0x1d0: {  	s11 =	sadd.s32 $0xBA00, s3  }
0x1d1: {  	s19 =	sor.u32 s12, s11  }
0x1d2: {  	[tilespmem:s19+$0x0] =	vst v17;
	s21 =	sadd.s32 $0x9900, s29  }
0x1d3: {  	v13 =	vld.idx.msk [tilespmem:v19+s17+$0x0], $0xffff;
	s23 =	sor.u32 s31, s21;
	[tilespmem:s2+$0x0] =	vst v18  }
0x1d4: {  	[tilespmem:s23+$0x0] =	vst v12;
	v12 =	vld.idx.msk [tilespmem:v0+s17+$0x0], $0xffff  }
0x1d5: {  	v0 =	vld [tilespmem:$0x1FCE0];
	_ =	sdelay $0x1  }
0x1d6: {  	v8 =	vor.u32 $0xB, v48;
	_ =	sdelay $0x3  }
0x1d7: {  	s14 =	sor.u32 s1, s21  }
0x1d8: {  	[tilespmem:s14+$0x0] =	vst v7;
	v7 =	vld.idx.msk [tilespmem:v8+s17+$0x0], $0xffff  }
0x1d9: {  	v8 =	vld.idx.msk [tilespmem:v0+s17+$0x0], $0xffff  }
0x1da: {  	v0 =	vld [tilespmem:$0x1FCF0];
	_ =	sdelay $0x5  }
0x1db: {  	s2 =	sor.u32 s26, s21;
	s21 =	sor.u32 s22, s21  }
0x1dc: {  	[tilespmem:s21+$0x0] =	vst v6  }
0x1dd: {  	v6 =	vld.idx.msk [tilespmem:v0+s17+$0x0], $0xffff  }
0x1de: {  	v0 =	vld [tilespmem:$0x1FD00];
	_ =	sdelay $0x6  }
0x1df: {  	[tilespmem:s2+$0x0] =	vst v11  }
0x1e0: {  	v18 =	vld.idx.msk [tilespmem:v0+s17+$0x0], $0xffff  }
0x1e1: {  	v0 =	vld [tilespmem:$0x1FD10];
	_ =	sdelay $0x6  }
0x1e2: {  	s15 =	sor.u32 s16, s30  }
0x1e3: {  	[tilespmem:s15+$0x0] =	vst v12;
	v12 =	vld.idx.msk [tilespmem:v0+s17+$0x0], $0xffff  }
0x1e4: {  	v0 =	vld [tilespmem:$0x1FD20];
	_ =	sdelay $0x1  }
0x1e5: {  	v17 =	vor.u32 $0xE, v23;
	_ =	sdelay $0x1  }
0x1e6: {  	s23 =	sadd.s32 $0xBA80, s3  }
0x1e7: {  	s14 =	sor.u32 s12, s23  }
0x1e8: {  	s30 =	sor.u32 s7, s30;
	[tilespmem:s14+$0x0] =	vst v13;
	s2 =	sadd.s32 $0x9980, s29  }
0x1e9: {  	v13 =	vld.idx.msk [tilespmem:v17+s17+$0x0], $0xffff;
	s21 =	sor.u32 s31, s2;
	[tilespmem:s30+$0x0] =	vst v15  }
0x1ea: {  	[tilespmem:s21+$0x0] =	vst v7;
	v7 =	vld.idx.msk [tilespmem:v0+s17+$0x0], $0xffff  }
0x1eb: {  	v0 =	vld [tilespmem:$0x1FD30];
	_ =	sdelay $0x1  }
0x1ec: {  	v11 =	vor.u32 $0xC, v48;
	_ =	sdelay $0x3  }
0x1ed: {  	s14 =	sor.u32 s1, s2  }
0x1ee: {  	[tilespmem:s14+$0x0] =	vst v8;
	v8 =	vld.idx.msk [tilespmem:v11+s17+$0x0], $0xffff  }
0x1ef: {  	v11 =	vld.idx.msk [tilespmem:v0+s17+$0x0], $0xffff  }
0x1f0: {  	v0 =	vld [tilespmem:$0x1FD40];
	_ =	sdelay $0x4  }
0x1f1: {  	s18 =	sor.u32 s8, s11;
	s4 =	sor.u32 s7, s11  }
0x1f2: {  	s25 =	sor.u32 s16, s11;
	s11 =	sor.u32 s26, s2;
	s2 =	sor.u32 s22, s2  }
0x1f3: {  	[tilespmem:s2+$0x0] =	vst v6  }
0x1f4: {  	v6 =	vld.idx.msk [tilespmem:v0+s17+$0x0], $0xffff  }
0x1f5: {  	v0 =	vld [tilespmem:$0x1FD50];
	_ =	sdelay $0x6  }
0x1f6: {  	[tilespmem:s11+$0x0] =	vst v18  }
0x1f7: {  	v18 =	vld.idx.msk [tilespmem:v0+s17+$0x0], $0xffff  }
0x1f8: {  	v0 =	vld [tilespmem:$0x1FD60];
	_ =	sdelay $0x5  }
0x1f9: {  	s21 =	sadd.s32 $0xBB00, s3  }
0x1fa: {  	s30 =	sor.u32 s12, s21  }
0x1fb: {  	[tilespmem:s30+$0x0] =	vst v13;
	v13 =	vld.idx.msk [tilespmem:v0+s17+$0x0], $0xffff  }
0x1fc: {  	v0 =	vld [tilespmem:$0x1FD70];
	_ =	sdelay $0x5  }
0x1fd: {  	[tilespmem:$0x1FEA0] =	vst v1  }
0x1fe: {  	[tilespmem:s10+$0x0] =	vst v12  }
0x1ff: {  	v1 =	vor.u32 $0x1, v50;
	[tilespmem:s9+$0x0] =	vst v7;
	v7 =	vld.idx.msk [tilespmem:v0+s17+$0x0], $0xffff  }
0x200: {  	[tilespmem:$0x1FE10] =	vst v1;
	v1 =	vor.u32 $0x2, v50;
	v0 =	vld [tilespmem:$0x1FD80]  }
0x201: {  	[tilespmem:$0x1FF20] =	vst v1;
	v1 =	vor.u32 $0x1, v51  }
0x202: {  	[tilespmem:$0x1FFA0] =	vst v1;
	v1 =	vor.u32 $0x1, v53  }
0x203: {  	[tilespmem:$0x1FE80] =	vst v1;
	v1 =	vor.u32 $0x3, v50  }
0x204: {  	[tilespmem:$0x1FF30] =	vst v1;
	v1 =	vor.u32 $0x2, v51  }
0x205: {  	[tilespmem:$0x1FE40] =	vst v1;
	v1 =	vor.u32 $0x2, v53;
	s15 =	sadd.s32 $0x9A00, s29  }
0x206: {  	v43 =	vmov v1;
	v1 =	vld [tilespmem:$0x1FDD0];
	s30 =	sor.u32 s1, s15  }
0x207: {  	v38 =	vor.u32 $0x6, v51;
	[tilespmem:s30+$0x0] =	vst v11  }
0x208: {  	v32 =	vor.u32 $0x9, v51;
	v33 =	vor.u32 $0x8, v53;
	v21 =	vor.u32 $0xA, v53;
	v11 =	vld.idx.msk [tilespmem:v0+s17+$0x0], $0xffff  }
0x209: {  	v0 =	vld [tilespmem:$0x1FD90];
	_ =	sdelay $0x1  }
0x20a: {  	v44 =	vmovc v38;
	v38 =	vmovc v33;
	v33 =	vmov v32;
	v32 =	vmov v21;
	v21 =	vmov v1;
	v1 =	vld [tilespmem:$0x1FDE0];
	_ =	sdelay $0x2  }
0x20b: {  	s11 =	sor.u32 s16, s21;
	s14 =	sor.u32 s7, s21;
	s2 =	sor.u32 s8, s21  }
0x20c: {  	s21 =	sor.u32 s31, s15;
	s10 =	sor.u32 s26, s15;
	s15 =	sor.u32 s22, s15  }
0x20d: {  	[tilespmem:s15+$0x0] =	vst v6  }
0x20e: {  	v6 =	vld.idx.msk [tilespmem:v0+s17+$0x0], $0xffff  }
0x20f: {  	[tilespmem:s28+$0x0] =	vst v7;
	v0 =	vld [tilespmem:$0x1FDA0]  }
0x210: {  	v7 =	vld.idx.msk [tilespmem:v1+s17+$0x0], $0xffff  }
0x211: {  	v15 =	vor.u32 $0xF, v23;
	v1 =	vld [tilespmem:$0x1FDF0];
	_ =	sdelay $0x2  }
0x212: {  	s19 =	sor.u32 s16, s23;
	s30 =	sadd.s32 $0xBB80, s3  }
0x213: {  	s5 =	sor.u32 s8, s23;
	s3 =	smov.u32 s29;
	s9 =	sor.u32 s16, s30  }
0x214: {  	v12 =	vld.idx.msk [tilespmem:v15+s17+$0x0], $0xffff;
	[tilespmem:s10+$0x0] =	vst v18;
	s15 =	sor.u32 s8, s30;
	s8 =	smov.u32 s1;
	s29 =	sadd.s32 $0x9A80, s3  }
0x215: {  	s16 =	sor.u32 s12, s30;
	s12 =	smov.u32 s31;
	s31 =	sor.u32 s8, s29;
	v15 =	vld.idx.msk [tilespmem:v0+s17+$0x0], $0xffff  }
0x216: {  	v9 =	vor.u32 $0xB, v53;
	[tilespmem:s31+$0x0] =	vst v11;
	v0 =	vld [tilespmem:$0x1FDB0]  }
0x217: {  	v29 =	vmov v9;
	v9 =	vld.idx.msk [tilespmem:v1+s17+$0x0], $0xffff  }
0x218: {  	v17 =	vor.u32 $0xD, v48;
	v1 =	vld [tilespmem:$0x1FE00];
	_ =	sdelay $0x3  }
0x219: {  	[tilespmem:s21+$0x0] =	vst v8  }
0x21a: {  	s23 =	sor.u32 s7, s23;
	v8 =	vld.idx.msk [tilespmem:v17+s17+$0x0], $0xffff;
	s10 =	sor.u32 s7, s30;
	s7 =	smov.u32 s22  }
0x21b: {  	[tilespmem:s16+$0x0] =	vst v12;
	s1 =	sor.u32 s7, s29;
	v12 =	vld.idx.msk [tilespmem:v0+s17+$0x0], $0xffff  }
0x21c: {  	v0 =	vld [tilespmem:$0x1FDC0];
	[tilespmem:s1+$0x0] =	vst v6  }
0x21d: {  	v6 =	vld.idx.msk [tilespmem:v1+s17+$0x0], $0xffff  }
0x21e: {  	v1 =	vld [tilespmem:$0x1FE20];
	_ =	sdelay $0x4  }
0x21f: {  	s16 =	smov.u32 s26  }
0x220: {  	s30 =	sor.u32 s16, s29;
	[tilespmem:s6+$0x0] =	vst v13  }
0x221: {  	v0 =	vld.idx.msk [tilespmem:v0+s17+$0x0], $0xffff;
	[tilespmem:s30+$0x0] =	vst v15  }
0x222: {  	v11 =	vld.idx.msk [tilespmem:v1+s17+$0x0], $0xffff  }
0x223: {  	v1 =	vld [tilespmem:$0x1FE50];
	_ =	sdelay $0x6  }
0x224: {  	v3 =	vor.u32 $0x3, v51;
	[tilespmem:s24+$0x0] =	vst v0  }
0x225: {  	v54 =	vmov v3;
	v3 =	vld.idx.msk [tilespmem:v1+s17+$0x0], $0xffff  }
0x226: {  	v1 =	vld [tilespmem:$0x1FE60];
	_ =	sdelay $0x4  }
0x227: {  	v19 =	vmov v1;
	v1 =	vld [tilespmem:$0x1FE70];
	_ =	sdelay $0x5  }
0x228: {  	v14 =	vor.u32 $0xA, v50  }
0x229: {  	v27 =	vmov v14;
	v14 =	vor.u32 $0xE, v48;
	[tilespmem:s18+$0x0] =	vst v7  }
0x22a: {  	v4 =	vld.idx.msk [tilespmem:v1+s17+$0x0], $0xffff  }
0x22b: {  	v1 =	vld [tilespmem:$0x1FE90]  }
0x22c: {  	s26 =	sor.u32 s12, s29  }
0x22d: {  	[tilespmem:s26+$0x0] =	vst v8  }
0x22e: {  	v8 =	vld.idx.msk [tilespmem:v14+s17+$0x0], $0xffff;
	_ =	sdelay $0x1  }
0x22f: {  	s28 =	sadd.s32 $0x9B00, s3  }
0x230: {  	s30 =	sor.u32 s8, s28  }
0x231: {  	s31 =	sor.u32 s12, s28;
	v0 =	vld [tilespmem:$0x1FE30];
	[tilespmem:s30+$0x0] =	vst v9  }
0x232: {  	[tilespmem:s31+$0x0] =	vst v8;
	v8 =	vld.idx.msk [tilespmem:v1+s17+$0x0], $0xffff  }
0x233: {  	v1 =	vld [tilespmem:$0x1FEA0];
	_ =	sdelay $0x5  }
0x234: {  	s21 =	sadd.s32 $0x230, s0;
	s1 =	sor.u32 s7, s28;
	[tilespmem:s13+$0x0] =	vst v12  }
0x235: {  	v7 =	vmov s21;
	v0 =	vld.idx.msk [tilespmem:v0+s17+$0x0], $0xffff;
	[tilespmem:s1+$0x0] =	vst v6  }
0x236: {  	v6 =	vshll.u32 v7, $0x4;
	v7 =	vld.idx.msk [tilespmem:v1+s17+$0x0], $0xffff  }
0x237: {  	v1 =	vld [tilespmem:$0x1FEB0];
	_ =	sdelay $0x1  }
0x238: {  	v26 =	vor.u32 $0x9, v50  }
0x239: {  	v30 =	vmov v26;
	v26 =	vld [tilespmem:$0x1FFF0];
	_ =	sdelay $0x2  }
0x23a: {  	s29 =	sor.u32 s16, s28  }
0x23b: {  	[tilespmem:s29+$0x0] =	vst v11  }
0x23c: {  	v23 =	vor.u32 v26, v6;
	v6 =	vld.idx.msk [tilespmem:v1+s17+$0x0], $0xffff  }
0x23d: {  	v1 =	vld [tilespmem:$0x1FED0];
	_ =	sdelay $0x6  }
0x23e: {  	[tilespmem:s25+$0x0] =	vst v3  }
0x23f: {  	v3 =	vld.idx.msk [tilespmem:v1+s17+$0x0], $0xffff  }
0x240: {  	v1 =	vld [tilespmem:$0x1FEE0];
	_ =	sdelay $0x4  }
0x241: {  	v12 =	vmov v1;
	v1 =	vld [tilespmem:$0x1FEF0];
	_ =	sdelay $0x6  }
0x242: {  	[tilespmem:s5+$0x0] =	vst v4  }
0x243: {  	v4 =	vld.idx.msk [tilespmem:v1+s17+$0x0], $0xffff  }
0x244: {  	v1 =	vld [tilespmem:$0x1FF00]  }
0x245: {  	v36 =	vor.u32 $0x7, v51  }
0x246: {  	v28 =	vor.u32 $0x9, v53;
	v10 =	vor.u32 $0xC, v51;
	v16 =	vor.u32 $0xB, v51  }
0x247: {  	v24 =	vmov v10;
	v10 =	vor.u32 $0xF, v48;
	_ =	sdelay $0x1  }
0x248: {  	v40 =	vmovc v36;
	v36 =	vmov v28;
	v28 =	vmov v16;
	v16 =	vmov v1;
	v1 =	vld [tilespmem:$0x1FF50];
	_ =	sdelay $0x1  }
0x249: {  	v5 =	vor.u32 $0x4, v53;
	[tilespmem:s4+$0x0] =	vst v0;
	v0 =	vld [tilespmem:$0x1FEC0]  }
0x24a: {  	v45 =	vmov v5;
	v5 =	vld.idx.msk [tilespmem:v10+s17+$0x0], $0xffff;
	_ =	sdelay $0x1  }
0x24b: {  	v31 =	vor.u32 $0x8, v50;
	v34 =	vor.u32 $0x7, v50;
	v20 =	vor.u32 $0xA, v51;
	v13 =	vmovc v1;
	v1 =	vld [tilespmem:$0x1FF60]  }
0x24c: {  	s22 =	sadd.s32 $0x9B80, s3  }
0x24d: {  	v56 =	vor.u32 $0xD, v51;
	v41 =	vld [tilespmem:$0x1FC20];
	s26 =	sor.u32 s12, s22  }
0x24e: {  	v37 =	vmovc v34;
	v34 =	vmov v31;
	v31 =	vmov v20;
	v20 =	vmov v56;
	v56 =	vld [tilespmem:$0x1FE80];
	[tilespmem:s26+$0x0] =	vst v5  }
0x24f: {  	s24 =	sor.u32 s16, s22;
	v5 =	vld.idx.msk [tilespmem:v23+s17+$0x0], $0xffff  }
0x250: {  	v0 =	vld.idx.msk [tilespmem:v0+s17+$0x0], $0xffff;
	s25 =	sor.u32 s8, s22;
	[tilespmem:s24+$0x0] =	vst v6  }
0x251: {  	v2 =	vld.idx.msk [tilespmem:v50+s17+$0x0], $0xffff;
	[tilespmem:s25+$0x0] =	vst v8  }
0x252: {  	[tilespmem:s19+$0x0] =	vst v3;
	v8 =	vld.idx.msk [tilespmem:v51+s17+$0x0], $0xffff  }
0x253: {  	s1 =	sor.u32 s7, s22;
	v3 =	vld.idx.msk [tilespmem:v1+s17+$0x0], $0xffff  }
0x254: {  	[tilespmem:s1+$0x0] =	vst v7;
	v1 =	vld [tilespmem:$0x1FF70]  }
0x255: {  	[tilespmem:s2+$0x0] =	vst v4;
	v4 =	vld [tilespmem:$0x1FF90]  }
0x256: {  	v6 =	vld.idx.msk [tilespmem:v53+s17+$0x0], $0xffff  }
0x257: {  	v55 =	vor.u32 $0xC, v53;
	v7 =	vor.u32 $0x1, v23;
	[tilespmem:s23+$0x0] =	vst v0;
	v0 =	vld [tilespmem:$0x1FF40]  }
0x258: {  	v22 =	vmov v55;
	v55 =	vld [tilespmem:$0x1FE40]  }
0x259: {  	s28 =	sadd.s32 $0xA800, s3;
	v11 =	vmov v1;
	v1 =	vld [tilespmem:$0x1FF80]  }
0x25a: {  	s30 =	sor.u32 s12, s28;
	v9 =	vmov v4;
	v4 =	vld [tilespmem:$0x1FFA0]  }
0x25b: {  	v48 =	vld [tilespmem:$0x1FE10];
	[tilespmem:s30+$0x0] =	vst v5  }
0x25c: {  	v5 =	vld.idx.msk [tilespmem:v7+s17+$0x0], $0xffff  }
0x25d: {  	v39 =	vor.u32 $0x6, v53;
	v46 =	vor.u32 $0xF, v53;
	v57 =	vor.u32 $0xD, v53;
	v53 =	vld [tilespmem:$0x1FF20]  }
.Ltmp2:
0x25e: {  	v49 =	vor.u32 $0xF, v50;
	v50 =	vld [tilespmem:$0x1FF30];
	(pc) =	sbr.rel @p1 .LBB2_3-.Ltmp2, $4  }
0x25f: {  	v0 =	vld.idx.msk [tilespmem:v0+s17+$0x0], $0xffff  }
0x260: {  	v62 =	vor.u32 $0x8, v51;
	s29 =	sor.u32 s8, s28;
	v51 =	vld [tilespmem:$0x1FF10]  }
0x261: {  	s18 =	rddreg [dreg:$0x5];
	s31 =	sor.u32 s7, s28;
	v1 =	vld.idx.msk [tilespmem:v1+s17+$0x0], $0xffff;
	[tilespmem:s29+$0x0] =	vst v8  }
0x262: {  	v52 =	vmov v39;
	v35 =	vmov v62;
	s0 =	sadd.s32 $0x40, s0;
	v17 =	vmov v57;
	s1 =	sor.u32 s16, s28;
	s19 =	rddreg [dreg:$0x3];
	[tilespmem:s31+$0x0] =	vst v6;
	v4 =	vld.idx.msk [tilespmem:v4+s17+$0x0], $0xffff  }
0x263: {  	v6 =	vor.u32 $0x2, v23;
	_ =	sdelay $0x1  }
0x264: {  	s0 =	sadd.s32 $0xA880, s3  }
0x265: {  	[tilespmem:s1+$0x0] =	vst v2;
	s28 =	sor.u32 s12, s0  }
0x266: {  	v2 =	vld.idx.msk [tilespmem:v56+s17+$0x0], $0xffff;
	[tilespmem:s28+$0x0] =	vst v5  }
0x267: {  	[tilespmem:s14+$0x0] =	vst v0;
	v0 =	vld.idx.msk [tilespmem:v6+s17+$0x0], $0xffff  }
0x268: {  	[tilespmem:s11+$0x0] =	vst v3;
	v3 =	vor.u32 $0x3, v23;
	v5 =	vld.idx.msk [tilespmem:v48+s17+$0x0], $0xffff  }
0x269: {  	s29 =	sor.u32 s8, s0;
	[tilespmem:s15+$0x0] =	vst v1  }
0x26a: {  	s2 =	sadd.s32 $0xA900, s3;
	s31 =	sor.u32 s7, s0;
	v1 =	vld.idx.msk [tilespmem:v42+s17+$0x0], $0xffff;
	[tilespmem:s29+$0x0] =	vst v4  }
0x26b: {  	s4 =	sor.u32 s12, s2;
	v4 =	vld.idx.msk [tilespmem:v55+s17+$0x0], $0xffff;
	[tilespmem:s31+$0x0] =	vst v2  }
0x26c: {  	s0 =	sor.u32 s16, s0;
	v2 =	vld.idx.msk [tilespmem:v43+s17+$0x0], $0xffff;
	[tilespmem:s4+$0x0] =	vst v0  }
0x26d: {  	[tilespmem:s0+$0x0] =	vst v5;
	v0 =	vld.idx.msk [tilespmem:v3+s17+$0x0], $0xffff  }
0x26e: {  	v3 =	vld.idx.msk [tilespmem:v53+s17+$0x0], $0xffff;
	_ =	sdelay $0x1  }
0x26f: {  	s5 =	sor.u32 s8, s2;
	v6 =	vld.idx.msk [tilespmem:v41+s17+$0x0], $0xffff;
	[tilespmem:s9+$0x0] =	vst v1  }
0x270: {  	s6 =	sor.u32 s7, s2;
	[tilespmem:s5+$0x0] =	vst v4  }
0x271: {  	s2 =	sor.u32 s16, s2;
	[tilespmem:s6+$0x0] =	vst v2;
	v1 =	vld.idx.msk [tilespmem:v54+s17+$0x0], $0xffff  }
0x272: {  	v2 =	vld.idx.msk [tilespmem:v51+s17+$0x0], $0xffff;
	[tilespmem:s2+$0x0] =	vst v3  }
0x273: {  	s9 =	sadd.s32 $0xA980, s3;
	v3 =	vld.idx.msk [tilespmem:v50+s17+$0x0], $0xffff  }
0x274: {  	[tilespmem:s10+$0x0] =	vst v6;
	s10 =	sor.u32 s12, s9  }
0x275: {  	s11 =	sor.u32 s8, s9;
	[tilespmem:s10+$0x0] =	vst v0  }
0x276: {  	s13 =	sor.u32 s7, s9;
	[tilespmem:s11+$0x0] =	vst v1  }
0x277: {  	s0 =	sor.u32 s16, s9;
	[tilespmem:s13+$0x0] =	vst v2  }
0x278: {  	[tilespmem:s0+$0x0] =	vst v3  }
0x279: {  	v4 =	vld [tilespmem:$0x1FFB0]  }
0x27a: {  	v0 =	vor.u32 $0x4, v23;
	_ =	sdelay $0x3  }
0x27b: {  	v2 =	vld.idx.msk [tilespmem:v47+s17+$0x0], $0xffff  }
0x27c: {  	v0 =	vld.idx.msk [tilespmem:v0+s17+$0x0], $0xffff  }
0x27d: {  	v1 =	vor.u32 $0x5, v23;
	v3 =	vld.idx.msk [tilespmem:v45+s17+$0x0], $0xffff  }
0x27e: {  	s14 =	sadd.s32 $0xAA00, s3;
	v4 =	vld.idx.msk [tilespmem:v4+s17+$0x0], $0xffff  }
0x27f: {  	s18 =	sor.u32 s8, s14  }
0x280: {  	s15 =	sor.u32 s12, s14;
	[tilespmem:s18+$0x0] =	vst v2  }
0x281: {  	s19 =	sor.u32 s7, s14;
	[tilespmem:s15+$0x0] =	vst v0  }
0x282: {  	s0 =	sor.u32 s16, s14;
	v0 =	vld.idx.msk [tilespmem:v1+s17+$0x0], $0xffff;
	[tilespmem:s19+$0x0] =	vst v3  }
0x283: {  	v2 =	vld [tilespmem:$0x1FFC0];
	[tilespmem:s0+$0x0] =	vst v4  }
0x284: {  	v3 =	vld [tilespmem:$0x1FFD0];
	_ =	sdelay $0x5  }
0x285: {  	v1 =	vor.u32 $0x6, v23;
	v4 =	vld.idx.msk [tilespmem:v58+s17+$0x0], $0xffff  }
0x286: {  	v2 =	vld.idx.msk [tilespmem:v2+s17+$0x0], $0xffff  }
0x287: {  	s21 =	sadd.s32 $0xAA80, s3;
	v3 =	vld.idx.msk [tilespmem:v3+s17+$0x0], $0xffff  }
0x288: {  	s22 =	sor.u32 s12, s21  }
0x289: {  	s0 =	sor.u32 s16, s21;
	[tilespmem:s22+$0x0] =	vst v0  }
0x28a: {  	s23 =	sor.u32 s8, s21;
	v0 =	vld.idx.msk [tilespmem:v1+s17+$0x0], $0xffff;
	[tilespmem:s0+$0x0] =	vst v4  }
0x28b: {  	s24 =	sor.u32 s7, s21;
	v4 =	vld.idx.msk [tilespmem:v60+s17+$0x0], $0xffff;
	[tilespmem:s23+$0x0] =	vst v2  }
0x28c: {  	v2 =	vld.idx.msk [tilespmem:v44+s17+$0x0], $0xffff;
	[tilespmem:s24+$0x0] =	vst v3  }
0x28d: {  	s25 =	sadd.s32 $0xAB00, s3;
	v3 =	vld.idx.msk [tilespmem:v52+s17+$0x0], $0xffff  }
0x28e: {  	s26 =	sor.u32 s12, s25  }
0x28f: {  	s0 =	sor.u32 s16, s25;
	[tilespmem:s26+$0x0] =	vst v0  }
0x290: {  	s28 =	sor.u32 s8, s25;
	[tilespmem:s0+$0x0] =	vst v4  }
0x291: {  	s29 =	sor.u32 s7, s25;
	[tilespmem:s28+$0x0] =	vst v2  }
0x292: {  	[tilespmem:s29+$0x0] =	vst v3  }
0x293: {  	v3 =	vld [tilespmem:$0x1FFE0]  }
0x294: {  	v1 =	vor.u32 $0x7, v23;
	_ =	sdelay $0x4  }
0x295: {  	v0 =	vld.idx.msk [tilespmem:v1+s17+$0x0], $0xffff  }
0x296: {  	v1 =	vor.u32 $0x8, v23;
	v2 =	vld.idx.msk [tilespmem:v40+s17+$0x0], $0xffff  }
0x297: {  	v3 =	vld.idx.msk [tilespmem:v3+s17+$0x0], $0xffff  }
0x298: {  	s31 =	sadd.s32 $0xAB80, s3  }
0x299: {  	s4 =	sor.u32 s12, s31;
	v4 =	vld.idx.msk [tilespmem:v37+s17+$0x0], $0xffff  }
0x29a: {  	s5 =	sor.u32 s8, s31;
	[tilespmem:s4+$0x0] =	vst v0  }
0x29b: {  	s6 =	sor.u32 s7, s31;
	[tilespmem:s5+$0x0] =	vst v2;
	v0 =	vld.idx.msk [tilespmem:v1+s17+$0x0], $0xffff  }
0x29c: {  	v1 =	vor.u32 $0x9, v23;
	v2 =	vld.idx.msk [tilespmem:v35+s17+$0x0], $0xffff;
	[tilespmem:s6+$0x0] =	vst v3  }
0x29d: {  	s0 =	sor.u32 s16, s31;
	v3 =	vld.idx.msk [tilespmem:v38+s17+$0x0], $0xffff  }
0x29e: {  	s9 =	sadd.s32 $0xB800, s3;
	[tilespmem:s0+$0x0] =	vst v4  }
0x29f: {  	s10 =	sor.u32 s12, s9;
	v4 =	vld.idx.msk [tilespmem:v34+s17+$0x0], $0xffff  }
0x2a0: {  	s11 =	sor.u32 s8, s9;
	[tilespmem:s10+$0x0] =	vst v0  }
0x2a1: {  	s13 =	sor.u32 s7, s9;
	[tilespmem:s11+$0x0] =	vst v2;
	v0 =	vld.idx.msk [tilespmem:v1+s17+$0x0], $0xffff  }
0x2a2: {  	v1 =	vor.u32 $0xA, v23;
	v2 =	vld.idx.msk [tilespmem:v33+s17+$0x0], $0xffff;
	[tilespmem:s13+$0x0] =	vst v3  }
0x2a3: {  	s0 =	sor.u32 s16, s9;
	v3 =	vld.idx.msk [tilespmem:v36+s17+$0x0], $0xffff  }
0x2a4: {  	s14 =	sadd.s32 $0xB880, s3;
	[tilespmem:s0+$0x0] =	vst v4  }
0x2a5: {  	s15 =	sor.u32 s12, s14;
	v4 =	vld.idx.msk [tilespmem:v30+s17+$0x0], $0xffff  }
0x2a6: {  	s18 =	sor.u32 s8, s14;
	[tilespmem:s15+$0x0] =	vst v0  }
0x2a7: {  	s19 =	sor.u32 s7, s14;
	[tilespmem:s18+$0x0] =	vst v2;
	v0 =	vld.idx.msk [tilespmem:v1+s17+$0x0], $0xffff  }
0x2a8: {  	v1 =	vor.u32 $0xB, v23;
	v2 =	vld.idx.msk [tilespmem:v31+s17+$0x0], $0xffff;
	[tilespmem:s19+$0x0] =	vst v3  }
0x2a9: {  	s0 =	sor.u32 s16, s14;
	v3 =	vld.idx.msk [tilespmem:v32+s17+$0x0], $0xffff  }
0x2aa: {  	s21 =	sadd.s32 $0xB900, s3;
	[tilespmem:s0+$0x0] =	vst v4  }
0x2ab: {  	s22 =	sor.u32 s12, s21;
	v4 =	vld.idx.msk [tilespmem:v27+s17+$0x0], $0xffff  }
0x2ac: {  	s23 =	sor.u32 s8, s21;
	[tilespmem:s22+$0x0] =	vst v0  }
0x2ad: {  	s24 =	sor.u32 s7, s21;
	[tilespmem:s23+$0x0] =	vst v2;
	v0 =	vld.idx.msk [tilespmem:v1+s17+$0x0], $0xffff  }
0x2ae: {  	v1 =	vor.u32 $0xC, v23;
	v2 =	vld.idx.msk [tilespmem:v28+s17+$0x0], $0xffff;
	[tilespmem:s24+$0x0] =	vst v3  }
0x2af: {  	s0 =	sor.u32 s16, s21;
	v3 =	vld.idx.msk [tilespmem:v29+s17+$0x0], $0xffff  }
0x2b0: {  	s25 =	sadd.s32 $0xB980, s3;
	[tilespmem:s0+$0x0] =	vst v4  }
0x2b1: {  	s26 =	sor.u32 s12, s25;
	v4 =	vld.idx.msk [tilespmem:v21+s17+$0x0], $0xffff  }
0x2b2: {  	s28 =	sor.u32 s8, s25;
	[tilespmem:s26+$0x0] =	vst v0  }
0x2b3: {  	s29 =	sor.u32 s7, s25;
	[tilespmem:s28+$0x0] =	vst v2;
	v0 =	vld.idx.msk [tilespmem:v1+s17+$0x0], $0xffff  }
0x2b4: {  	v1 =	vor.u32 $0xD, v23;
	v2 =	vld.idx.msk [tilespmem:v24+s17+$0x0], $0xffff;
	[tilespmem:s29+$0x0] =	vst v3  }
0x2b5: {  	s0 =	sor.u32 s16, s25;
	v3 =	vld.idx.msk [tilespmem:v22+s17+$0x0], $0xffff  }
0x2b6: {  	s31 =	sadd.s32 $0xBA00, s3;
	[tilespmem:s0+$0x0] =	vst v4  }
0x2b7: {  	s4 =	sor.u32 s12, s31;
	v4 =	vld.idx.msk [tilespmem:v19+s17+$0x0], $0xffff  }
0x2b8: {  	s5 =	sor.u32 s8, s31;
	[tilespmem:s4+$0x0] =	vst v0  }
0x2b9: {  	s6 =	sor.u32 s7, s31;
	[tilespmem:s5+$0x0] =	vst v2;
	v0 =	vld.idx.msk [tilespmem:v1+s17+$0x0], $0xffff  }
0x2ba: {  	v1 =	vor.u32 $0xE, v23;
	v2 =	vld.idx.msk [tilespmem:v20+s17+$0x0], $0xffff;
	[tilespmem:s6+$0x0] =	vst v3  }
0x2bb: {  	s0 =	sor.u32 s16, s31;
	v3 =	vld.idx.msk [tilespmem:v17+s17+$0x0], $0xffff  }
0x2bc: {  	s9 =	sadd.s32 $0xBA80, s3;
	[tilespmem:s0+$0x0] =	vst v4  }
0x2bd: {  	s10 =	sor.u32 s12, s9;
	v4 =	vld.idx.msk [tilespmem:v12+s17+$0x0], $0xffff  }
0x2be: {  	s11 =	sor.u32 s8, s9;
	[tilespmem:s10+$0x0] =	vst v0  }
0x2bf: {  	s13 =	sor.u32 s7, s9;
	[tilespmem:s11+$0x0] =	vst v2;
	v0 =	vld.idx.msk [tilespmem:v1+s17+$0x0], $0xffff  }
0x2c0: {  	v1 =	vor.u32 $0xF, v23;
	v2 =	vld.idx.msk [tilespmem:v16+s17+$0x0], $0xffff;
	[tilespmem:s13+$0x0] =	vst v3  }
0x2c1: {  	s0 =	sor.u32 s16, s9;
	v3 =	vld.idx.msk [tilespmem:v13+s17+$0x0], $0xffff  }
0x2c2: {  	s14 =	sadd.s32 $0xBB00, s3;
	[tilespmem:s0+$0x0] =	vst v4  }
0x2c3: {  	s15 =	sor.u32 s12, s14;
	v4 =	vld.idx.msk [tilespmem:v11+s17+$0x0], $0xffff  }
0x2c4: {  	s18 =	sor.u32 s8, s14;
	[tilespmem:s15+$0x0] =	vst v0  }
0x2c5: {  	s19 =	sor.u32 s7, s14;
	[tilespmem:s18+$0x0] =	vst v2;
	v0 =	vld.idx.msk [tilespmem:v1+s17+$0x0], $0xffff  }
0x2c6: {  	v1 =	vld.idx.msk [tilespmem:v9+s17+$0x0], $0xffff;
	[tilespmem:s19+$0x0] =	vst v3  }
0x2c7: {  	s0 =	sor.u32 s16, s14;
	v2 =	vld.idx.msk [tilespmem:v46+s17+$0x0], $0xffff  }
0x2c8: {  	s21 =	sadd.s32 $0xBB80, s3;
	[tilespmem:s0+$0x0] =	vst v4  }
0x2c9: {  	s22 =	sor.u32 s12, s21;
	v3 =	vld.idx.msk [tilespmem:v49+s17+$0x0], $0xffff  }
0x2ca: {  	s23 =	sor.u32 s8, s21;
	[tilespmem:s22+$0x0] =	vst v0  }
0x2cb: {  	s24 =	sor.u32 s7, s21;
	[tilespmem:s23+$0x0] =	vst v1  }
0x2cc: {  	s4 =	rddreg [dreg:$0x11];
	[tilespmem:s24+$0x0] =	vst v2  }
0x2cd: {  	s0 =	sor.u32 s16, s21;
	s25 =	sshll.u32 s4, $0x11;
	s1 =	rddreg [dreg:$0x9]  }
0x2ce: {  	s26 =	rddreg [dreg:$0x1];
	[tilespmem:s0+$0x0] =	vst v3;
	s1 =	sor.u32 s1, s25  }
0x2cf: {  	s28 =	simm.s32 $0x1000;
	s31 =	simm.s32 $0x8800;
	[dreg:$0x13] =	wrdreg s1  }
0x2d0: {  	s29 =	simm.s32 $0x20000;
	s0 =	sadd.s32 s26, s1;
	s1 =	rddreg [dreg:$0x12]  }
0x2d1: {  	[hbm4b:s0+s28] =	stream.strided.scatter [tilespmem:s31], [sflag:$0x5], $0x4000, s29, s28, $0x38;
	[tilespmem:$0x10800] =	vst v63  }
0x2d2: {  	p1 =	seq.s32 s4, $0x31;
	s0 =	rddreg [dreg:$0xc]  }
0x2d3: {  	s0 =	sadd.s32 @!p1 s0, s1  }
0x2d4: {  	s2 =	simm.s32 @!p1 $0x4000;
	s1 =	rddreg [dreg:$0x7];
	s0 =	sshrl.u32 @!p1 s0, $0x3  }
0x2d5: {  	s3 =	simm.s32 @!p1 $0x0;
	s0 =	sadd.s32 @!p1 s1, s0;
	s1 =	simm.s32 @!p1 $0x200  }
0x2d6: {  	[tilespmem:s3], [sflag:$0x1] =	stream.strided.gather @!p1 [hbm4b:s0+s1], $0x400, s2, s1, $0x38;
	[tilespmem:$0x10800] =	vst v63  }
0x2d7: {  	s0 =	simm.s32 @!p1 $0x1  }
0x2d8: {  	_ =	swait.ge @!p1 [sflag:s0], $0x400  }
0x2d9: {  	[sflag:s0] =	ssyncset.done @!p1 $0x0  }
0x2da: {  	s2 =	rddreg [dreg:$0x8];
	[sflag:s0] =	ssyncadd.s32 @!p1 $0xFFFFFC00;
	s0 =	simm.s32 @!p1 $0x800  }
0x2db: {  	[tilespmem:s0], [sflag:$0x3] =	stream.indirect.gather @!p1 [hbm4b:s2+s1], $0x10, s3, s1, $0xb8;
	[tilespmem:$0x10800] =	vst v63  }
0x2dc: {  	s0 =	simm.s32 @!p1 $0x2800;
	s3 =	simm.s32 $0x4  }
0x2dd: {  	[tilespmem:s0], [sflag:$0x3] =	stream.indirect.gather @!p1 [hbm4b:s2+s1], $0x10, s1, s1, $0xb8;
	[tilespmem:$0x10800] =	vst v63  }
0x2de: {  	_ =	swait.ge [sflag:s3], $0x2000  }
0x2df: {  	s4 =	simm.s32 $0x30;
	[sflag:s3] =	ssyncset.done $0x0  }
0x2e0: {  	s7 =	simm.s32 $0x10;
	v0 =	vmov s4;
	[sflag:s3] =	ssyncadd.s32 $0xFFFFE000  }
0x2e1: {  	s8 =	simm.s32 $0x20;
	v1 =	vmov s7;
	v0 =	vshll.u32 v0, $0x4;
	_ =	swait.ge [sflag:s3], $0x2000  }
0x2e2: {  	v2 =	vshll.u32 v1, $0x4;
	v1 =	vor.u32 v26, v0;
	v3 =	vmov s8;
	[sflag:s3] =	ssyncset.done $0x0  }
0x2e3: {  	v2 =	vor.u32 v26, v2;
	v0 =	vshll.u32 v3, $0x4;
	s2 =	simm.s32 @!p0 $0x6;
	[sflag:s3] =	ssyncadd.s32 $0xFFFFE000  }
0x2e4: {  	s5 =	simm.s32 $0x0;
	v3 =	vor.u32 v26, v0;
	_ =	swait.ge @!p0 [sflag:s2], $0x4000  }
0x2e5: {  	v0 =	vmov s5;
	[sflag:s2] =	ssyncset.done @!p0 $0x0  }
0x2e6: {  	v0 =	vshll.u32 v0, $0x4;
	[sflag:s2] =	ssyncadd.s32 @!p0 $0xFFFFC000  }
0x2e7: {  	v0 =	vor.u32 v26, v0;
	v4 =	vld.idx.msk [tilespmem:v1+s20+$0x0], $0xffff  }
0x2e8: {  	v6 =	vor.u32 $0x1, v1;
	v5 =	vld.idx.msk [tilespmem:v2+s20+$0x0], $0xffff  }
0x2e9: {  	v7 =	vor.u32 $0x1, v2;
	s26 =	sand.u32 $0xC00, s5;
	v8 =	vld.idx.msk [tilespmem:v3+s20+$0x0], $0xffff  }
0x2ea: {  	s22 =	sand.u32 $0x70, s4;
	v9 =	vor.u32 $0x1, v3;
	s6 =	sadd.s32 $0xC800, s26  }
0x2eb: {  	s9 =	sor.u32 s22, s6;
	s1 =	sand.u32 $0x50, s7  }
0x2ec: {  	s0 =	sand.u32 $0x60, s8;
	s10 =	sor.u32 s1, s6;
	v10 =	vld.idx.msk [tilespmem:v0+s20+$0x0], $0xffff;
	[tilespmem:s9+$0x0] =	vst v4  }
0x2ed: {  	s11 =	sor.u32 s0, s6;
	v4 =	vor.u32 $0x1, v0;
	[tilespmem:s10+$0x0] =	vst v5;
	v5 =	vld.idx.msk [tilespmem:v6+s20+$0x0], $0xffff  }
0x2ee: {  	[tilespmem:s11+$0x0] =	vst v8;
	v6 =	vld.idx.msk [tilespmem:v7+s20+$0x0], $0xffff;
	v7 =	vor.u32 $0x2, v1  }
0x2ef: {  	s21 =	sand.u32 $0x40, s5;
	v8 =	vor.u32 $0x2, v2;
	v9 =	vld.idx.msk [tilespmem:v9+s20+$0x0], $0xffff  }
0x2f0: {  	v11 =	vor.u32 $0x2, v3;
	s5 =	sor.u32 s21, s6  }
0x2f1: {  	[tilespmem:s5+$0x0] =	vst v10  }
0x2f2: {  	v4 =	vld.idx.msk [tilespmem:v4+s20+$0x0], $0xffff;
	[tilespmem:s9+$0x80] =	vst v5  }
0x2f3: {  	v5 =	vor.u32 $0x2, v0;
	[tilespmem:s10+$0x80] =	vst v6;
	v6 =	vld.idx.msk [tilespmem:v7+s20+$0x0], $0xffff  }
0x2f4: {  	[tilespmem:s11+$0x80] =	vst v9;
	v7 =	vld.idx.msk [tilespmem:v8+s20+$0x0], $0xffff;
	v8 =	vor.u32 $0x3, v1  }
0x2f5: {  	v9 =	vor.u32 $0x3, v2;
	v10 =	vld.idx.msk [tilespmem:v11+s20+$0x0], $0xffff  }
0x2f6: {  	v11 =	vor.u32 $0x3, v3  }
0x2f7: {  	[tilespmem:s5+$0x80] =	vst v4  }
0x2f8: {  	v4 =	vld.idx.msk [tilespmem:v5+s20+$0x0], $0xffff;
	[tilespmem:s9+$0x100] =	vst v6  }
0x2f9: {  	v5 =	vor.u32 $0x3, v0;
	[tilespmem:s10+$0x100] =	vst v7;
	v6 =	vld.idx.msk [tilespmem:v8+s20+$0x0], $0xffff  }
0x2fa: {  	[tilespmem:s11+$0x100] =	vst v10;
	v7 =	vld.idx.msk [tilespmem:v9+s20+$0x0], $0xffff;
	v8 =	vor.u32 $0x4, v1  }
0x2fb: {  	v9 =	vor.u32 $0x4, v2;
	v10 =	vld.idx.msk [tilespmem:v11+s20+$0x0], $0xffff  }
0x2fc: {  	v11 =	vor.u32 $0x4, v3  }
0x2fd: {  	[tilespmem:s5+$0x100] =	vst v4  }
0x2fe: {  	v4 =	vld.idx.msk [tilespmem:v5+s20+$0x0], $0xffff;
	[tilespmem:s9+$0x180] =	vst v6  }
0x2ff: {  	v5 =	vor.u32 $0x4, v0;
	[tilespmem:s10+$0x180] =	vst v7;
	v6 =	vld.idx.msk [tilespmem:v8+s20+$0x0], $0xffff  }
0x300: {  	[tilespmem:s11+$0x180] =	vst v10;
	v7 =	vld.idx.msk [tilespmem:v9+s20+$0x0], $0xffff;
	v8 =	vor.u32 $0x5, v1  }
0x301: {  	v9 =	vor.u32 $0x5, v2;
	v10 =	vld.idx.msk [tilespmem:v11+s20+$0x0], $0xffff  }
0x302: {  	v11 =	vor.u32 $0x5, v3  }
0x303: {  	[tilespmem:s5+$0x180] =	vst v4  }
0x304: {  	v4 =	vld.idx.msk [tilespmem:v5+s20+$0x0], $0xffff;
	[tilespmem:s9+$0x200] =	vst v6  }
0x305: {  	v5 =	vor.u32 $0x5, v0;
	[tilespmem:s10+$0x200] =	vst v7;
	v6 =	vld.idx.msk [tilespmem:v8+s20+$0x0], $0xffff  }
0x306: {  	[tilespmem:s11+$0x200] =	vst v10;
	v7 =	vld.idx.msk [tilespmem:v9+s20+$0x0], $0xffff;
	v8 =	vor.u32 $0x6, v1  }
0x307: {  	v9 =	vor.u32 $0x6, v2;
	v10 =	vld.idx.msk [tilespmem:v11+s20+$0x0], $0xffff  }
0x308: {  	v11 =	vor.u32 $0x6, v3  }
0x309: {  	[tilespmem:s5+$0x200] =	vst v4  }
0x30a: {  	v4 =	vld.idx.msk [tilespmem:v5+s20+$0x0], $0xffff;
	[tilespmem:s9+$0x280] =	vst v6  }
0x30b: {  	v5 =	vor.u32 $0x6, v0;
	[tilespmem:s10+$0x280] =	vst v7;
	v6 =	vld.idx.msk [tilespmem:v8+s20+$0x0], $0xffff  }
0x30c: {  	[tilespmem:s11+$0x280] =	vst v10;
	v7 =	vld.idx.msk [tilespmem:v9+s20+$0x0], $0xffff;
	v8 =	vor.u32 $0x7, v1  }
0x30d: {  	v9 =	vor.u32 $0x7, v2;
	v10 =	vld.idx.msk [tilespmem:v11+s20+$0x0], $0xffff  }
0x30e: {  	v11 =	vor.u32 $0x7, v3  }
0x30f: {  	[tilespmem:s5+$0x280] =	vst v4  }
0x310: {  	v4 =	vld.idx.msk [tilespmem:v5+s20+$0x0], $0xffff;
	[tilespmem:s9+$0x300] =	vst v6  }
0x311: {  	v5 =	vor.u32 $0x7, v0;
	[tilespmem:s10+$0x300] =	vst v7;
	v6 =	vld.idx.msk [tilespmem:v8+s20+$0x0], $0xffff  }
0x312: {  	[tilespmem:s11+$0x300] =	vst v10;
	v7 =	vld.idx.msk [tilespmem:v9+s20+$0x0], $0xffff;
	v8 =	vor.u32 $0x8, v1  }
0x313: {  	v9 =	vor.u32 $0x8, v2;
	v10 =	vld.idx.msk [tilespmem:v11+s20+$0x0], $0xffff  }
0x314: {  	v11 =	vor.u32 $0x8, v3  }
0x315: {  	[tilespmem:s5+$0x300] =	vst v4  }
0x316: {  	v4 =	vld.idx.msk [tilespmem:v5+s20+$0x0], $0xffff;
	[tilespmem:s9+$0x380] =	vst v6  }
0x317: {  	v5 =	vor.u32 $0x8, v0;
	[tilespmem:s10+$0x380] =	vst v7;
	v6 =	vld.idx.msk [tilespmem:v8+s20+$0x0], $0xffff  }
0x318: {  	[tilespmem:s11+$0x380] =	vst v10;
	v7 =	vld.idx.msk [tilespmem:v9+s20+$0x0], $0xffff;
	v8 =	vor.u32 $0x9, v1  }
0x319: {  	v9 =	vor.u32 $0x9, v2;
	v10 =	vld.idx.msk [tilespmem:v11+s20+$0x0], $0xffff  }
0x31a: {  	s12 =	sadd.s32 $0xD800, s26;
	v11 =	vor.u32 $0x9, v3  }
0x31b: {  	s13 =	sor.u32 s22, s12;
	[tilespmem:s5+$0x380] =	vst v4  }
0x31c: {  	s14 =	sor.u32 s1, s12;
	v4 =	vld.idx.msk [tilespmem:v5+s20+$0x0], $0xffff;
	[tilespmem:s13+$0x0] =	vst v6  }
0x31d: {  	s15 =	sor.u32 s0, s12;
	v5 =	vor.u32 $0x9, v0;
	[tilespmem:s14+$0x0] =	vst v7;
	v6 =	vld.idx.msk [tilespmem:v8+s20+$0x0], $0xffff  }
0x31e: {  	[tilespmem:s15+$0x0] =	vst v10;
	v7 =	vld.idx.msk [tilespmem:v9+s20+$0x0], $0xffff;
	v8 =	vor.u32 $0xA, v1  }
0x31f: {  	v9 =	vor.u32 $0xA, v2;
	v10 =	vld.idx.msk [tilespmem:v11+s20+$0x0], $0xffff  }
0x320: {  	s16 =	sadd.s32 $0xD880, s26;
	s2 =	sor.u32 s21, s12;
	v11 =	vor.u32 $0xA, v3  }
0x321: {  	s18 =	sor.u32 s22, s16;
	[tilespmem:s2+$0x0] =	vst v4  }
0x322: {  	s19 =	sor.u32 s1, s16;
	v4 =	vld.idx.msk [tilespmem:v5+s20+$0x0], $0xffff;
	[tilespmem:s18+$0x0] =	vst v6  }
0x323: {  	s23 =	sor.u32 s0, s16;
	v5 =	vor.u32 $0xA, v0;
	[tilespmem:s19+$0x0] =	vst v7;
	v6 =	vld.idx.msk [tilespmem:v8+s20+$0x0], $0xffff  }
0x324: {  	[tilespmem:s23+$0x0] =	vst v10;
	v7 =	vld.idx.msk [tilespmem:v9+s20+$0x0], $0xffff;
	v8 =	vor.u32 $0xB, v1  }
0x325: {  	v9 =	vor.u32 $0xB, v2;
	v10 =	vld.idx.msk [tilespmem:v11+s20+$0x0], $0xffff  }
0x326: {  	s25 =	sadd.s32 $0xD900, s26;
	s24 =	sor.u32 s21, s16;
	v11 =	vor.u32 $0xB, v3  }
0x327: {  	s28 =	sor.u32 s22, s25;
	[tilespmem:s24+$0x0] =	vst v4  }
0x328: {  	s29 =	sor.u32 s1, s25;
	v4 =	vld.idx.msk [tilespmem:v5+s20+$0x0], $0xffff;
	[tilespmem:s28+$0x0] =	vst v6  }
0x329: {  	s31 =	sor.u32 s0, s25;
	v5 =	vor.u32 $0xB, v0;
	[tilespmem:s29+$0x0] =	vst v7;
	v6 =	vld.idx.msk [tilespmem:v8+s20+$0x0], $0xffff  }
0x32a: {  	[tilespmem:s31+$0x0] =	vst v10;
	v7 =	vld.idx.msk [tilespmem:v9+s20+$0x0], $0xffff;
	v8 =	vor.u32 $0xC, v1  }
0x32b: {  	v9 =	vor.u32 $0xC, v2;
	v10 =	vld.idx.msk [tilespmem:v11+s20+$0x0], $0xffff  }
0x32c: {  	s4 =	sor.u32 s21, s25;
	s5 =	sadd.s32 $0xD980, s26;
	v11 =	vor.u32 $0xC, v3  }
0x32d: {  	s6 =	sor.u32 s22, s5;
	[tilespmem:s4+$0x0] =	vst v4  }
0x32e: {  	s7 =	sor.u32 s1, s5;
	v4 =	vld.idx.msk [tilespmem:v5+s20+$0x0], $0xffff;
	[tilespmem:s6+$0x0] =	vst v6  }
0x32f: {  	s8 =	sor.u32 s0, s5;
	v5 =	vor.u32 $0xC, v0;
	[tilespmem:s7+$0x0] =	vst v7;
	v6 =	vld.idx.msk [tilespmem:v8+s20+$0x0], $0xffff  }
0x330: {  	[tilespmem:s8+$0x0] =	vst v10;
	v7 =	vld.idx.msk [tilespmem:v9+s20+$0x0], $0xffff;
	v8 =	vor.u32 $0xD, v1  }
0x331: {  	v9 =	vor.u32 $0xD, v2;
	v10 =	vld.idx.msk [tilespmem:v11+s20+$0x0], $0xffff  }
0x332: {  	s10 =	sadd.s32 $0xDA00, s26;
	s9 =	sor.u32 s21, s5;
	v11 =	vor.u32 $0xD, v3  }
0x333: {  	s11 =	sor.u32 s22, s10;
	[tilespmem:s9+$0x0] =	vst v4  }
0x334: {  	s12 =	sor.u32 s1, s10;
	v4 =	vld.idx.msk [tilespmem:v5+s20+$0x0], $0xffff;
	[tilespmem:s11+$0x0] =	vst v6  }
0x335: {  	s13 =	sor.u32 s0, s10;
	v5 =	vor.u32 $0xD, v0;
	[tilespmem:s12+$0x0] =	vst v7;
	v6 =	vld.idx.msk [tilespmem:v8+s20+$0x0], $0xffff  }
0x336: {  	[tilespmem:s13+$0x0] =	vst v10;
	v7 =	vld.idx.msk [tilespmem:v9+s20+$0x0], $0xffff;
	v8 =	vor.u32 $0xE, v1  }
0x337: {  	v9 =	vor.u32 $0xE, v2;
	v10 =	vld.idx.msk [tilespmem:v11+s20+$0x0], $0xffff  }
0x338: {  	s14 =	sor.u32 s21, s10;
	s15 =	sadd.s32 $0xDA80, s26;
	v11 =	vor.u32 $0xE, v3  }
0x339: {  	s16 =	sor.u32 s22, s15;
	[tilespmem:s14+$0x0] =	vst v4  }
0x33a: {  	s18 =	sor.u32 s1, s15;
	v4 =	vld.idx.msk [tilespmem:v5+s20+$0x0], $0xffff;
	[tilespmem:s16+$0x0] =	vst v6  }
0x33b: {  	s19 =	sor.u32 s0, s15;
	v5 =	vor.u32 $0xE, v0;
	[tilespmem:s18+$0x0] =	vst v7;
	v6 =	vld.idx.msk [tilespmem:v8+s20+$0x0], $0xffff  }
0x33c: {  	v1 =	vor.u32 $0xF, v1;
	[tilespmem:s19+$0x0] =	vst v10;
	v7 =	vld.idx.msk [tilespmem:v9+s20+$0x0], $0xffff  }
0x33d: {  	v2 =	vor.u32 $0xF, v2;
	v8 =	vld.idx.msk [tilespmem:v11+s20+$0x0], $0xffff  }
0x33e: {  	s23 =	sor.u32 s21, s15;
	s24 =	sadd.s32 $0xDB00, s26;
	v9 =	vor.u32 $0xF, v3  }
0x33f: {  	s25 =	sor.u32 s22, s24;
	s28 =	simm.s32 $0x230;
	[tilespmem:s23+$0x0] =	vst v4  }
0x340: {  	s29 =	simm.s32 $0x210;
	s31 =	sor.u32 s1, s24;
	v3 =	vmov s28;
	v4 =	vld.idx.msk [tilespmem:v5+s20+$0x0], $0xffff;
	[tilespmem:s25+$0x0] =	vst v6  }
0x341: {  	s5 =	sor.u32 s0, s24;
	s4 =	simm.s32 $0x220;
	v0 =	vor.u32 $0xF, v0;
	v5 =	vmov s29;
	[tilespmem:s31+$0x0] =	vst v7;
	v6 =	vld.idx.msk [tilespmem:v1+s20+$0x0], $0xffff;
	v1 =	vshll.u32 v3, $0x4  }
0x342: {  	[tilespmem:s5+$0x0] =	vst v8;
	v3 =	vshll.u32 v5, $0x4;
	v5 =	vmov s4;
	v7 =	vld.idx.msk [tilespmem:v2+s20+$0x0], $0xffff;
	v8 =	vor.u32 v26, v1  }
0x343: {  	v3 =	vor.u32 v26, v3;
	v1 =	vshll.u32 v5, $0x4;
	v5 =	vld.idx.msk [tilespmem:v9+s20+$0x0], $0xffff  }
0x344: {  	s6 =	sor.u32 s21, s24;
	s7 =	sadd.s32 $0xDB80, s26;
	s18 =	simm.s32 $0x200;
	v1 =	vor.u32 v26, v1  }
0x345: {  	s8 =	sor.u32 s22, s7;
	v2 =	vmov s18;
	[tilespmem:s6+$0x0] =	vst v4  }
0x346: {  	s9 =	sor.u32 s1, s7;
	v2 =	vshll.u32 v2, $0x4;
	v0 =	vld.idx.msk [tilespmem:v0+s20+$0x0], $0xffff;
	[tilespmem:s8+$0x0] =	vst v6  }
0x347: {  	s10 =	sor.u32 s0, s7;
	v2 =	vor.u32 v26, v2;
	[tilespmem:s9+$0x0] =	vst v7;
	v4 =	vld.idx.msk [tilespmem:v8+s20+$0x0], $0xffff  }
0x348: {  	v6 =	vld.idx.msk [tilespmem:v3+s20+$0x0], $0xffff;
	[tilespmem:s10+$0x0] =	vst v5;
	v5 =	vor.u32 $0x1, v8  }
0x349: {  	v7 =	vor.u32 $0x1, v3;
	v9 =	vld.idx.msk [tilespmem:v1+s20+$0x0], $0xffff  }
0x34a: {  	s11 =	sor.u32 s21, s7;
	s12 =	sadd.s32 $0xE800, s26;
	v10 =	vor.u32 $0x1, v1  }
0x34b: {  	s13 =	sor.u32 s22, s12;
	[tilespmem:s11+$0x0] =	vst v0  }
0x34c: {  	s14 =	sor.u32 s1, s12;
	v0 =	vld.idx.msk [tilespmem:v2+s20+$0x0], $0xffff;
	[tilespmem:s13+$0x0] =	vst v4  }
0x34d: {  	s15 =	sor.u32 s0, s12;
	v4 =	vor.u32 $0x1, v2;
	[tilespmem:s14+$0x0] =	vst v6;
	v6 =	vld.idx.msk [tilespmem:v5+s20+$0x0], $0xffff  }
0x34e: {  	s16 =	simm.s32 $0x70;
	v7 =	vld.idx.msk [tilespmem:v7+s20+$0x0], $0xffff;
	[tilespmem:s15+$0x0] =	vst v9;
	v9 =	vor.u32 $0x2, v8  }
0x34f: {  	s19 =	simm.s32 $0x50;
	v11 =	vor.u32 $0x2, v3;
	v5 =	vmov s16;
	v10 =	vld.idx.msk [tilespmem:v10+s20+$0x0], $0xffff  }
0x350: {  	s24 =	sadd.s32 $0xE880, s26;
	s3 =	sor.u32 s21, s12;
	v13 =	vmov s19;
	s23 =	simm.s32 $0x60;
	v12 =	vor.u32 $0x2, v1;
	v5 =	vshll.u32 v5, $0x4  }
0x351: {  	s28 =	sor.u32 s22, s24;
	s25 =	simm.s32 $0x40;
	v5 =	vor.u32 v26, v5;
	[tilespmem:s3+$0x0] =	vst v0;
	v0 =	vshll.u32 v13, $0x4;
	v13 =	vmov s23  }
0x352: {  	s29 =	sor.u32 s1, s24;
	v14 =	vmov s25;
	v15 =	vld.idx.msk [tilespmem:v4+s20+$0x0], $0xffff;
	v4 =	vor.u32 v26, v0;
	v0 =	vshll.u32 v13, $0x4;
	[tilespmem:s28+$0x0] =	vst v6  }
0x353: {  	s31 =	sor.u32 s0, s24;
	v13 =	vshll.u32 v14, $0x4;
	v6 =	vor.u32 v26, v0;
	[tilespmem:s29+$0x0] =	vst v7;
	v0 =	vld.idx.msk [tilespmem:v9+s20+$0x0], $0xffff  }
0x354: {  	v7 =	vor.u32 v26, v13;
	v9 =	vld.idx.msk [tilespmem:v11+s20+$0x0], $0xffff;
	[tilespmem:s31+$0x0] =	vst v10  }
0x355: {  	v11 =	vor.u32 $0x3, v8;
	v10 =	vld.idx.msk [tilespmem:v12+s20+$0x0], $0xffff  }
0x356: {  	s6 =	sor.u32 s21, s24;
	s13 =	sadd.s32 $0xE900, s26;
	v12 =	vor.u32 $0x2, v2;
	v13 =	vld.idx.msk [tilespmem:v5+s20+$0x0], $0xffff  }
0x357: {  	s7 =	sor.u32 s22, s13;
	v14 =	vor.u32 $0x3, v3;
	v16 =	vld.idx.msk [tilespmem:v4+s20+$0x0], $0xffff;
	[tilespmem:s6+$0x0] =	vst v15  }
0x358: {  	s8 =	sand.u32 $0xC00, s18;
	s9 =	sor.u32 s1, s13;
	v17 =	vor.u32 $0x1, v5;
	v15 =	vld.idx.msk [tilespmem:v6+s20+$0x0], $0xffff;
	[tilespmem:s7+$0x0] =	vst v0  }
0x359: {  	s14 =	sadd.s32 $0xC800, s8;
	s11 =	sor.u32 s0, s13;
	v18 =	vor.u32 $0x1, v4;
	v19 =	vld.idx.msk [tilespmem:v7+s20+$0x0], $0xffff;
	s7 =	sand.u32 $0x70, s16;
	[tilespmem:s9+$0x0] =	vst v9  }
0x35a: {  	s12 =	sand.u32 $0x50, s19;
	v0 =	vor.u32 $0x1, v6;
	v9 =	vld.idx.msk [tilespmem:v11+s20+$0x0], $0xffff;
	s9 =	sor.u32 s7, s14;
	[tilespmem:s11+$0x0] =	vst v10  }
0x35b: {  	s6 =	sor.u32 s12, s14;
	s16 =	sand.u32 $0x60, s23;
	v11 =	vor.u32 $0x1, v7;
	v12 =	vld.idx.msk [tilespmem:v12+s20+$0x0], $0xffff;
	[tilespmem:s9+$0x0] =	vst v13  }
0x35c: {  	s30 =	sand.u32 $0x40, s25;
	v10 =	vld.idx.msk [tilespmem:v14+s20+$0x0], $0xffff;
	v14 =	vor.u32 $0x3, v1;
	s10 =	sor.u32 s16, s14;
	[tilespmem:s6+$0x0] =	vst v16  }
0x35d: {  	s15 =	sadd.s32 $0xE980, s26;
	s11 =	sor.u32 s30, s14;
	v13 =	vor.u32 $0x4, v8;
	v16 =	vld.idx.msk [tilespmem:v17+s20+$0x0], $0xffff;
	[tilespmem:s10+$0x0] =	vst v15  }
0x35e: {  	s19 =	sor.u32 s22, s15;
	v17 =	vor.u32 $0x3, v2;
	v18 =	vld.idx.msk [tilespmem:v18+s20+$0x0], $0xffff;
	[tilespmem:s11+$0x0] =	vst v19  }
0x35f: {  	s23 =	sor.u32 s21, s13;
	v15 =	vor.u32 $0x2, v5;
	v0 =	vld.idx.msk [tilespmem:v0+s20+$0x0], $0xffff;
	[tilespmem:s19+$0x0] =	vst v9  }
0x360: {  	s24 =	sor.u32 s1, s15;
	v19 =	vor.u32 $0x2, v4;
	v11 =	vld.idx.msk [tilespmem:v11+s20+$0x0], $0xffff;
	[tilespmem:s23+$0x0] =	vst v12  }
0x361: {  	v9 =	vor.u32 $0x2, v6;
	[tilespmem:s24+$0x0] =	vst v10;
	v10 =	vld.idx.msk [tilespmem:v14+s20+$0x0], $0xffff  }
0x362: {  	v12 =	vld.idx.msk [tilespmem:v13+s20+$0x0], $0xffff;
	v13 =	vor.u32 $0x2, v7;
	[tilespmem:s9+$0x80] =	vst v16  }
0x363: {  	v14 =	vld.idx.msk [tilespmem:v17+s20+$0x0], $0xffff;
	v16 =	vor.u32 $0x5, v8;
	[tilespmem:s6+$0x80] =	vst v18  }
0x364: {  	v17 =	vor.u32 $0x4, v3;
	v15 =	vld.idx.msk [tilespmem:v15+s20+$0x0], $0xffff;
	[tilespmem:s10+$0x80] =	vst v0  }
0x365: {  	s25 =	sadd.s32 $0xEA00, s26;
	s29 =	sor.u32 s0, s15;
	v18 =	vor.u32 $0x4, v1;
	v19 =	vld.idx.msk [tilespmem:v19+s20+$0x0], $0xffff;
	[tilespmem:s11+$0x80] =	vst v11  }
0x366: {  	s28 =	sor.u32 s22, s25;
	v0 =	vld.idx.msk [tilespmem:v9+s20+$0x0], $0xffff;
	v9 =	vor.u32 $0x3, v5;
	[tilespmem:s29+$0x0] =	vst v10  }
0x367: {  	s2 =	sor.u32 s21, s15;
	v11 =	vor.u32 $0x3, v4;
	v13 =	vld.idx.msk [tilespmem:v13+s20+$0x0], $0xffff;
	[tilespmem:s28+$0x0] =	vst v12  }
0x368: {  	v12 =	vor.u32 $0x3, v6;
	v10 =	vld.idx.msk [tilespmem:v16+s20+$0x0], $0xffff;
	[tilespmem:s2+$0x0] =	vst v14  }
0x369: {  	v16 =	vor.u32 $0x3, v7;
	v14 =	vld.idx.msk [tilespmem:v17+s20+$0x0], $0xffff;
	[tilespmem:s9+$0x100] =	vst v15  }
0x36a: {  	v17 =	vor.u32 $0x6, v8;
	v15 =	vld.idx.msk [tilespmem:v18+s20+$0x0], $0xffff;
	[tilespmem:s6+$0x100] =	vst v19  }
0x36b: {  	s31 =	sadd.s32 $0xEA80, s26;
	v18 =	vor.u32 $0x4, v2;
	v9 =	vld.idx.msk [tilespmem:v9+s20+$0x0], $0xffff;
	[tilespmem:s10+$0x100] =	vst v0  }
0x36c: {  	s13 =	sor.u32 s22, s31;
	v19 =	vor.u32 $0x5, v3;
	v11 =	vld.idx.msk [tilespmem:v11+s20+$0x0], $0xffff;
	[tilespmem:s11+$0x100] =	vst v13  }
0x36d: {  	s14 =	sor.u32 s1, s25;
	v0 =	vld.idx.msk [tilespmem:v12+s20+$0x0], $0xffff;
	v12 =	vor.u32 $0x4, v5;
	[tilespmem:s13+$0x0] =	vst v10  }
0x36e: {  	s15 =	sor.u32 s0, s25;
	v13 =	vor.u32 $0x4, v4;
	v16 =	vld.idx.msk [tilespmem:v16+s20+$0x0], $0xffff;
	[tilespmem:s14+$0x0] =	vst v14  }
0x36f: {  	v10 =	vor.u32 $0x4, v6;
	v14 =	vld.idx.msk [tilespmem:v17+s20+$0x0], $0xffff;
	[tilespmem:s15+$0x0] =	vst v15  }
0x370: {  	v17 =	vor.u32 $0x4, v7;
	v18 =	vld.idx.msk [tilespmem:v18+s20+$0x0], $0xffff;
	[tilespmem:s9+$0x180] =	vst v9  }
0x371: {  	v15 =	vor.u32 $0x7, v8;
	v9 =	vld.idx.msk [tilespmem:v19+s20+$0x0], $0xffff;
	[tilespmem:s6+$0x180] =	vst v11  }
0x372: {  	s19 =	sadd.s32 $0xEB00, s26;
	v19 =	vor.u32 $0x5, v1;
	v11 =	vld.idx.msk [tilespmem:v12+s20+$0x0], $0xffff;
	[tilespmem:s10+$0x180] =	vst v0  }
0x373: {  	s23 =	sor.u32 s22, s19;
	v12 =	vor.u32 $0x5, v2;
	v13 =	vld.idx.msk [tilespmem:v13+s20+$0x0], $0xffff;
	[tilespmem:s11+$0x180] =	vst v16  }
0x374: {  	s3 =	sor.u32 s21, s25;
	v0 =	vld.idx.msk [tilespmem:v10+s20+$0x0], $0xffff;
	v10 =	vor.u32 $0x5, v5;
	[tilespmem:s23+$0x0] =	vst v14  }
0x375: {  	s24 =	sor.u32 s1, s31;
	v16 =	vor.u32 $0x5, v4;
	v17 =	vld.idx.msk [tilespmem:v17+s20+$0x0], $0xffff;
	[tilespmem:s3+$0x0] =	vst v18  }
0x376: {  	v14 =	vor.u32 $0x5, v6;
	v15 =	vld.idx.msk [tilespmem:v15+s20+$0x0], $0xffff;
	[tilespmem:s24+$0x0] =	vst v9  }
0x377: {  	v18 =	vor.u32 $0x5, v7;
	v9 =	vld.idx.msk [tilespmem:v19+s20+$0x0], $0xffff;
	[tilespmem:s9+$0x200] =	vst v11  }
0x378: {  	v11 =	vld.idx.msk [tilespmem:v12+s20+$0x0], $0xffff;
	v12 =	vor.u32 $0x8, v8;
	[tilespmem:s6+$0x200] =	vst v13  }
0x379: {  	s4 =	sadd.s32 $0xEB80, s26;
	v19 =	vor.u32 $0x6, v3;
	v10 =	vld.idx.msk [tilespmem:v10+s20+$0x0], $0xffff;
	[tilespmem:s10+$0x200] =	vst v0  }
0x37a: {  	s25 =	sor.u32 s22, s4;
	v13 =	vor.u32 $0x6, v1;
	v16 =	vld.idx.msk [tilespmem:v16+s20+$0x0], $0xffff;
	[tilespmem:s11+$0x200] =	vst v17  }
0x37b: {  	s28 =	sor.u32 s0, s31;
	v0 =	vld.idx.msk [tilespmem:v14+s20+$0x0], $0xffff;
	v14 =	vor.u32 $0x6, v5;
	[tilespmem:s25+$0x0] =	vst v15  }
0x37c: {  	s2 =	sor.u32 s21, s31;
	v17 =	vor.u32 $0x6, v4;
	v18 =	vld.idx.msk [tilespmem:v18+s20+$0x0], $0xffff;
	[tilespmem:s28+$0x0] =	vst v9  }
0x37d: {  	v15 =	vor.u32 $0x6, v6;
	v9 =	vld.idx.msk [tilespmem:v12+s20+$0x0], $0xffff;
	[tilespmem:s2+$0x0] =	vst v11  }
0x37e: {  	v12 =	vor.u32 $0x6, v7;
	v11 =	vld.idx.msk [tilespmem:v19+s20+$0x0], $0xffff;
	[tilespmem:s9+$0x280] =	vst v10  }
0x37f: {  	v19 =	vor.u32 $0x6, v2;
	v10 =	vld.idx.msk [tilespmem:v13+s20+$0x0], $0xffff;
	[tilespmem:s6+$0x280] =	vst v16  }
0x380: {  	s3 =	sadd.s32 $0xF800, s26;
	v13 =	vor.u32 $0x9, v8;
	v14 =	vld.idx.msk [tilespmem:v14+s20+$0x0], $0xffff;
	[tilespmem:s10+$0x280] =	vst v0  }
0x381: {  	s29 =	sor.u32 s22, s3;
	v16 =	vor.u32 $0x7, v3;
	v17 =	vld.idx.msk [tilespmem:v17+s20+$0x0], $0xffff;
	[tilespmem:s11+$0x280] =	vst v18  }
0x382: {  	s31 =	sor.u32 s1, s19;
	v0 =	vld.idx.msk [tilespmem:v15+s20+$0x0], $0xffff;
	v15 =	vor.u32 $0x7, v5;
	[tilespmem:s29+$0x0] =	vst v9  }
0x383: {  	s14 =	sor.u32 s0, s19;
	v18 =	vor.u32 $0x7, v4;
	v12 =	vld.idx.msk [tilespmem:v12+s20+$0x0], $0xffff;
	[tilespmem:s31+$0x0] =	vst v11  }
0x384: {  	v9 =	vor.u32 $0x7, v6;
	v19 =	vld.idx.msk [tilespmem:v19+s20+$0x0], $0xffff;
	[tilespmem:s14+$0x0] =	vst v10  }
0x385: {  	v11 =	vld.idx.msk [tilespmem:v13+s20+$0x0], $0xffff;
	v13 =	vor.u32 $0x7, v7;
	[tilespmem:s9+$0x300] =	vst v14  }
0x386: {  	v10 =	vld.idx.msk [tilespmem:v16+s20+$0x0], $0xffff;
	v16 =	vor.u32 $0x7, v1;
	[tilespmem:s6+$0x300] =	vst v17  }
0x387: {  	v14 =	vor.u32 $0xA, v8;
	v15 =	vld.idx.msk [tilespmem:v15+s20+$0x0], $0xffff;
	[tilespmem:s10+$0x300] =	vst v0  }
0x388: {  	s5 =	sor.u32 s21, s19;
	s2 =	sadd.s32 $0xF880, s26;
	v17 =	vor.u32 $0x7, v2;
	v18 =	vld.idx.msk [tilespmem:v18+s20+$0x0], $0xffff;
	[tilespmem:s11+$0x300] =	vst v12  }
0x389: {  	s15 =	sor.u32 s22, s2;
	v0 =	vld.idx.msk [tilespmem:v9+s20+$0x0], $0xffff;
	v9 =	vor.u32 $0x8, v5;
	[tilespmem:s5+$0x0] =	vst v19  }
0x38a: {  	s19 =	sor.u32 s1, s4;
	[tilespmem:s15+$0x0] =	vst v11;
	v11 =	vor.u32 $0x8, v4;
	v12 =	vld.idx.msk [tilespmem:v13+s20+$0x0], $0xffff  }
0x38b: {  	v13 =	vor.u32 $0x8, v6;
	[tilespmem:s19+$0x0] =	vst v10;
	v16 =	vld.idx.msk [tilespmem:v16+s20+$0x0], $0xffff  }
0x38c: {  	v10 =	vor.u32 $0x8, v7;
	v14 =	vld.idx.msk [tilespmem:v14+s20+$0x0], $0xffff;
	[tilespmem:s9+$0x380] =	vst v15  }
0x38d: {  	v15 =	vld.idx.msk [tilespmem:v17+s20+$0x0], $0xffff;
	v17 =	vor.u32 $0xB, v8;
	[tilespmem:s6+$0x380] =	vst v18  }
0x38e: {  	v19 =	vor.u32 $0x8, v3;
	v9 =	vld.idx.msk [tilespmem:v9+s20+$0x0], $0xffff;
	[tilespmem:s10+$0x380] =	vst v0  }
0x38f: {  	s13 =	sadd.s32 $0xF900, s26;
	s24 =	sor.u32 s0, s4;
	v18 =	vor.u32 $0x8, v1;
	v11 =	vld.idx.msk [tilespmem:v11+s20+$0x0], $0xffff;
	[tilespmem:s11+$0x380] =	vst v12  }
0x390: {  	s23 =	sor.u32 s22, s13;
	v0 =	vld.idx.msk [tilespmem:v13+s20+$0x0], $0xffff;
	v12 =	vor.u32 $0x9, v5;
	[tilespmem:s24+$0x0] =	vst v16  }
0x391: {  	s4 =	sor.u32 s21, s4;
	s25 =	sadd.s32 $0xD800, s8;
	v13 =	vor.u32 $0x9, v4;
	v10 =	vld.idx.msk [tilespmem:v10+s20+$0x0], $0xffff;
	[tilespmem:s23+$0x0] =	vst v14  }
0x392: {  	s28 =	sor.u32 s7, s25;
	v14 =	vor.u32 $0x9, v6;
	v16 =	vld.idx.msk [tilespmem:v17+s20+$0x0], $0xffff;
	[tilespmem:s4+$0x0] =	vst v15  }
0x393: {  	s29 =	sor.u32 s12, s25;
	v17 =	vor.u32 $0x9, v7;
	v15 =	vld.idx.msk [tilespmem:v19+s20+$0x0], $0xffff;
	[tilespmem:s28+$0x0] =	vst v9  }
0x394: {  	s31 =	sor.u32 s16, s25;
	v19 =	vor.u32 $0x8, v2;
	v9 =	vld.idx.msk [tilespmem:v18+s20+$0x0], $0xffff;
	[tilespmem:s29+$0x0] =	vst v11  }
0x395: {  	s5 =	sor.u32 s30, s25;
	s11 =	sadd.s32 $0xF980, s26;
	v18 =	vor.u32 $0xC, v8;
	v11 =	vld.idx.msk [tilespmem:v12+s20+$0x0], $0xffff;
	[tilespmem:s31+$0x0] =	vst v0  }
0x396: {  	s9 =	sor.u32 s22, s11;
	v12 =	vor.u32 $0x9, v3;
	v13 =	vld.idx.msk [tilespmem:v13+s20+$0x0], $0xffff;
	[tilespmem:s5+$0x0] =	vst v10  }
0x397: {  	s10 =	sor.u32 s1, s3;
	v0 =	vld.idx.msk [tilespmem:v14+s20+$0x0], $0xffff;
	v10 =	vor.u32 $0xA, v5;
	[tilespmem:s9+$0x0] =	vst v16  }
0x398: {  	s14 =	sor.u32 s0, s3;
	s15 =	sadd.s32 $0xD880, s8;
	v14 =	vor.u32 $0xA, v4;
	v17 =	vld.idx.msk [tilespmem:v17+s20+$0x0], $0xffff;
	[tilespmem:s10+$0x0] =	vst v15  }
0x399: {  	s19 =	sor.u32 s7, s15;
	v16 =	vor.u32 $0xA, v6;
	v19 =	vld.idx.msk [tilespmem:v19+s20+$0x0], $0xffff;
	[tilespmem:s14+$0x0] =	vst v9  }
0x39a: {  	s23 =	sor.u32 s12, s15;
	v15 =	vld.idx.msk [tilespmem:v18+s20+$0x0], $0xffff;
	v18 =	vor.u32 $0xA, v7;
	[tilespmem:s19+$0x0] =	vst v11  }
0x39b: {  	s24 =	sor.u32 s16, s15;
	v9 =	vld.idx.msk [tilespmem:v12+s20+$0x0], $0xffff;
	v11 =	vor.u32 $0xD, v8;
	[tilespmem:s23+$0x0] =	vst v13  }
0x39c: {  	s25 =	sor.u32 s30, s15;
	v12 =	vor.u32 $0x9, v1;
	v10 =	vld.idx.msk [tilespmem:v10+s20+$0x0], $0xffff;
	[tilespmem:s24+$0x0] =	vst v0  }
0x39d: {  	s6 =	sadd.s32 $0xFA00, s26;
	s3 =	sor.u32 s21, s3;
	v13 =	vor.u32 $0x9, v2;
	v14 =	vld.idx.msk [tilespmem:v14+s20+$0x0], $0xffff;
	[tilespmem:s25+$0x0] =	vst v17  }
0x39e: {  	s28 =	sor.u32 s22, s6;
	v0 =	vld.idx.msk [tilespmem:v16+s20+$0x0], $0xffff;
	v16 =	vor.u32 $0xB, v5;
	[tilespmem:s3+$0x0] =	vst v19  }
0x39f: {  	s29 =	sor.u32 s1, s2;
	s31 =	sadd.s32 $0xD900, s8;
	v17 =	vor.u32 $0xB, v4;
	v18 =	vld.idx.msk [tilespmem:v18+s20+$0x0], $0xffff;
	[tilespmem:s28+$0x0] =	vst v15  }
0x3a0: {  	s9 =	sor.u32 s7, s31;
	v15 =	vor.u32 $0xB, v6;
	v11 =	vld.idx.msk [tilespmem:v11+s20+$0x0], $0xffff;
	[tilespmem:s29+$0x0] =	vst v9  }
0x3a1: {  	s10 =	sor.u32 s12, s31;
	v19 =	vor.u32 $0xB, v7;
	v9 =	vld.idx.msk [tilespmem:v12+s20+$0x0], $0xffff;
	[tilespmem:s9+$0x0] =	vst v10  }
0x3a2: {  	s14 =	sor.u32 s16, s31;
	v12 =	vor.u32 $0xE, v8;
	v10 =	vld.idx.msk [tilespmem:v13+s20+$0x0], $0xffff;
	[tilespmem:s10+$0x0] =	vst v14  }
0x3a3: {  	s15 =	sor.u32 s30, s31;
	v13 =	vor.u32 $0xA, v3;
	s9 =	sadd.s32 $0xFA80, s26;
	v14 =	vld.idx.msk [tilespmem:v16+s20+$0x0], $0xffff;
	[tilespmem:s14+$0x0] =	vst v0  }
0x3a4: {  	v16 =	vor.u32 $0xA, v1;
	s19 =	sor.u32 s22, s9;
	v17 =	vld.idx.msk [tilespmem:v17+s20+$0x0], $0xffff;
	[tilespmem:s15+$0x0] =	vst v18  }
0x3a5: {  	s23 =	sor.u32 s0, s2;
	v0 =	vld.idx.msk [tilespmem:v15+s20+$0x0], $0xffff;
	v15 =	vor.u32 $0xC, v5;
	[tilespmem:s19+$0x0] =	vst v11  }
0x3a6: {  	s2 =	sor.u32 s21, s2;
	s24 =	sadd.s32 $0xD980, s8;
	v18 =	vor.u32 $0xC, v4;
	v19 =	vld.idx.msk [tilespmem:v19+s20+$0x0], $0xffff;
	[tilespmem:s23+$0x0] =	vst v9  }
0x3a7: {  	s25 =	sor.u32 s7, s24;
	v11 =	vor.u32 $0xC, v6;
	v9 =	vld.idx.msk [tilespmem:v12+s20+$0x0], $0xffff;
	[tilespmem:s2+$0x0] =	vst v10  }
0x3a8: {  	s28 =	sor.u32 s12, s24;
	v12 =	vor.u32 $0xC, v7;
	v10 =	vld.idx.msk [tilespmem:v13+s20+$0x0], $0xffff;
	[tilespmem:s25+$0x0] =	vst v14  }
0x3a9: {  	v8 =	vor.u32 $0xF, v8;
	s29 =	sor.u32 s16, s24;
	v13 =	vld.idx.msk [tilespmem:v16+s20+$0x0], $0xffff;
	[tilespmem:s28+$0x0] =	vst v17  }
0x3aa: {  	s31 =	sor.u32 s30, s24;
	s10 =	sadd.s32 $0xFB00, s26;
	v14 =	vor.u32 $0xA, v2;
	v15 =	vld.idx.msk [tilespmem:v15+s20+$0x0], $0xffff;
	[tilespmem:s29+$0x0] =	vst v0  }
0x3ab: {  	s3 =	sor.u32 s22, s10;
	v16 =	vor.u32 $0xB, v3;
	v17 =	vld.idx.msk [tilespmem:v18+s20+$0x0], $0xffff;
	[tilespmem:s31+$0x0] =	vst v19  }
0x3ac: {  	s4 =	sor.u32 s1, s13;
	v0 =	vld.idx.msk [tilespmem:v11+s20+$0x0], $0xffff;
	v11 =	vor.u32 $0xD, v5;
	[tilespmem:s3+$0x0] =	vst v9  }
0x3ad: {  	s5 =	sor.u32 s0, s13;
	s14 =	sadd.s32 $0xDA00, s8;
	v18 =	vor.u32 $0xD, v4;
	v12 =	vld.idx.msk [tilespmem:v12+s20+$0x0], $0xffff;
	[tilespmem:s4+$0x0] =	vst v10  }
0x3ae: {  	s15 =	sor.u32 s7, s14;
	v9 =	vor.u32 $0xD, v6;
	v8 =	vld.idx.msk [tilespmem:v8+s20+$0x0], $0xffff;
	[tilespmem:s5+$0x0] =	vst v13  }
0x3af: {  	s19 =	sor.u32 s12, s14;
	v10 =	vor.u32 $0xD, v7;
	v13 =	vld.idx.msk [tilespmem:v14+s20+$0x0], $0xffff;
	[tilespmem:s15+$0x0] =	vst v15  }
0x3b0: {  	s23 =	sor.u32 s16, s14;
	v14 =	vor.u32 $0xB, v1;
	v15 =	vld.idx.msk [tilespmem:v16+s20+$0x0], $0xffff;
	[tilespmem:s19+$0x0] =	vst v17  }
0x3b1: {  	s24 =	sor.u32 s30, s14;
	s4 =	sadd.s32 $0xFB80, s26;
	v16 =	vor.u32 $0xB, v2;
	v11 =	vld.idx.msk [tilespmem:v11+s20+$0x0], $0xffff;
	[tilespmem:s23+$0x0] =	vst v0  }
0x3b2: {  	s25 =	sor.u32 s22, s4;
	v0 =	vor.u32 $0xC, v3;
	v17 =	vld.idx.msk [tilespmem:v18+s20+$0x0], $0xffff;
	[tilespmem:s24+$0x0] =	vst v12  }
0x3b3: {  	s26 =	sor.u32 s21, s13;
	v9 =	vld.idx.msk [tilespmem:v9+s20+$0x0], $0xffff;
	v12 =	vor.u32 $0xE, v5;
	[tilespmem:s25+$0x0] =	vst v8  }
0x3b4: {  	s28 =	sor.u32 s1, s11;
	s29 =	sadd.s32 $0xDA80, s8;
	v18 =	vor.u32 $0xE, v4;
	v10 =	vld.idx.msk [tilespmem:v10+s20+$0x0], $0xffff;
	[tilespmem:s26+$0x0] =	vst v13  }
0x3b5: {  	s31 =	sor.u32 s7, s29;
	v8 =	vor.u32 $0xE, v6;
	v13 =	vld.idx.msk [tilespmem:v14+s20+$0x0], $0xffff;
	[tilespmem:s28+$0x0] =	vst v15  }
0x3b6: {  	v19 =	vor.u32 $0xE, v7;
	s5 =	sor.u32 s12, s29;
	v15 =	vld.idx.msk [tilespmem:v16+s20+$0x0], $0xffff;
	[tilespmem:s31+$0x0] =	vst v11  }
0x3b7: {  	v21 =	vor.u32 $0xD, v3;
	v23 =	vor.u32 $0xE, v3;
	v20 =	vor.u32 $0xC, v1;
	s13 =	sor.u32 s16, s29;
	v0 =	vld.idx.msk [tilespmem:v0+s20+$0x0], $0xffff;
	[tilespmem:s5+$0x0] =	vst v17  }
0x3b8: {  	v22 =	vor.u32 $0xE, v2;
	v27 =	vor.u32 $0xF, v2;
	s3 =	sor.u32 s30, s29;
	v14 =	vor.u32 $0xC, v2;
	v12 =	vld.idx.msk [tilespmem:v12+s20+$0x0], $0xffff;
	[tilespmem:s13+$0x0] =	vst v9  }
0x3b9: {  	v24 =	vor.u32 $0xF, v1;
	s15 =	sor.u32 s0, s11;
	v16 =	vor.u32 $0xD, v2;
	v2 =	vor.u32 $0xF, v3;
	v3 =	vld.idx.msk [tilespmem:v18+s20+$0x0], $0xffff;
	[tilespmem:s3+$0x0] =	vst v10  }
0x3ba: {  	s14 =	simm.s32 $0x240;
	v7 =	vor.u32 $0xF, v7;
	v4 =	vor.u32 $0xF, v4;
	s23 =	sor.u32 s21, s11;
	v5 =	vor.u32 $0xF, v5;
	v8 =	vld.idx.msk [tilespmem:v8+s20+$0x0], $0xffff;
	[tilespmem:s15+$0x0] =	vst v13  }
0x3bb: {  	s22 =	simm.s32 $0x260;
	s24 =	sor.u32 s1, s6;
	s25 =	sadd.s32 $0xDB00, s8;
	v11 =	vor.u32 $0xD, v1;
	v17 =	vor.u32 $0xE, v1;
	v1 =	vmov s14;
	v9 =	vld.idx.msk [tilespmem:v19+s20+$0x0], $0xffff;
	[tilespmem:s23+$0x0] =	vst v15  }
0x3bc: {  	s19 =	simm.s32 $0x250;
	v6 =	vor.u32 $0xF, v6;
	s26 =	sor.u32 s7, s25;
	v1 =	vshll.u32 v1, $0x4;
	v13 =	vmov s22;
	v15 =	vld.idx.msk [tilespmem:v20+s20+$0x0], $0xffff;
	[tilespmem:s24+$0x0] =	vst v0  }
0x3bd: {  	s28 =	sor.u32 s12, s25;
	v10 =	vmov s19;
	v18 =	vor.u32 v26, v1;
	v1 =	vshll.u32 v13, $0x4;
	v13 =	vld.idx.msk [tilespmem:v14+s20+$0x0], $0xffff;
	[tilespmem:s26+$0x0] =	vst v12  }
0x3be: {  	s31 =	sor.u32 s16, s25;
	v10 =	vshll.u32 v10, $0x4;
	v0 =	vld.idx.msk [tilespmem:v21+s20+$0x0], $0xffff;
	[tilespmem:s28+$0x0] =	vst v3  }
0x3bf: {  	s29 =	simm.s32 $0x270;
	s3 =	sor.u32 s30, s25;
	v48 =	vor.u32 $0x1, v18;
	v50 =	vor.u32 $0x2, v18;
	v47 =	vor.u32 $0x3, v18;
	v5 =	vld.idx.msk [tilespmem:v5+s20+$0x0], $0xffff;
	[tilespmem:s31+$0x0] =	vst v8  }
0x3c0: {  	s5 =	sor.u32 s0, s6;
	v56 =	vor.u32 $0x4, v18;
	v14 =	vor.u32 v26, v1;
	v1 =	vmov s29;
	v4 =	vld.idx.msk [tilespmem:v4+s20+$0x0], $0xffff;
	[tilespmem:s3+$0x0] =	vst v9  }
0x3c1: {  	s6 =	sor.u32 s21, s6;
	v58 =	vor.u32 $0x5, v18;
	v10 =	vor.u32 v26, v10;
	v1 =	vshll.u32 v1, $0x4;
	v6 =	vld.idx.msk [tilespmem:v6+s20+$0x0], $0xffff;
	[tilespmem:s5+$0x0] =	vst v15  }
0x3c2: {  	v40 =	vor.u32 $0x6, v18;
	v25 =	vor.u32 v26, v1;
	v8 =	vor.u32 $0x5, v10;
	v1 =	vld.idx.msk [tilespmem:v7+s20+$0x0], $0xffff;
	[tilespmem:s6+$0x0] =	vst v13  }
0x3c3: {  	v38 =	vor.u32 $0x7, v18;
	v35 =	vor.u32 $0x8, v18;
	v7 =	vld.idx.msk [tilespmem:v11+s20+$0x0], $0xffff;
	[tilespmem:$0x1FC00] =	vst v8;
	v8 =	vor.u32 $0x5, v14  }
0x3c4: {  	s11 =	sor.u32 s1, s9;
	s13 =	sadd.s32 $0xDB80, s8;
	v31 =	vor.u32 $0x9, v18;
	v28 =	vor.u32 $0xA, v18;
	v19 =	vor.u32 $0xC, v18;
	[tilespmem:$0x1FC10] =	vst v8  }
0x3c5: {  	s14 =	sor.u32 s7, s13;
	v52 =	vor.u32 $0xF, v18;
	v55 =	vor.u32 $0x2, v10;
	v51 =	vor.u32 $0x3, v10;
	v8 =	vld.idx.msk [tilespmem:v16+s20+$0x0], $0xffff;
	[tilespmem:s11+$0x0] =	vst v0  }
0x3c6: {  	s15 =	sor.u32 s12, s13;
	v45 =	vor.u32 $0x4, v10;
	v43 =	vor.u32 $0x6, v10;
	v61 =	vor.u32 $0x7, v10;
	[tilespmem:s14+$0x0] =	vst v5;
	v9 =	vld.idx.msk [tilespmem:v23+s20+$0x0], $0xffff  }
0x3c7: {  	s19 =	sor.u32 s16, s13;
	v36 =	vor.u32 $0x8, v10;
	v33 =	vor.u32 $0x9, v10;
	v32 =	vor.u32 $0xA, v10;
	[tilespmem:s15+$0x0] =	vst v4;
	v11 =	vld.idx.msk [tilespmem:v25+s20+$0x0], $0xffff  }
0x3c8: {  	s22 =	sor.u32 s30, s13;
	v29 =	vor.u32 $0xB, v10;
	v20 =	vor.u32 $0xD, v10;
	v3 =	vor.u32 $0x1, v10;
	[tilespmem:s19+$0x0] =	vst v6;
	v12 =	vld.idx.msk [tilespmem:v10+s20+$0x0], $0xffff  }
0x3c9: {  	s23 =	sor.u32 s0, s9;
	v57 =	vor.u32 $0x1, v14;
	v53 =	vor.u32 $0x2, v14;
	v13 =	vor.u32 $0x1, v25;
	[tilespmem:s22+$0x0] =	vst v1;
	v6 =	vld.idx.msk [tilespmem:v14+s20+$0x0], $0xffff  }
0x3ca: {  	s24 =	sor.u32 s21, s9;
	v49 =	vor.u32 $0x3, v14;
	v44 =	vor.u32 $0x4, v14;
	v54 =	vor.u32 $0x6, v14;
	v5 =	vld.idx.msk [tilespmem:v18+s20+$0x0], $0xffff;
	[tilespmem:s23+$0x0] =	vst v7  }
0x3cb: {  	s25 =	sor.u32 s1, s10;
	v42 =	vor.u32 $0x7, v14;
	v39 =	vor.u32 $0x8, v14;
	v37 =	vor.u32 $0x9, v14;
	s26 =	sadd.s32 $0xE800, s8;
	v4 =	vld.idx.msk [tilespmem:v17+s20+$0x0], $0xffff;
	[tilespmem:s24+$0x0] =	vst v8  }
0x3cc: {  	s9 =	sor.u32 s21, s10;
	v21 =	vor.u32 $0xB, v18;
	v34 =	vor.u32 $0xA, v14;
	v30 =	vor.u32 $0xB, v14;
	s28 =	sor.u32 s7, s26;
	v0 =	vld.idx.msk [tilespmem:v22+s20+$0x0], $0xffff;
	[tilespmem:s25+$0x0] =	vst v9  }
0x3cd: {  	v46 =	vor.u32 $0xF, v14;
	s29 =	sor.u32 s12, s26;
	s31 =	sor.u32 s16, s26;
	v15 =	vor.u32 $0xD, v18;
	s6 =	simm.s32 $0x4;
	v16 =	vor.u32 $0xE, v10;
	[tilespmem:s28+$0x0] =	vst v11;
	v1 =	vld.idx.msk [tilespmem:v2+s20+$0x0], $0xffff  }
0x3ce: {  	s11 =	sor.u32 s0, s10;
	s14 =	sor.u32 s21, s4;
	s15 =	sor.u32 s1, s4;
	v23 =	vor.u32 $0xC, v10;
	v17 =	vor.u32 $0xD, v14;
	v8 =	vor.u32 $0xF, v10;
	[tilespmem:s29+$0x0] =	vst v12;
	v2 =	vld.idx.msk [tilespmem:v13+s20+$0x0], $0xffff  }
0x3cf: {  	s10 =	sor.u32 s0, s4;
	s1 =	sor.u32 s30, s26;
	s0 =	simm.s32 $0x80;
	v22 =	vor.u32 $0xC, v14;
	v9 =	vor.u32 $0xE, v18;
	v12 =	vor.u32 $0xE, v14;
	[tilespmem:s31+$0x0] =	vst v6;
	v3 =	vld.idx.msk [tilespmem:v3+s20+$0x0], $0xffff  }
.LBB2_5:
0x3d0: {  	[tilespmem:$0x1F8E0] =	vst v33  }
0x3d1: {  	[tilespmem:$0x1F920] =	vst v31  }
0x3d2: {  	[tilespmem:$0x1F9C0] =	vst v29  }
0x3d3: {  	[tilespmem:$0x1F9B0] =	vst v28  }
0x3d4: {  	[tilespmem:$0x1FA30] =	vst v23  }
0x3d5: {  	[tilespmem:$0x1FA00] =	vst v30  }
0x3d6: {  	[tilespmem:$0x1FA90] =	vst v19  }
0x3d7: {  	[tilespmem:$0x1FA80] =	vst v22  }
0x3d8: {  	[tilespmem:$0x1FA10] =	vst v21  }
0x3d9: {  	[tilespmem:$0x1FB00] =	vst v17  }
0x3da: {  	[tilespmem:$0x1FAB0] =	vst v20  }
0x3db: {  	[tilespmem:$0x1FB40] =	vst v16  }
0x3dc: {  	[tilespmem:$0x1FB90] =	vst v12  }
0x3dd: {  	[tilespmem:$0x1FBB0] =	vst v9  }
0x3de: {  	[tilespmem:$0x1FBD0] =	vst v8;
	v10 =	vmov v46  }
0x3df: {  	[tilespmem:$0x1F890] =	vst v10  }
0x3e0: {  	[tilespmem:s1+$0x0] =	vst v5  }
0x3e1: {  	[tilespmem:s15+$0x0] =	vst v1  }
0x3e2: {  	s2 =	sadd.s32 $0x10, s0;
	v7 =	vor.u32 $0x2, v25;
	v5 =	vld.idx.msk [tilespmem:v57+s20+$0x0], $0xffff;
	[tilespmem:s11+$0x0] =	vst v4  }
0x3e3: {  	s4 =	sadd.s32 $0x20, s0;
	v8 =	vmov s2;
	v1 =	vmov v52;
	v11 =	vld.idx.msk [tilespmem:v48+s20+$0x0], $0xffff;
	s11 =	sadd.s32 $0xE880, s8;
	[tilespmem:s9+$0x0] =	vst v0  }
0x3e4: {  	v6 =	vmov s0;
	s5 =	sadd.s32 $0x30, s0;
	v4 =	vshll.u32 v8, $0x4;
	v8 =	vmov s4;
	[tilespmem:$0x1F8A0] =	vst v1;
	v0 =	vld.idx.msk [tilespmem:v24+s20+$0x0], $0xffff;
	s19 =	sor.u32 s7, s11  }
0x3e5: {  	s6 =	sadd.s32 $0x4, s6;
	v9 =	vmov s5;
	v12 =	vor.u32 v26, v4;
	v4 =	vshll.u32 v8, $0x4;
	v8 =	vld.idx.msk [tilespmem:v27+s20+$0x0], $0xffff;
	s13 =	sor.u32 s12, s11;
	[tilespmem:s19+$0x0] =	vst v2  }
0x3e6: {  	[dreg:$0x6] =	wrdreg s6;
	v6 =	vshll.u32 v6, $0x4;
	p0 =	slt.u32 s6, $0x1C;
	v9 =	vshll.u32 v9, $0x4;
	s6 =	sor.u32 s16, s11;
	[tilespmem:s13+$0x0] =	vst v3  }
0x3e7: {  	v13 =	vor.u32 v26, v6;
	v48 =	vor.u32 v26, v9;
	s22 =	sor.u32 s30, s11;
	v6 =	vld.idx.msk [tilespmem:v7+s20+$0x0], $0xffff;
	[tilespmem:s6+$0x0] =	vst v5  }
0x3e8: {  	v7 =	vld.idx.msk [tilespmem:v55+s20+$0x0], $0xffff;
	[tilespmem:s22+$0x0] =	vst v11  }
0x3e9: {  	v20 =	vor.u32 v26, v4;
	v11 =	vld.idx.msk [tilespmem:v53+s20+$0x0], $0xffff;
	[tilespmem:s10+$0x0] =	vst v0  }
0x3ea: {  	s23 =	sadd.s32 $0xE900, s8;
	[tilespmem:s14+$0x0] =	vst v8;
	v0 =	vor.u32 $0x7, v20  }
0x3eb: {  	s25 =	sor.u32 s7, s23;
	[tilespmem:$0x1F850] =	vst v0  }
0x3ec: {  	v14 =	vor.u32 $0x3, v25;
	v31 =	vld.idx.msk [tilespmem:v48+s20+$0x0], $0xffff;
	v0 =	vor.u32 $0x8, v12;
	[tilespmem:s25+$0x0] =	vst v6  }
0x3ed: {  	s18 =	sadd.s32 $0x200, s18;
	s28 =	sor.u32 s12, s23;
	[tilespmem:$0x1F860] =	vst v0  }
0x3ee: {  	v57 =	vld.idx.msk [tilespmem:v12+s20+$0x0], $0xffff;
	s14 =	sand.u32 $0xC00, s18;
	v0 =	vor.u32 $0x8, v20;
	[tilespmem:s28+$0x0] =	vst v7  }
0x3ef: {  	[dreg:$0x4] =	wrdreg s18;
	s29 =	sand.u32 $0x70, s5;
	s18 =	sadd.s32 $0xC800, s14;
	[tilespmem:$0x1F870] =	vst v0;
	v0 =	vor.u32 $0x8, v13  }
0x3f0: {  	v63 =	vld.idx.msk [tilespmem:v20+s20+$0x0], $0xffff;
	s15 =	sor.u32 s29, s18;
	[tilespmem:$0x1F880] =	vst v0  }
0x3f1: {  	v53 =	vld.idx.msk [tilespmem:v14+s20+$0x0], $0xffff;
	v0 =	vor.u32 $0x9, v12;
	[tilespmem:s15+$0x0] =	vst v31  }
0x3f2: {  	s31 =	sor.u32 s16, s23;
	s1 =	sand.u32 $0x50, s2;
	v52 =	vld.idx.msk [tilespmem:v13+s20+$0x0], $0xffff;
	[tilespmem:$0x1F8B0] =	vst v0  }
0x3f3: {  	v55 =	vld.idx.msk [tilespmem:v50+s20+$0x0], $0xffff;
	s10 =	sor.u32 s1, s18;
	[tilespmem:s31+$0x0] =	vst v11  }
0x3f4: {  	s21 =	sand.u32 $0x60, s4;
	v21 =	vor.u32 $0x1, v13;
	v31 =	vld.idx.msk [tilespmem:v51+s20+$0x0], $0xffff;
	v0 =	vor.u32 $0x9, v20;
	[tilespmem:s10+$0x0] =	vst v57  }
0x3f5: {  	s26 =	sand.u32 $0x40, s0;
	s11 =	sor.u32 s21, s18;
	[tilespmem:$0x1F8C0] =	vst v0  }
0x3f6: {  	s9 =	sor.u32 s26, s18;
	[tilespmem:s11+$0x0] =	vst v63  }
0x3f7: {  	v0 =	vor.u32 $0xA, v12;
	[tilespmem:s9+$0x0] =	vst v52  }
0x3f8: {  	s24 =	sor.u32 s30, s23;
	[tilespmem:$0x1F8F0] =	vst v0  }
0x3f9: {  	v0 =	vor.u32 $0xA, v13;
	v21 =	vld.idx.msk [tilespmem:v21+s20+$0x0], $0xffff;
	[tilespmem:s24+$0x0] =	vst v55  }
0x3fa: {  	[tilespmem:$0x1F910] =	vst v0;
	v0 =	vor.u32 $0xB, v12  }
0x3fb: {  	[tilespmem:$0x1F930] =	vst v0;
	v0 =	vor.u32 $0xA, v20  }
0x3fc: {  	[tilespmem:$0x1F900] =	vst v0;
	v0 =	vor.u32 $0xB, v13  }
0x3fd: {  	[tilespmem:$0x1F950] =	vst v0;
	v0 =	vor.u32 $0xC, v12  }
0x3fe: {  	[tilespmem:$0x1F980] =	vst v0;
	v0 =	vor.u32 $0xB, v20  }
0x3ff: {  	[tilespmem:$0x1F940] =	vst v0;
	v0 =	vor.u32 $0xC, v13  }
0x400: {  	[tilespmem:$0x1F9A0] =	vst v0;
	v0 =	vor.u32 $0xC, v20  }
0x401: {  	[tilespmem:$0x1F990] =	vst v0;
	v0 =	vor.u32 $0xD, v13  }
0x402: {  	[tilespmem:$0x1F9F0] =	vst v0;
	v0 =	vor.u32 $0xD, v12  }
0x403: {  	v46 =	vor.u32 $0x1, v48;
	[tilespmem:$0x1F9D0] =	vst v0;
	v0 =	vor.u32 $0xD, v20  }
0x404: {  	v16 =	vor.u32 $0x1, v12;
	[tilespmem:$0x1F9E0] =	vst v0;
	v0 =	vor.u32 $0xE, v13  }
0x405: {  	[tilespmem:$0x1FA70] =	vst v0;
	v0 =	vor.u32 $0xE, v12  }
0x406: {  	v28 =	vor.u32 $0x1, v20;
	[tilespmem:$0x1FA40] =	vst v0;
	v0 =	vor.u32 $0xE, v20  }
0x407: {  	v41 =	vor.u32 $0x4, v25;
	[tilespmem:$0x1FA50] =	vst v0;
	v0 =	vor.u32 $0xF, v13  }
0x408: {  	v57 =	vld.idx.msk [tilespmem:v46+s20+$0x0], $0xffff;
	[tilespmem:$0x1FAF0] =	vst v0;
	v0 =	vor.u32 $0xF, v12  }
0x409: {  	v10 =	vor.u32 $0x2, v13;
	s18 =	sadd.s32 $0xE980, s8;
	v16 =	vld.idx.msk [tilespmem:v16+s20+$0x0], $0xffff;
	[tilespmem:$0x1FAD0] =	vst v0;
	v0 =	vor.u32 $0xF, v20  }
0x40a: {  	s19 =	sor.u32 s7, s18;
	[tilespmem:$0x1FAE0] =	vst v0;
	v0 =	vld [tilespmem:$0x1FFF0]  }
0x40b: {  	v59 =	vor.u32 $0x4, v13;
	s23 =	sor.u32 s12, s18;
	v63 =	vor.u32 $0x2, v48;
	v28 =	vld.idx.msk [tilespmem:v28+s20+$0x0], $0xffff;
	[tilespmem:s19+$0x0] =	vst v53  }
0x40c: {  	s2 =	sadd.s32 $0x200, s0;
	v23 =	vor.u32 $0x6, v13;
	v17 =	vor.u32 $0x7, v13;
	v1 =	vor.u32 $0x3, v13;
	v46 =	vld.idx.msk [tilespmem:v41+s20+$0x0], $0xffff;
	[tilespmem:s23+$0x0] =	vst v31  }
0x40d: {  	v27 =	vor.u32 $0x5, v13;
	v11 =	vor.u32 $0x9, v13;
	v31 =	vld.idx.msk [tilespmem:v47+s20+$0x0], $0xffff;
	[tilespmem:s9+$0x80] =	vst v21;
	v13 =	vmov s2  }
0x40e: {  	[tilespmem:$0x1FB20] =	vst v15;
	v26 =	vor.u32 $0x2, v12;
	v9 =	vor.u32 $0x3, v12;
	v10 =	vld.idx.msk [tilespmem:v10+s20+$0x0], $0xffff;
	v13 =	vshll.u32 v13, $0x4  }
0x40f: {  	v18 =	vor.u32 $0x4, v12;
	v30 =	vor.u32 $0x2, v20;
	s24 =	sadd.s32 $0xEA00, s8;
	[tilespmem:s15+$0x80] =	vst v57;
	v50 =	vor.u32 v0, v13;
	v0 =	vld [tilespmem:$0x1FFF0]  }
0x410: {  	v29 =	vor.u32 $0x5, v12;
	v60 =	vor.u32 $0x6, v12;
	v19 =	vor.u32 $0x7, v12;
	s28 =	sor.u32 s7, s24;
	[tilespmem:s10+$0x80] =	vst v16;
	v33 =	vld.idx.msk [tilespmem:v63+s20+$0x0], $0xffff  }
0x411: {  	s3 =	sadd.s32 $0x210, s0;
	v24 =	vor.u32 $0x4, v20;
	v62 =	vor.u32 $0x5, v20;
	v22 =	vor.u32 $0x6, v20;
	[tilespmem:s28+$0x0] =	vst v46;
	v12 =	vld.idx.msk [tilespmem:v49+s20+$0x0], $0xffff  }
0x412: {  	s4 =	sadd.s32 $0x220, s0;
	v5 =	vor.u32 $0x3, v20;
	s22 =	sor.u32 s30, s18;
	v57 =	vor.u32 $0x5, v25;
	[tilespmem:s11+$0x80] =	vst v28;
	v28 =	vld.idx.msk [tilespmem:v45+s20+$0x0], $0xffff;
	v20 =	vmov s3  }
0x413: {  	[tilespmem:s22+$0x0] =	vst v31;
	v16 =	vshll.u32 v20, $0x4;
	v20 =	vmov s4;
	v13 =	vld.idx.msk [tilespmem:v26+s20+$0x0], $0xffff  }
0x414: {  	[tilespmem:s9+$0x100] =	vst v10;
	v51 =	vor.u32 v0, v16;
	v16 =	vshll.u32 v20, $0x4;
	v0 =	vor.u32 $0x1, v50;
	v20 =	vld.idx.msk [tilespmem:v30+s20+$0x0], $0xffff  }
0x415: {  	s13 =	sor.u32 s16, s18;
	[tilespmem:$0x1FA60] =	vst v0;
	v0 =	vld [tilespmem:$0x1FFF0]  }
0x416: {  	[tilespmem:s13+$0x0] =	vst v12  }
0x417: {  	v12 =	vld.idx.msk [tilespmem:v57+s20+$0x0], $0xffff;
	[tilespmem:s15+$0x100] =	vst v33  }
0x418: {  	s25 =	sor.u32 s12, s24;
	[tilespmem:s10+$0x100] =	vst v13  }
0x419: {  	v55 =	vld.idx.msk [tilespmem:v9+s20+$0x0], $0xffff;
	[tilespmem:s25+$0x0] =	vst v28  }
0x41a: {  	v3 =	vmov v43;
	v43 =	vld.idx.msk [tilespmem:v44+s20+$0x0], $0xffff;
	[tilespmem:s11+$0x100] =	vst v20;
	v53 =	vor.u32 v0, v16;
	v0 =	vor.u32 $0x2, v50  }
0x41b: {  	[tilespmem:$0x1FB80] =	vst v0;
	v0 =	vor.u32 $0x1, v51  }
0x41c: {  	[tilespmem:$0x1FBF0] =	vst v0;
	v0 =	vor.u32 $0x1, v53  }
0x41d: {  	v16 =	vor.u32 $0x3, v48;
	[tilespmem:$0x1FB10] =	vst v0;
	v0 =	vor.u32 $0x2, v51  }
0x41e: {  	v46 =	vor.u32 $0x6, v25;
	v57 =	vld.idx.msk [tilespmem:v1+s20+$0x0], $0xffff;
	[tilespmem:$0x1FAC0] =	vst v0;
	v0 =	vor.u32 $0x2, v53  }
0x41f: {  	v2 =	vmov v54;
	v54 =	vld.idx.msk [tilespmem:v56+s20+$0x0], $0xffff;
	[tilespmem:$0x1FB70] =	vst v0;
	v0 =	vor.u32 $0x3, v51  }
0x420: {  	s19 =	sadd.s32 $0xEA80, s8;
	v5 =	vld.idx.msk [tilespmem:v5+s20+$0x0], $0xffff;
	[tilespmem:$0x1FB60] =	vst v0;
	v0 =	vor.u32 $0xB, v50  }
0x421: {  	s23 =	sor.u32 s7, s19;
	[tilespmem:$0x1FA20] =	vst v0;
	v0 =	vld [tilespmem:$0x1FC00]  }
0x422: {  	v16 =	vld.idx.msk [tilespmem:v16+s20+$0x0], $0xffff;
	[tilespmem:s23+$0x0] =	vst v12  }
0x423: {  	s31 =	sor.u32 s16, s24;
	v10 =	vor.u32 $0x4, v48;
	[tilespmem:s9+$0x180] =	vst v57;
	v46 =	vld.idx.msk [tilespmem:v46+s20+$0x0], $0xffff  }
0x424: {  	s2 =	sor.u32 s30, s24;
	[tilespmem:s31+$0x0] =	vst v43  }
0x425: {  	v59 =	vld.idx.msk [tilespmem:v59+s20+$0x0], $0xffff;
	[tilespmem:s2+$0x0] =	vst v54  }
0x426: {  	s24 =	sadd.s32 $0xEB00, s8;
	[tilespmem:s11+$0x180] =	vst v5  }
0x427: {  	s25 =	sor.u32 s7, s24;
	[tilespmem:s15+$0x180] =	vst v16  }
0x428: {  	v14 =	vmov v40;
	v52 =	vor.u32 $0x5, v51;
	v40 =	vld.idx.msk [tilespmem:v10+s20+$0x0], $0xffff;
	[tilespmem:s25+$0x0] =	vst v46  }
0x429: {  	v56 =	vld.idx.msk [tilespmem:v0+s20+$0x0], $0xffff;
	v0 =	vmov v52;
	[tilespmem:s10+$0x180] =	vst v55  }
0x42a: {  	v43 =	vmov v58;
	v58 =	vor.u32 $0x7, v25;
	[tilespmem:$0x1FC00] =	vst v0;
	v41 =	vld.idx.msk [tilespmem:v18+s20+$0x0], $0xffff;
	v18 =	vor.u32 $0xE, v50  }
0x42b: {  	[tilespmem:$0x1FBC0] =	vst v18;
	v18 =	vor.u32 $0xE, v51  }
0x42c: {  	[tilespmem:$0x1FB50] =	vst v18;
	v18 =	vor.u32 $0xE, v53  }
0x42d: {  	v15 =	vmov v42;
	v42 =	vor.u32 $0x5, v48;
	[tilespmem:$0x1FBA0] =	vst v18;
	v18 =	vor.u32 $0xF, v51  }
0x42e: {  	[tilespmem:$0x1FBE0] =	vst v18;
	v18 =	vld [tilespmem:$0x1FC10]  }
0x42f: {  	v54 =	vld.idx.msk [tilespmem:v58+s20+$0x0], $0xffff;
	v0 =	vor.u32 $0xC, v50;
	[tilespmem:s15+$0x200] =	vst v40  }
0x430: {  	v40 =	vor.u32 $0x8, v25;
	[tilespmem:$0x1FAA0] =	vst v0;
	v0 =	vor.u32 $0xD, v50  }
0x431: {  	s22 =	sor.u32 s12, s19;
	v44 =	vmov v36;
	v36 =	vor.u32 $0x5, v50;
	[tilespmem:$0x1FB30] =	vst v0  }
0x432: {  	s28 =	sadd.s32 $0xEB80, s8;
	v58 =	vmov v36;
	v36 =	vld.idx.msk [tilespmem:v42+s20+$0x0], $0xffff;
	[tilespmem:s22+$0x0] =	vst v56  }
0x433: {  	s31 =	sor.u32 s7, s28;
	v0 =	vld.idx.msk [tilespmem:v24+s20+$0x0], $0xffff;
	[tilespmem:s10+$0x200] =	vst v41  }
0x434: {  	[tilespmem:s31+$0x0] =	vst v54;
	v41 =	vor.u32 $0x6, v48;
	v29 =	vld.idx.msk [tilespmem:v29+s20+$0x0], $0xffff  }
0x435: {  	v40 =	vld.idx.msk [tilespmem:v40+s20+$0x0], $0xffff  }
0x436: {  	v13 =	vmov v37;
	v37 =	vor.u32 $0x5, v53;
	v56 =	vld.idx.msk [tilespmem:v18+s20+$0x0], $0xffff  }
0x437: {  	[tilespmem:s15+$0x280] =	vst v36;
	v18 =	vmov v37;
	v37 =	vld.idx.msk [tilespmem:v43+s20+$0x0], $0xffff  }
0x438: {  	[tilespmem:s9+$0x200] =	vst v59;
	v59 =	vld.idx.msk [tilespmem:v3+s20+$0x0], $0xffff  }
0x439: {  	s22 =	sadd.s32 $0xF800, s8;
	[tilespmem:s10+$0x280] =	vst v29;
	v29 =	vld.idx.msk [tilespmem:v41+s20+$0x0], $0xffff  }
0x43a: {  	s25 =	sor.u32 s7, s22;
	[tilespmem:s11+$0x200] =	vst v0;
	v27 =	vld.idx.msk [tilespmem:v27+s20+$0x0], $0xffff  }
0x43b: {  	s4 =	sor.u32 s16, s19;
	v42 =	vor.u32 $0x9, v25;
	[tilespmem:s25+$0x0] =	vst v40;
	v0 =	vld.idx.msk [tilespmem:v62+s20+$0x0], $0xffff  }
0x43c: {  	s3 =	sor.u32 s30, s19;
	v24 =	vld.idx.msk [tilespmem:v60+s20+$0x0], $0xffff;
	[tilespmem:s4+$0x0] =	vst v56  }
0x43d: {  	s19 =	sor.u32 s12, s24;
	v21 =	vor.u32 $0x4, v50;
	[tilespmem:s3+$0x0] =	vst v37  }
0x43e: {  	v1 =	vmov v21;
	[tilespmem:s19+$0x0] =	vst v59  }
0x43f: {  	v56 =	vmov v1;
	v1 =	vld [tilespmem:$0x1F860];
	[tilespmem:s9+$0x280] =	vst v27  }
0x440: {  	v27 =	vld.idx.msk [tilespmem:v42+s20+$0x0], $0xffff;
	[tilespmem:s15+$0x300] =	vst v29  }
0x441: {  	v29 =	vld.idx.msk [tilespmem:v61+s20+$0x0], $0xffff;
	[tilespmem:s10+$0x300] =	vst v24  }
0x442: {  	v19 =	vld.idx.msk [tilespmem:v19+s20+$0x0], $0xffff  }
0x443: {  	v62 =	vld.idx.msk [tilespmem:v2+s20+$0x0], $0xffff;
	[tilespmem:s11+$0x280] =	vst v0  }
0x444: {  	v0 =	vld.idx.msk [tilespmem:v22+s20+$0x0], $0xffff  }
0x445: {  	s2 =	sor.u32 s12, s28;
	v22 =	vor.u32 $0x7, v48;
	v23 =	vld.idx.msk [tilespmem:v23+s20+$0x0], $0xffff  }
0x446: {  	[tilespmem:s2+$0x0] =	vst v29  }
0x447: {  	v37 =	vld.idx.msk [tilespmem:v14+s20+$0x0], $0xffff;
	[tilespmem:s10+$0x380] =	vst v19  }
0x448: {  	v19 =	vld.idx.msk [tilespmem:v1+s20+$0x0], $0xffff  }
0x449: {  	v1 =	vld [tilespmem:$0x1F880]  }
0x44a: {  	s6 =	sor.u32 s30, s24;
	s24 =	sor.u32 s16, s24;
	v59 =	vor.u32 $0xA, v25;
	v22 =	vld.idx.msk [tilespmem:v22+s20+$0x0], $0xffff;
	[tilespmem:s9+$0x300] =	vst v23  }
0x44b: {  	v45 =	vmov v38;
	s25 =	sadd.s32 $0xF880, s8;
	[tilespmem:s24+$0x0] =	vst v62;
	v17 =	vld.idx.msk [tilespmem:v17+s20+$0x0], $0xffff  }
0x44c: {  	s13 =	sor.u32 s30, s28;
	s23 =	sor.u32 s16, s28;
	s28 =	sor.u32 s7, s25;
	[tilespmem:s11+$0x300] =	vst v0;
	v0 =	vld [tilespmem:$0x1F850]  }
0x44d: {  	[tilespmem:s28+$0x0] =	vst v27  }
0x44e: {  	[tilespmem:s6+$0x0] =	vst v37  }
0x44f: {  	v23 =	vld.idx.msk [tilespmem:v59+s20+$0x0], $0xffff;
	[tilespmem:s15+$0x380] =	vst v22  }
0x450: {  	v22 =	vld.idx.msk [tilespmem:v45+s20+$0x0], $0xffff;
	[tilespmem:s9+$0x380] =	vst v17  }
0x451: {  	v14 =	vld.idx.msk [tilespmem:v1+s20+$0x0], $0xffff  }
0x452: {  	[tilespmem:$0x1FC10] =	vst v18;
	v18 =	vor.u32 $0x8, v48;
	v1 =	vld [tilespmem:$0x1F8B0];
	_ =	sdelay $0x1  }
0x453: {  	v0 =	vld.idx.msk [tilespmem:v0+s20+$0x0], $0xffff;
	_ =	sdelay $0x1  }
0x454: {  	s24 =	sadd.s32 $0xD800, s14;
	v24 =	vld.idx.msk [tilespmem:v15+s20+$0x0], $0xffff  }
0x455: {  	s28 =	sor.u32 s1, s24;
	v18 =	vld.idx.msk [tilespmem:v18+s20+$0x0], $0xffff;
	[tilespmem:s13+$0x0] =	vst v22  }
0x456: {  	v22 =	vld.idx.msk [tilespmem:v44+s20+$0x0], $0xffff;
	[tilespmem:s28+$0x0] =	vst v19  }
0x457: {  	v27 =	vor.u32 $0xB, v25;
	[tilespmem:s11+$0x380] =	vst v0;
	v0 =	vld [tilespmem:$0x1F870]  }
0x458: {  	[tilespmem:$0x1F8D0] =	vst v35;
	v19 =	vld.idx.msk [tilespmem:v1+s20+$0x0], $0xffff  }
0x459: {  	s5 =	sor.u32 s30, s22;
	s15 =	sadd.s32 $0xF900, s8;
	v1 =	vld [tilespmem:$0x1F8D0]  }
0x45a: {  	s18 =	sor.u32 s12, s22;
	s4 =	sor.u32 s16, s22;
	s22 =	sor.u32 s7, s15  }
0x45b: {  	v15 =	vor.u32 $0x9, v48;
	[tilespmem:s22+$0x0] =	vst v23  }
0x45c: {  	v17 =	vld.idx.msk [tilespmem:v27+s20+$0x0], $0xffff  }
0x45d: {  	s22 =	sor.u32 s29, s24  }
0x45e: {  	s31 =	sor.u32 s16, s25;
	s3 =	sor.u32 s30, s25;
	[tilespmem:s22+$0x0] =	vst v18  }
0x45f: {  	s19 =	sor.u32 s12, s25;
	s25 =	sor.u32 s26, s24;
	v0 =	vld.idx.msk [tilespmem:v0+s20+$0x0], $0xffff;
	[tilespmem:s23+$0x0] =	vst v24;
	s23 =	sadd.s32 $0xF980, s8  }
0x460: {  	v15 =	vld.idx.msk [tilespmem:v15+s20+$0x0], $0xffff;
	[tilespmem:s25+$0x0] =	vst v14;
	s25 =	sor.u32 s7, s23  }
0x461: {  	[tilespmem:s25+$0x0] =	vst v17;
	v17 =	vld.idx.msk [tilespmem:v1+s20+$0x0], $0xffff  }
0x462: {  	v1 =	vld [tilespmem:$0x1F8E0];
	_ =	sdelay $0x1  }
0x463: {  	v23 =	vor.u32 $0xC, v25;
	_ =	sdelay $0x2  }
0x464: {  	s6 =	sor.u32 s30, s15;
	s2 =	sor.u32 s12, s15;
	s10 =	sor.u32 s16, s15  }
0x465: {  	s9 =	sor.u32 s21, s24;
	s15 =	sadd.s32 $0xD880, s14;
	s24 =	sor.u32 s30, s23  }
0x466: {  	[tilespmem:s18+$0x0] =	vst v22;
	s28 =	sor.u32 s12, s23;
	s13 =	sor.u32 s16, s23;
	s23 =	sor.u32 s29, s15;
	v14 =	vld.idx.msk [tilespmem:v23+s20+$0x0], $0xffff  }
0x467: {  	[tilespmem:s23+$0x0] =	vst v15;
	v15 =	vld.idx.msk [tilespmem:v1+s20+$0x0], $0xffff  }
0x468: {  	v1 =	vld [tilespmem:$0x1F8F0];
	_ =	sdelay $0x5  }
0x469: {  	v47 =	vmov v39;
	s22 =	sor.u32 s1, s15  }
0x46a: {  	v7 =	vor.u32 $0x4, v53;
	[tilespmem:s22+$0x0] =	vst v19  }
0x46b: {  	v44 =	vmov v7;
	v7 =	vld.idx.msk [tilespmem:v1+s20+$0x0], $0xffff  }
0x46c: {  	v1 =	vld [tilespmem:$0x1F910]  }
0x46d: {  	v11 =	vld.idx.msk [tilespmem:v11+s20+$0x0], $0xffff  }
0x46e: {  	v18 =	vld.idx.msk [tilespmem:v47+s20+$0x0], $0xffff  }
0x46f: {  	[tilespmem:s9+$0x0] =	vst v0;
	v0 =	vld [tilespmem:$0x1F8C0];
	_ =	sdelay $0x2  }
0x470: {  	v6 =	vor.u32 $0x4, v51;
	s11 =	sor.u32 s26, s15  }
0x471: {  	v45 =	vmov v6;
	v6 =	vor.u32 $0xA, v48;
	[tilespmem:s11+$0x0] =	vst v11  }
0x472: {  	v11 =	vld.idx.msk [tilespmem:v1+s20+$0x0], $0xffff  }
0x473: {  	v1 =	vld [tilespmem:$0x1F920];
	_ =	sdelay $0x1  }
0x474: {  	v0 =	vld.idx.msk [tilespmem:v0+s20+$0x0], $0xffff;
	[tilespmem:s4+$0x0] =	vst v18;
	v18 =	vor.u32 $0xD, v25  }
0x475: {  	v6 =	vld.idx.msk [tilespmem:v6+s20+$0x0], $0xffff  }
0x476: {  	s9 =	sadd.s32 $0xFA00, s8  }
0x477: {  	s11 =	sor.u32 s7, s9  }
0x478: {  	s25 =	sor.u32 s21, s15;
	s15 =	sadd.s32 $0xD900, s14;
	[tilespmem:s11+$0x0] =	vst v14  }
0x479: {  	s23 =	sor.u32 s29, s15;
	v14 =	vld.idx.msk [tilespmem:v18+s20+$0x0], $0xffff;
	[tilespmem:s5+$0x0] =	vst v17  }
0x47a: {  	[tilespmem:s23+$0x0] =	vst v6;
	v6 =	vld.idx.msk [tilespmem:v1+s20+$0x0], $0xffff  }
0x47b: {  	v1 =	vld [tilespmem:$0x1F930]  }
0x47c: {  	v8 =	vor.u32 $0x3, v50  }
0x47d: {  	v47 =	vmov v8;
	v8 =	vor.u32 $0xB, v48;
	_ =	sdelay $0x3  }
0x47e: {  	s22 =	sor.u32 s1, s15;
	[tilespmem:s19+$0x0] =	vst v15  }
0x47f: {  	[tilespmem:s22+$0x0] =	vst v7;
	v7 =	vld.idx.msk [tilespmem:v8+s20+$0x0], $0xffff  }
0x480: {  	v8 =	vld.idx.msk [tilespmem:v1+s20+$0x0], $0xffff  }
0x481: {  	v1 =	vld [tilespmem:$0x1F950];
	_ =	sdelay $0x2  }
0x482: {  	[tilespmem:s25+$0x0] =	vst v0;
	v0 =	vld [tilespmem:$0x1F900];
	_ =	sdelay $0x2  }
0x483: {  	s5 =	sor.u32 s26, s15  }
0x484: {  	[tilespmem:s5+$0x0] =	vst v11  }
0x485: {  	[tilespmem:$0x1F960] =	vst v32;
	v18 =	vld.idx.msk [tilespmem:v1+s20+$0x0], $0xffff  }
0x486: {  	v1 =	vld [tilespmem:$0x1F960];
	_ =	sdelay $0x1  }
0x487: {  	v0 =	vld.idx.msk [tilespmem:v0+s20+$0x0], $0xffff;
	_ =	sdelay $0x2  }
0x488: {  	s18 =	sor.u32 s12, s9  }
0x489: {  	[tilespmem:$0x1F970] =	vst v34;
	s4 =	sor.u32 s16, s9;
	s25 =	sor.u32 s30, s9;
	s9 =	sor.u32 s21, s15;
	v15 =	vld.idx.msk [tilespmem:v13+s20+$0x0], $0xffff  }
0x48a: {  	[tilespmem:s9+$0x0] =	vst v0;
	v0 =	vld [tilespmem:$0x1F940]  }
0x48b: {  	[tilespmem:s3+$0x0] =	vst v6;
	v6 =	vld.idx.msk [tilespmem:v1+s20+$0x0], $0xffff  }
0x48c: {  	v1 =	vld [tilespmem:$0x1F970]  }
0x48d: {  	v17 =	vor.u32 $0xE, v25;
	_ =	sdelay $0x1  }
0x48e: {  	s11 =	sadd.s32 $0xFA80, s8  }
0x48f: {  	s15 =	sor.u32 s7, s11  }
0x490: {  	[tilespmem:s15+$0x0] =	vst v14  }
0x491: {  	s9 =	sadd.s32 $0xD980, s14;
	v14 =	vld.idx.msk [tilespmem:v17+s20+$0x0], $0xffff  }
0x492: {  	s22 =	sor.u32 s29, s9;
	v0 =	vld.idx.msk [tilespmem:v0+s20+$0x0], $0xffff;
	[tilespmem:s31+$0x0] =	vst v15  }
0x493: {  	[tilespmem:s22+$0x0] =	vst v7;
	v7 =	vld.idx.msk [tilespmem:v1+s20+$0x0], $0xffff  }
0x494: {  	v1 =	vld [tilespmem:$0x1F980];
	_ =	sdelay $0x1  }
0x495: {  	v11 =	vor.u32 $0xC, v48;
	_ =	sdelay $0x3  }
0x496: {  	s15 =	sor.u32 s1, s9  }
0x497: {  	[tilespmem:s15+$0x0] =	vst v8;
	v8 =	vld.idx.msk [tilespmem:v11+s20+$0x0], $0xffff  }
0x498: {  	v11 =	vld.idx.msk [tilespmem:v1+s20+$0x0], $0xffff  }
0x499: {  	v1 =	vld [tilespmem:$0x1F9A0];
	_ =	sdelay $0x4  }
0x49a: {  	s23 =	sor.u32 s16, s11  }
0x49b: {  	s19 =	sor.u32 s30, s11;
	s5 =	sor.u32 s12, s11;
	s11 =	sor.u32 s26, s9  }
0x49c: {  	[tilespmem:s11+$0x0] =	vst v18  }
0x49d: {  	v18 =	vld.idx.msk [tilespmem:v1+s20+$0x0], $0xffff  }
0x49e: {  	v1 =	vld [tilespmem:$0x1F9B0];
	_ =	sdelay $0x5  }
0x49f: {  	s9 =	sor.u32 s21, s9;
	s15 =	sadd.s32 $0xFB00, s8  }
0x4a0: {  	s22 =	sor.u32 s7, s15;
	[tilespmem:s9+$0x0] =	vst v0;
	v0 =	vld [tilespmem:$0x1F990]  }
0x4a1: {  	[tilespmem:s22+$0x0] =	vst v14;
	v14 =	vld.idx.msk [tilespmem:v1+s20+$0x0], $0xffff  }
0x4a2: {  	v1 =	vld [tilespmem:$0x1F9C0];
	_ =	sdelay $0x6  }
0x4a3: {  	v0 =	vld.idx.msk [tilespmem:v0+s20+$0x0], $0xffff;
	[tilespmem:s2+$0x0] =	vst v6  }
0x4a4: {  	[tilespmem:s10+$0x0] =	vst v7;
	v7 =	vld.idx.msk [tilespmem:v1+s20+$0x0], $0xffff  }
0x4a5: {  	v1 =	vld [tilespmem:$0x1F9D0];
	_ =	sdelay $0x3  }
0x4a6: {  	s3 =	sor.u32 s12, s15  }
0x4a7: {  	s11 =	sor.u32 s16, s15;
	s9 =	sor.u32 s30, s15;
	s15 =	sadd.s32 $0xDA00, s14  }
0x4a8: {  	s31 =	sor.u32 s1, s15  }
0x4a9: {  	[tilespmem:s31+$0x0] =	vst v11  }
0x4aa: {  	v11 =	vld.idx.msk [tilespmem:v1+s20+$0x0], $0xffff  }
0x4ab: {  	v1 =	vld [tilespmem:$0x1F9F0];
	_ =	sdelay $0x1  }
0x4ac: {  	v15 =	vor.u32 $0xF, v25;
	_ =	sdelay $0x3  }
0x4ad: {  	s2 =	sor.u32 s26, s15  }
0x4ae: {  	v6 =	vld.idx.msk [tilespmem:v15+s20+$0x0], $0xffff;
	[tilespmem:s2+$0x0] =	vst v18  }
0x4af: {  	v15 =	vld.idx.msk [tilespmem:v1+s20+$0x0], $0xffff  }
0x4b0: {  	v1 =	vld [tilespmem:$0x1FA00];
	_ =	sdelay $0x1  }
0x4b1: {  	v17 =	vor.u32 $0xD, v48;
	_ =	sdelay $0x2  }
0x4b2: {  	s22 =	sor.u32 s29, s15  }
0x4b3: {  	s15 =	sor.u32 s21, s15;
	[tilespmem:s22+$0x0] =	vst v8;
	s31 =	sadd.s32 $0xFB80, s8  }
0x4b4: {  	v8 =	vld.idx.msk [tilespmem:v17+s20+$0x0], $0xffff;
	[tilespmem:s15+$0x0] =	vst v0;
	s22 =	sor.u32 s7, s31  }
0x4b5: {  	[tilespmem:s22+$0x0] =	vst v6;
	v6 =	vld.idx.msk [tilespmem:v1+s20+$0x0], $0xffff  }
0x4b6: {  	v1 =	vld [tilespmem:$0x1FA10];
	_ =	sdelay $0x4  }
0x4b7: {  	v30 =	vor.u32 $0x8, v50;
	v35 =	vor.u32 $0x7, v51;
	_ =	sdelay $0x1  }
0x4b8: {  	v12 =	vor.u32 $0xB, v53;
	[tilespmem:s6+$0x0] =	vst v14  }
0x4b9: {  	v61 =	vmov v35;
	v35 =	vmov v30;
	v30 =	vmov v12;
	v12 =	vld.idx.msk [tilespmem:v1+s20+$0x0], $0xffff  }
0x4ba: {  	v1 =	vld [tilespmem:$0x1FA20];
	_ =	sdelay $0x1  }
0x4bb: {  	v34 =	vor.u32 $0x7, v53;
	v21 =	vor.u32 $0xA, v53;
	_ =	sdelay $0x2  }
0x4bc: {  	v42 =	vmov v34;
	v34 =	vmov v21;
	v21 =	vmov v1;
	v1 =	vld [tilespmem:$0x1FA30];
	_ =	sdelay $0x6  }
0x4bd: {  	[tilespmem:s28+$0x0] =	vst v7  }
0x4be: {  	v7 =	vld.idx.msk [tilespmem:v1+s20+$0x0], $0xffff  }
0x4bf: {  	v1 =	vld [tilespmem:$0x1FA40];
	_ =	sdelay $0x1  }
0x4c0: {  	v0 =	vld [tilespmem:$0x1F9E0];
	_ =	sdelay $0x1  }
0x4c1: {  	s8 =	smov.u32 s14;
	s14 =	sor.u32 s30, s31;
	s15 =	sor.u32 s12, s31  }
0x4c2: {  	v28 =	vor.u32 $0x9, v53;
	s12 =	smov.u32 s1;
	s30 =	smov.u32 s26;
	s26 =	sadd.s32 $0xDA80, s8  }
0x4c3: {  	s10 =	sor.u32 s16, s31;
	s31 =	sor.u32 s12, s26  }
0x4c4: {  	v9 =	vor.u32 $0xA, v50;
	[tilespmem:s31+$0x0] =	vst v11  }
0x4c5: {  	v37 =	vmov v28;
	v28 =	vmov v9;
	v9 =	vld.idx.msk [tilespmem:v1+s20+$0x0], $0xffff  }
0x4c6: {  	v1 =	vld [tilespmem:$0x1FA70]  }
0x4c7: {  	v0 =	vld.idx.msk [tilespmem:v0+s20+$0x0], $0xffff;
	_ =	sdelay $0x2  }
0x4c8: {  	s16 =	smov.u32 s21  }
0x4c9: {  	s1 =	sor.u32 s16, s26  }
0x4ca: {  	s7 =	smov.u32 s29;
	s29 =	sor.u32 s30, s26;
	[tilespmem:s1+$0x0] =	vst v0  }
0x4cb: {  	v0 =	vld [tilespmem:$0x1FA50];
	[tilespmem:s29+$0x0] =	vst v15  }
0x4cc: {  	v11 =	vld.idx.msk [tilespmem:v1+s20+$0x0], $0xffff  }
0x4cd: {  	v1 =	vld [tilespmem:$0x1FA80];
	_ =	sdelay $0x6  }
0x4ce: {  	v0 =	vld.idx.msk [tilespmem:v0+s20+$0x0], $0xffff;
	[tilespmem:s13+$0x0] =	vst v6  }
0x4cf: {  	v6 =	vld.idx.msk [tilespmem:v1+s20+$0x0], $0xffff  }
0x4d0: {  	v1 =	vld [tilespmem:$0x1FA90];
	_ =	sdelay $0x6  }
0x4d1: {  	[tilespmem:s24+$0x0] =	vst v12  }
0x4d2: {  	v3 =	vld.idx.msk [tilespmem:v1+s20+$0x0], $0xffff  }
0x4d3: {  	v1 =	vld [tilespmem:$0x1FAA0];
	_ =	sdelay $0x4  }
0x4d4: {  	v19 =	vmov v1;
	v1 =	vld [tilespmem:$0x1FAB0];
	_ =	sdelay $0x4  }
0x4d5: {  	v49 =	vor.u32 $0x6, v50;
	_ =	sdelay $0x1  }
0x4d6: {  	v4 =	vor.u32 $0x3, v53;
	v13 =	vor.u32 $0xE, v48;
	[tilespmem:s18+$0x0] =	vst v7  }
0x4d7: {  	v40 =	vmov v49;
	v49 =	vmov v4;
	v4 =	vld.idx.msk [tilespmem:v1+s20+$0x0], $0xffff  }
0x4d8: {  	v1 =	vld [tilespmem:$0x1FAD0]  }
0x4d9: {  	s22 =	sor.u32 s7, s26  }
0x4da: {  	[tilespmem:s22+$0x0] =	vst v8  }
0x4db: {  	v8 =	vld.idx.msk [tilespmem:v13+s20+$0x0], $0xffff;
	_ =	sdelay $0x1  }
0x4dc: {  	s26 =	sadd.s32 $0xDB00, s8  }
0x4dd: {  	s29 =	sor.u32 s12, s26  }
0x4de: {  	s31 =	sor.u32 s7, s26;
	[tilespmem:s29+$0x0] =	vst v9  }
0x4df: {  	v31 =	vor.u32 $0x9, v51;
	v39 =	vor.u32 $0x6, v53;
	v33 =	vor.u32 $0x8, v53;
	[tilespmem:s31+$0x0] =	vst v8;
	v8 =	vld.idx.msk [tilespmem:v1+s20+$0x0], $0xffff  }
0x4e0: {  	v1 =	vld [tilespmem:$0x1FAE0]  }
0x4e1: {  	v26 =	vor.u32 $0x9, v50  }
0x4e2: {  	v54 =	vmovc v39;
	v39 =	vmov v33;
	v33 =	vmov v31;
	v31 =	vmov v26;
	v26 =	vld [tilespmem:$0x1FFF0];
	_ =	sdelay $0x1  }
0x4e3: {  	s21 =	sadd.s32 $0x230, s0  }
0x4e4: {  	s1 =	sor.u32 s16, s26;
	v7 =	vmov s21  }
0x4e5: {  	[tilespmem:s1+$0x0] =	vst v0;
	v0 =	vshll.u32 v7, $0x4  }
0x4e6: {  	v25 =	vor.u32 v26, v0;
	v0 =	vld [tilespmem:$0x1FAF0]  }
0x4e7: {  	v7 =	vld.idx.msk [tilespmem:v1+s20+$0x0], $0xffff  }
0x4e8: {  	v1 =	vld [tilespmem:$0x1FB00];
	_ =	sdelay $0x4  }
0x4e9: {  	s28 =	sor.u32 s30, s26  }
0x4ea: {  	[tilespmem:s28+$0x0] =	vst v11  }
0x4eb: {  	v0 =	vld.idx.msk [tilespmem:v0+s20+$0x0], $0xffff;
	[tilespmem:s4+$0x0] =	vst v6  }
0x4ec: {  	[tilespmem:s25+$0x0] =	vst v3;
	v3 =	vld.idx.msk [tilespmem:v1+s20+$0x0], $0xffff  }
0x4ed: {  	v1 =	vld [tilespmem:$0x1FB20];
	_ =	sdelay $0x7  }
0x4ee: {  	v6 =	vld.idx.msk [tilespmem:v1+s20+$0x0], $0xffff  }
0x4ef: {  	v1 =	vld [tilespmem:$0x1FB30];
	_ =	sdelay $0x3  }
0x4f0: {  	v32 =	vor.u32 $0x8, v51;
	v20 =	vor.u32 $0xA, v51  }
0x4f1: {  	v15 =	vmov v1;
	v1 =	vld [tilespmem:$0x1FB40]  }
0x4f2: {  	v10 =	vor.u32 $0xC, v51;
	v55 =	vor.u32 $0xD, v51;
	s22 =	sadd.s32 $0xDB80, s8  }
0x4f3: {  	v36 =	vmovc v32;
	v32 =	vmovc v20;
	v20 =	vmov v55;
	v55 =	vld [tilespmem:$0x1FAC0];
	v23 =	vmov v10;
	v10 =	vor.u32 $0xF, v48;
	s24 =	sor.u32 s30, s22  }
0x4f4: {  	[tilespmem:s24+$0x0] =	vst v0;
	v0 =	vld [tilespmem:$0x1FB90]  }
0x4f5: {  	v2 =	vld [tilespmem:$0x1FBE0]  }
0x4f6: {  	v27 =	vld [tilespmem:$0x1F8A0]  }
0x4f7: {  	v5 =	vor.u32 $0xC, v53;
	v24 =	vld [tilespmem:$0x1F890]  }
0x4f8: {  	v22 =	vmov v5;
	v5 =	vld.idx.msk [tilespmem:v10+s20+$0x0], $0xffff;
	[tilespmem:s5+$0x0] =	vst v4  }
0x4f9: {  	s1 =	sor.u32 s16, s22;
	v9 =	vld.idx.msk [tilespmem:v1+s20+$0x0], $0xffff  }
0x4fa: {  	[tilespmem:s1+$0x0] =	vst v7;
	v1 =	vld [tilespmem:$0x1FB50]  }
0x4fb: {  	v7 =	vld.idx.msk [tilespmem:v53+s20+$0x0], $0xffff;
	[tilespmem:s23+$0x0] =	vst v3  }
0x4fc: {  	v16 =	vor.u32 $0xB, v51;
	v4 =	vld.idx.msk [tilespmem:v0+s20+$0x0], $0xffff  }
0x4fd: {  	v0 =	vld [tilespmem:$0x1FBA0]  }
0x4fe: {  	v48 =	vld [tilespmem:$0x1FA60]  }
0x4ff: {  	v57 =	vor.u32 $0xD, v53;
	v29 =	vmov v16;
	s26 =	sor.u32 s7, s22;
	v16 =	vmov v1;
	v1 =	vld [tilespmem:$0x1FBC0]  }
0x500: {  	v17 =	vmov v57;
	v57 =	vld [tilespmem:$0x1FB10];
	[tilespmem:s26+$0x0] =	vst v5;
	s25 =	sor.u32 s12, s22  }
0x501: {  	[tilespmem:s25+$0x0] =	vst v8;
	v8 =	vld.idx.msk [tilespmem:v25+s20+$0x0], $0xffff  }
0x502: {  	v12 =	vmov v0;
	v0 =	vld [tilespmem:$0x1FBB0]  }
0x503: {  	v10 =	vld.idx.msk [tilespmem:v51+s20+$0x0], $0xffff  }
0x504: {  	[tilespmem:s3+$0x0] =	vst v9;
	v9 =	vmov v1;
	v1 =	vld [tilespmem:$0x1FBD0]  }
0x505: {  	v11 =	vor.u32 $0x1, v25;
	v3 =	vld [tilespmem:$0x1FBF0]  }
0x506: {  	v46 =	vor.u32 $0xF, v53;
	v53 =	vld [tilespmem:$0x1FB70]  }
0x507: {  	s28 =	sadd.s32 $0xE800, s8;
	v5 =	vld.idx.msk [tilespmem:v50+s20+$0x0], $0xffff  }
0x508: {  	v63 =	vor.u32 $0x7, v50;
	v52 =	vor.u32 $0xF, v50;
	s31 =	sor.u32 s7, s28;
	v50 =	vld [tilespmem:$0x1FB80]  }
.Ltmp3:
0x509: {  	v38 =	vor.u32 $0x6, v51;
	v51 =	vld [tilespmem:$0x1FB60];
	[tilespmem:s31+$0x0] =	vst v8;
	(pc) =	sbr.rel @p0 .LBB2_5-.Ltmp3, $4  }
0x50a: {  	[tilespmem:s19+$0x0] =	vst v6;
	v8 =	vmov v2;
	v2 =	vld.idx.msk [tilespmem:v11+s20+$0x0], $0xffff  }
0x50b: {  	s29 =	sor.u32 s12, s28;
	v0 =	vld.idx.msk [tilespmem:v0+s20+$0x0], $0xffff  }
0x50c: {  	s6 =	rddreg [dreg:$0x6];
	s2 =	sor.u32 s16, s28;
	v1 =	vld.idx.msk [tilespmem:v1+s20+$0x0], $0xffff;
	[tilespmem:s29+$0x0] =	vst v10  }
0x50d: {  	v43 =	vmov v38;
	v38 =	vmov v63;
	s0 =	sadd.s32 $0x40, s0;
	s18 =	rddreg [dreg:$0x4];
	s1 =	sor.u32 s30, s28;
	[tilespmem:s2+$0x0] =	vst v7;
	v3 =	vld.idx.msk [tilespmem:v3+s20+$0x0], $0xffff  }
0x50e: {  	_ =	sdelay $0x2  }
0x50f: {  	v6 =	vor.u32 $0x2, v25  }
0x510: {  	[tilespmem:s1+$0x0] =	vst v5;
	v10 =	vld.idx.msk [tilespmem:v57+s20+$0x0], $0xffff  }
0x511: {  	s0 =	sadd.s32 $0xE880, s8;
	v7 =	vld.idx.msk [tilespmem:v48+s20+$0x0], $0xffff  }
0x512: {  	s21 =	sor.u32 s7, s0  }
0x513: {  	s22 =	sor.u32 s12, s0;
	[tilespmem:s21+$0x0] =	vst v2  }
0x514: {  	s23 =	sor.u32 s16, s0;
	[tilespmem:s22+$0x0] =	vst v3;
	v2 =	vld.idx.msk [tilespmem:v6+s20+$0x0], $0xffff  }
0x515: {  	v11 =	vor.u32 $0x3, v25;
	s0 =	sor.u32 s30, s0;
	v3 =	vld.idx.msk [tilespmem:v55+s20+$0x0], $0xffff;
	[tilespmem:s23+$0x0] =	vst v10  }
0x516: {  	[tilespmem:s0+$0x0] =	vst v7;
	v13 =	vld.idx.msk [tilespmem:v53+s20+$0x0], $0xffff  }
0x517: {  	s24 =	sadd.s32 $0xE900, s8;
	v7 =	vld.idx.msk [tilespmem:v50+s20+$0x0], $0xffff  }
0x518: {  	s25 =	sor.u32 s7, s24  }
0x519: {  	s26 =	sor.u32 s12, s24;
	[tilespmem:s25+$0x0] =	vst v2  }
0x51a: {  	s28 =	sor.u32 s16, s24;
	[tilespmem:s26+$0x0] =	vst v3;
	v2 =	vld.idx.msk [tilespmem:v11+s20+$0x0], $0xffff  }
0x51b: {  	v14 =	vor.u32 $0x4, v25;
	s0 =	sor.u32 s30, s24;
	[tilespmem:s28+$0x0] =	vst v13;
	v3 =	vld.idx.msk [tilespmem:v51+s20+$0x0], $0xffff  }
0x51c: {  	[tilespmem:s0+$0x0] =	vst v7;
	v6 =	vld.idx.msk [tilespmem:v49+s20+$0x0], $0xffff  }
0x51d: {  	s29 =	sadd.s32 $0xE980, s8;
	v7 =	vld.idx.msk [tilespmem:v47+s20+$0x0], $0xffff  }
0x51e: {  	s31 =	sor.u32 s7, s29  }
0x51f: {  	s2 =	sor.u32 s12, s29;
	[tilespmem:s31+$0x0] =	vst v2  }
0x520: {  	s3 =	sor.u32 s16, s29;
	[tilespmem:s2+$0x0] =	vst v3;
	v2 =	vld.idx.msk [tilespmem:v14+s20+$0x0], $0xffff  }
0x521: {  	s0 =	sor.u32 s30, s29;
	[tilespmem:s3+$0x0] =	vst v6;
	v41 =	vld.idx.msk [tilespmem:v45+s20+$0x0], $0xffff  }
0x522: {  	[tilespmem:s0+$0x0] =	vst v7;
	v6 =	vld.idx.msk [tilespmem:v44+s20+$0x0], $0xffff  }
0x523: {  	s4 =	sadd.s32 $0xEA00, s8;
	v7 =	vld.idx.msk [tilespmem:v56+s20+$0x0], $0xffff  }
0x524: {  	s5 =	sor.u32 s7, s4  }
0x525: {  	s6 =	sor.u32 s12, s4;
	[tilespmem:s5+$0x0] =	vst v2  }
0x526: {  	s13 =	sor.u32 s16, s4;
	[tilespmem:s6+$0x0] =	vst v41  }
0x527: {  	s0 =	sor.u32 s30, s4;
	[tilespmem:s13+$0x0] =	vst v6  }
0x528: {  	v5 =	vld [tilespmem:$0x1FC00];
	[tilespmem:s0+$0x0] =	vst v7  }
0x529: {  	v18 =	vor.u32 $0x5, v25;
	v6 =	vld [tilespmem:$0x1FC10];
	_ =	sdelay $0x4  }
0x52a: {  	v2 =	vld.idx.msk [tilespmem:v18+s20+$0x0], $0xffff  }
0x52b: {  	v44 =	vor.u32 $0x6, v25;
	v7 =	vld.idx.msk [tilespmem:v58+s20+$0x0], $0xffff  }
0x52c: {  	v5 =	vld.idx.msk [tilespmem:v5+s20+$0x0], $0xffff  }
0x52d: {  	s18 =	sadd.s32 $0xEA80, s8;
	v6 =	vld.idx.msk [tilespmem:v6+s20+$0x0], $0xffff  }
0x52e: {  	s19 =	sor.u32 s7, s18  }
0x52f: {  	s0 =	sor.u32 s30, s18;
	[tilespmem:s19+$0x0] =	vst v2  }
0x530: {  	s21 =	sor.u32 s12, s18;
	v2 =	vld.idx.msk [tilespmem:v44+s20+$0x0], $0xffff;
	[tilespmem:s0+$0x0] =	vst v7  }
0x531: {  	s22 =	sor.u32 s16, s18;
	v45 =	vor.u32 $0x7, v25;
	v7 =	vld.idx.msk [tilespmem:v40+s20+$0x0], $0xffff;
	[tilespmem:s21+$0x0] =	vst v5  }
0x532: {  	[tilespmem:s22+$0x0] =	vst v6;
	v5 =	vld.idx.msk [tilespmem:v43+s20+$0x0], $0xffff  }
0x533: {  	s23 =	sadd.s32 $0xEB00, s8;
	v6 =	vld.idx.msk [tilespmem:v54+s20+$0x0], $0xffff  }
0x534: {  	s24 =	sor.u32 s7, s23  }
0x535: {  	s0 =	sor.u32 s30, s23;
	[tilespmem:s24+$0x0] =	vst v2  }
0x536: {  	s25 =	sor.u32 s12, s23;
	v2 =	vld.idx.msk [tilespmem:v45+s20+$0x0], $0xffff;
	[tilespmem:s0+$0x0] =	vst v7  }
0x537: {  	s26 =	sor.u32 s16, s23;
	v47 =	vor.u32 $0x8, v25;
	v7 =	vld.idx.msk [tilespmem:v38+s20+$0x0], $0xffff;
	[tilespmem:s25+$0x0] =	vst v5  }
0x538: {  	[tilespmem:s26+$0x0] =	vst v6;
	v5 =	vld.idx.msk [tilespmem:v61+s20+$0x0], $0xffff  }
0x539: {  	s28 =	sadd.s32 $0xEB80, s8;
	v6 =	vld.idx.msk [tilespmem:v42+s20+$0x0], $0xffff  }
0x53a: {  	s29 =	sor.u32 s7, s28  }
0x53b: {  	s0 =	sor.u32 s30, s28;
	[tilespmem:s29+$0x0] =	vst v2  }
0x53c: {  	s31 =	sor.u32 s12, s28;
	v2 =	vld.idx.msk [tilespmem:v47+s20+$0x0], $0xffff;
	[tilespmem:s0+$0x0] =	vst v7  }
0x53d: {  	v48 =	vor.u32 $0x9, v25;
	s2 =	sor.u32 s16, s28;
	v7 =	vld.idx.msk [tilespmem:v35+s20+$0x0], $0xffff;
	[tilespmem:s31+$0x0] =	vst v5  }
0x53e: {  	[tilespmem:s2+$0x0] =	vst v6;
	v5 =	vld.idx.msk [tilespmem:v36+s20+$0x0], $0xffff  }
0x53f: {  	s3 =	sadd.s32 $0xF800, s8;
	v6 =	vld.idx.msk [tilespmem:v39+s20+$0x0], $0xffff  }
0x540: {  	s4 =	sor.u32 s7, s3  }
0x541: {  	s0 =	sor.u32 s30, s3;
	[tilespmem:s4+$0x0] =	vst v2  }
0x542: {  	s5 =	sor.u32 s12, s3;
	v2 =	vld.idx.msk [tilespmem:v48+s20+$0x0], $0xffff;
	[tilespmem:s0+$0x0] =	vst v7  }
0x543: {  	v49 =	vor.u32 $0xA, v25;
	s6 =	sor.u32 s16, s3;
	v7 =	vld.idx.msk [tilespmem:v31+s20+$0x0], $0xffff;
	[tilespmem:s5+$0x0] =	vst v5  }
0x544: {  	[tilespmem:s6+$0x0] =	vst v6;
	v5 =	vld.idx.msk [tilespmem:v33+s20+$0x0], $0xffff  }
0x545: {  	s13 =	sadd.s32 $0xF880, s8;
	v6 =	vld.idx.msk [tilespmem:v37+s20+$0x0], $0xffff  }
0x546: {  	s18 =	sor.u32 s7, s13  }
0x547: {  	s0 =	sor.u32 s30, s13;
	[tilespmem:s18+$0x0] =	vst v2  }
0x548: {  	s19 =	sor.u32 s12, s13;
	v2 =	vld.idx.msk [tilespmem:v49+s20+$0x0], $0xffff;
	[tilespmem:s0+$0x0] =	vst v7  }
0x549: {  	v50 =	vor.u32 $0xB, v25;
	s21 =	sor.u32 s16, s13;
	v7 =	vld.idx.msk [tilespmem:v28+s20+$0x0], $0xffff;
	[tilespmem:s19+$0x0] =	vst v5  }
0x54a: {  	[tilespmem:s21+$0x0] =	vst v6;
	v5 =	vld.idx.msk [tilespmem:v32+s20+$0x0], $0xffff  }
0x54b: {  	s22 =	sadd.s32 $0xF900, s8;
	v6 =	vld.idx.msk [tilespmem:v34+s20+$0x0], $0xffff  }
0x54c: {  	s23 =	sor.u32 s7, s22  }
0x54d: {  	s0 =	sor.u32 s30, s22;
	[tilespmem:s23+$0x0] =	vst v2  }
0x54e: {  	s24 =	sor.u32 s12, s22;
	v2 =	vld.idx.msk [tilespmem:v50+s20+$0x0], $0xffff;
	[tilespmem:s0+$0x0] =	vst v7  }
0x54f: {  	v51 =	vor.u32 $0xC, v25;
	s25 =	sor.u32 s16, s22;
	v7 =	vld.idx.msk [tilespmem:v21+s20+$0x0], $0xffff;
	[tilespmem:s24+$0x0] =	vst v5  }
0x550: {  	[tilespmem:s25+$0x0] =	vst v6;
	v5 =	vld.idx.msk [tilespmem:v29+s20+$0x0], $0xffff  }
0x551: {  	s26 =	sadd.s32 $0xF980, s8;
	v6 =	vld.idx.msk [tilespmem:v30+s20+$0x0], $0xffff  }
0x552: {  	s28 =	sor.u32 s7, s26  }
0x553: {  	s0 =	sor.u32 s30, s26;
	[tilespmem:s28+$0x0] =	vst v2  }
0x554: {  	s29 =	sor.u32 s12, s26;
	v2 =	vld.idx.msk [tilespmem:v51+s20+$0x0], $0xffff;
	[tilespmem:s0+$0x0] =	vst v7  }
0x555: {  	v53 =	vor.u32 $0xD, v25;
	s31 =	sor.u32 s16, s26;
	v7 =	vld.idx.msk [tilespmem:v19+s20+$0x0], $0xffff;
	[tilespmem:s29+$0x0] =	vst v5  }
0x556: {  	v5 =	vld.idx.msk [tilespmem:v23+s20+$0x0], $0xffff;
	[tilespmem:s31+$0x0] =	vst v6  }
0x557: {  	s2 =	sadd.s32 $0xFA00, s8;
	v6 =	vld.idx.msk [tilespmem:v22+s20+$0x0], $0xffff  }
0x558: {  	s3 =	sor.u32 s7, s2  }
0x559: {  	s0 =	sor.u32 s30, s2;
	[tilespmem:s3+$0x0] =	vst v2  }
0x55a: {  	s4 =	sor.u32 s12, s2;
	v2 =	vld.idx.msk [tilespmem:v53+s20+$0x0], $0xffff;
	[tilespmem:s0+$0x0] =	vst v7  }
0x55b: {  	v54 =	vor.u32 $0xE, v25;
	s5 =	sor.u32 s16, s2;
	v7 =	vld.idx.msk [tilespmem:v15+s20+$0x0], $0xffff;
	[tilespmem:s4+$0x0] =	vst v5  }
0x55c: {  	[tilespmem:s5+$0x0] =	vst v6;
	v5 =	vld.idx.msk [tilespmem:v20+s20+$0x0], $0xffff  }
0x55d: {  	s6 =	sadd.s32 $0xFA80, s8;
	v6 =	vld.idx.msk [tilespmem:v17+s20+$0x0], $0xffff  }
0x55e: {  	[tilespmem:s11+$0x0] =	vst v4;
	s13 =	sor.u32 s7, s6  }
0x55f: {  	s0 =	sor.u32 s30, s6;
	[tilespmem:s13+$0x0] =	vst v2  }
0x560: {  	s18 =	sor.u32 s12, s6;
	v2 =	vld.idx.msk [tilespmem:v54+s20+$0x0], $0xffff;
	[tilespmem:s0+$0x0] =	vst v7  }
0x561: {  	v55 =	vor.u32 $0xF, v25;
	s19 =	sor.u32 s16, s6;
	v58 =	vld.idx.msk [tilespmem:v9+s20+$0x0], $0xffff;
	[tilespmem:s18+$0x0] =	vst v5  }
0x562: {  	[tilespmem:s19+$0x0] =	vst v6;
	v56 =	vld.idx.msk [tilespmem:v16+s20+$0x0], $0xffff  }
0x563: {  	[tilespmem:s9+$0x0] =	vst v0;
	s21 =	sadd.s32 $0xFB00, s8;
	v57 =	vld.idx.msk [tilespmem:v12+s20+$0x0], $0xffff  }
0x564: {  	[tilespmem:s15+$0x0] =	vst v1;
	v59 =	vld.idx.msk [tilespmem:v24+s20+$0x0], $0xffff;
	s22 =	sor.u32 s7, s21  }
0x565: {  	v60 =	vld.idx.msk [tilespmem:v27+s20+$0x0], $0xffff;
	s0 =	sor.u32 s30, s21;
	[tilespmem:s22+$0x0] =	vst v2  }
0x566: {  	s23 =	sor.u32 s12, s21;
	v2 =	vld.idx.msk [tilespmem:v55+s20+$0x0], $0xffff;
	[tilespmem:s0+$0x0] =	vst v58  }
0x567: {  	s24 =	sor.u32 s16, s21;
	v63 =	vld.idx.msk [tilespmem:v52+s20+$0x0], $0xffff;
	[tilespmem:s23+$0x0] =	vst v56  }
0x568: {  	[tilespmem:s24+$0x0] =	vst v57;
	v61 =	vld.idx.msk [tilespmem:v8+s20+$0x0], $0xffff  }
0x569: {  	[tilespmem:s10+$0x0] =	vst v59;
	s25 =	sadd.s32 $0xFB80, s8;
	v62 =	vld.idx.msk [tilespmem:v46+s20+$0x0], $0xffff  }
0x56a: {  	[tilespmem:s14+$0x0] =	vst v60;
	s26 =	sor.u32 s7, s25  }
0x56b: {  	s0 =	sor.u32 s30, s25;
	[tilespmem:s26+$0x0] =	vst v2  }
0x56c: {  	s28 =	sor.u32 s12, s25;
	[tilespmem:s0+$0x0] =	vst v63  }
0x56d: {  	s29 =	sor.u32 s16, s25;
	[tilespmem:s28+$0x0] =	vst v61  }
.Ltmp4:
0x56e: {  	[tilespmem:s29+$0x0] =	vst v62;
	(pc) =	sbr.rel @p1 .LBB2_8-.Ltmp4, $4  }
0x56f: {  	s0 =	rddreg [dreg:$0xe]  }
0x570: {  	s2 =	simm.s32 $0x20000;
	s1 =	rddreg [dreg:$0x13]  }
0x571: {  	s3 =	simm.s32 $0xC800;
	s31 =	simm.s32 $0x1000;
	s0 =	sadd.s32 s1, s0  }
0x572: {  	[hbm4b:s0+s31] =	stream.strided.scatter [tilespmem:s3], [sflag:$0x6], $0x4000, s2, s31, $0x38;
	[tilespmem:$0x10800] =	vst v63  }
0x573: {  	s0 =	rddreg [dreg:$0xd]  }
.Ltmp5:
0x574: {  	s1 =	rddreg [dreg:$0x12];
	(pc) =	sbr.rel .LBB2_2-.Ltmp5, $4  }
0x575: {  	s30 =	rddreg [dreg:$0x7];
	s2 =	simm.s32 $0x200;
	s0 =	sadd.s32 s0, s1  }
0x576: {  	s31 =	simm.s32 $0x4000;
	s15 =	rddreg [dreg:$0x11];
	s0 =	sshrl.u32 s0, $0x3  }
0x577: {  	s4 =	simm.s32 $0x400;
	s15 =	sadd.s32 $0x1, s15;
	s0 =	sadd.s32 s30, s0  }
0x578: {  	[tilespmem:s4], [sflag:$0x2] =	stream.strided.gather [hbm4b:s0+s2], $0x400, s31, s2, $0x38;
	[tilespmem:$0x10800] =	vst v63  }
.LBB2_9:
0x579: {  	_ =	sfence.sel $0x180000  }
0x57a: {  	[bflag:$0x0] =	sbarrier.arrive $0xFFFF  }
0x57b: {  	_ =	strace $0x90000047  }
0x57c: {  	s0 =	stileid.u32;
	[bflag:$0x2] =	sbarrier.arrive $0xFFFF  }
0x57d: {  	p0 =	sne.s32 s0, $0x0;
	s0 =	rddreg [dreg:$0x2]  }
0x57e: {  	s0 =	sadd.s32 @!p0 $0x100000, s0  }
0x57f: {  	[sflag:s0] =	ssyncadd.tile.s32 @!p0 $0x1;
	_ =	shalt  }
.Lfunc_end2:
_tile_overlayer_lowered:
.L_overlay_start_2:
0x580: {  	(tag) =	ssettag $0x2  }
0x581: {  	s0 =	rddreg [dreg:$0x0];
	s2 =	stileid.u32  }
0x582: {  	s1 =	rddreg [dreg:$0x1];
	p0 =	sne.s32 s2, $0x0  }
0x583: {  	s3 =	rddreg [dreg:$0x2];
	[bflag:$0x3] =	sbarrier.arrive $0xFFFF;
	s2 =	simm.s32 @!p0 $0x1C07  }
0x584: {  	[timem:s3], [sflag:s2] =	dma.local @!p0 [hbm:s0], s1  }
0x585: {  	s0 =	simm.s32 @!p0 $0x7  }
0x586: {  	_ =	swait.ge @!p0 [sflag:s0], s1  }
0x587: {  	s1 =	ssub.s32 @!p0 $0x0, s1;
	[sflag:s0] =	ssyncset.done @!p0 $0x0  }
0x588: {  	[sflag:s0] =	ssyncadd.s32 @!p0 s1  }
0x589: {  	[bflag:$0x3] =	sbarrier.arrive $0xFFFF  }
0x58a: {  	_ =	shalt  }

</sc_bundles>
